<compile_context>
chip_gen: v7x
topology: tpu7x:2x2x1
jax: 0.10.2.dev20260603
libtpu: 0.0.44.dev20260713+nightly
codegen_flags: <defaults>
</compile_context>

<pallas_src>
import functools

import jax
import jax.numpy as jnp
from jax import lax
from jax.experimental import pallas as pl
from jax.experimental.pallas import tpu as pltpu
from jax.experimental.pallas import tpu_sc as plsc

N = 10000
E = 320000
D = 128
NC = 2
NS = 16
NW = NC * NS
EPT = E // NW
NP = 10240
SLC = NP // NS
CAP = 10240
K = 256
RB = 400
GR = N // RB


def _edge_kernel(src_hbm, dst_hbm, clu_hbm,
                 deg_hbm, cnt_hbm, acts_hbm, actd_hbm, counts_hbm,
                 clu_v, src_v, dst_v, zbuf, ones_v, didx_s, act_s, act_d,
                 cbuf, idb, cnt_loc, deg_sp, cnt_sp):
    cid = lax.axis_index("c")
    sid = lax.axis_index("s")
    w = sid * NC + cid
    base = w * EPT
    lanes = lax.iota(jnp.int32, 16)
    z16f = jnp.zeros((16,), jnp.float32)

    pltpu.sync_copy(clu_hbm, clu_v)
    pltpu.sync_copy(src_hbm.at[pl.ds(base, EPT)], src_v)
    pltpu.sync_copy(dst_hbm.at[pl.ds(base, EPT)], dst_v)

    one16f = jnp.ones((16,), jnp.float32)
    for j in range(SLC // 16):
        zbuf[pl.ds(j * 16, 16)] = z16f
    for j in range(K // 16):
        ones_v[pl.ds(j * 16, 16)] = one16f
    for j in range(8):
        cnt_loc[pl.ds(j * 16, 16)] = z16f
        idb[pl.ds(j * 16, 16)] = j * 16 + lanes

    pltpu.sync_copy(zbuf, deg_sp.at[pl.ds(sid * SLC, SLC)])

    @pl.when(sid == 0)
    def _():
        pltpu.sync_copy(cnt_loc, cnt_sp)

    plsc.subcore_barrier()

    ones16 = jnp.ones((16,), jnp.float32)

    U = 5

    def body(i, cnt):
        off0 = i * (16 * U)
        for u in range(U):
            off = off0 + u * 16
            s16 = src_v[pl.ds(off, 16)]
            d16 = dst_v[pl.ds(off, 16)]
            cs = plsc.load_gather(clu_v, [s16])
            cd = plsc.load_gather(clu_v, [d16])
            m = cs == cd
            mi = jnp.where(m, 1, 0)
            plsc.store_scatter(cnt_loc, [cs], ones16, mask=m)
            pos = cnt + jnp.cumsum(mi) - 1
            plsc.store_scatter(act_s, [pos], s16, mask=m)
            plsc.store_scatter(act_d, [pos], d16, mask=m)
            cnt = cnt + plsc.all_reduce_population_count(m)
        return cnt

    cntv = lax.fori_loop(0, EPT // (16 * U), body,
                         jnp.zeros((16,), jnp.int32))
    cnt0 = jnp.where(lanes == 0, cntv, 0)
    cbuf[pl.ds(0, 16)] = cnt0
    cnt = jnp.sum(cnt0)
    pltpu.sync_copy(cbuf, counts_hbm.at[w])

    nch = (cnt + K - 1) // K
    limit = nch * K
    trash16 = N + lanes
    for g in range(16):
        idxv = cnt + g * 16 + lanes
        mpad = idxv < limit
        plsc.store_scatter(act_d, [idxv], trash16, mask=mpad)

    pltpu.sync_copy(act_s, acts_hbm.at[pl.ds(w * CAP, CAP)])
    pltpu.sync_copy(act_d, actd_hbm.at[pl.ds(w * CAP, CAP)])

    def dchunk(ch, c):
        for g in range(K // 16):
            didx_s[pl.ds(g * 16, 16)] = act_d[pl.ds(ch * K + g * 16, 16)]
        pltpu.sync_copy(ones_v, deg_sp.at[didx_s], add=True)
        return c
    lax.fori_loop(0, nch, dchunk, 0)

    pltpu.sync_copy(cnt_loc, cnt_sp.at[idb], add=True)

    plsc.subcore_barrier()

    pltpu.sync_copy(deg_sp.at[pl.ds(sid * SLC, SLC)],
                    deg_hbm.at[pl.ds(cid * NP + sid * SLC, SLC)])

    @pl.when(sid == 0)
    def _():
        pltpu.sync_copy(cnt_sp, cnt_hbm.at[pl.ds(cid * 128, 128)])


_edge_call = functools.partial(
    pl.kernel,
    mesh=plsc.VectorSubcoreMesh(core_axis_name="c", subcore_axis_name="s"),
    compiler_params=pltpu.CompilerParams(needs_layout_passes=False),
    out_type=[
        jax.ShapeDtypeStruct((NC * NP,), jnp.float32),
        jax.ShapeDtypeStruct((NC * 128,), jnp.float32),
        jax.ShapeDtypeStruct((NW * CAP,), jnp.int32),
        jax.ShapeDtypeStruct((NW * CAP,), jnp.int32),
        jax.ShapeDtypeStruct((NW, 16), jnp.int32),
    ],
    scratch_types=[
        pltpu.VMEM((N,), jnp.int32),
        pltpu.VMEM((EPT,), jnp.int32),
        pltpu.VMEM((EPT,), jnp.int32),
        pltpu.VMEM((SLC,), jnp.float32),
        pltpu.VMEM((K,), jnp.float32),
        pltpu.VMEM((K,), jnp.int32),
        pltpu.VMEM((CAP,), jnp.int32),
        pltpu.VMEM((CAP,), jnp.int32),
        pltpu.VMEM((16,), jnp.int32),
        pltpu.VMEM((128,), jnp.int32),
        pltpu.VMEM((128,), jnp.float32),
        pltpu.VMEM_SHARED((NP,), jnp.float32),
        pltpu.VMEM_SHARED((128,), jnp.float32),
    ],
)(_edge_kernel)


def _gather_scatter_kernel(y_hbm, acts_hbm, actd_hbm, counts_hbm,
                           acc_hbm, sidx, didx, rows, cbuf, acc_sp, sem):
    cid = lax.axis_index("c")
    sid = lax.axis_index("s")
    w = sid * NC + cid
    lanes = lax.iota(jnp.int32, 16)
    z16f = jnp.zeros((16,), jnp.float32)

    def zrow(r, c):
        for j in range(D // 16):
            rows[r, pl.ds(j * 16, 16)] = z16f
        return c
    lax.fori_loop(0, K, zrow, 0)
    base_r = sid * SLC
    pltpu.sync_copy(rows, acc_sp.at[pl.ds(base_r, K)])
    pltpu.sync_copy(rows, acc_sp.at[pl.ds(base_r + K, K)])
    pltpu.sync_copy(rows.at[pl.ds(0, SLC - 2 * K)],
                    acc_sp.at[pl.ds(base_r + 2 * K, SLC - 2 * K)])
    plsc.subcore_barrier()

    jj16 = lanes
    pltpu.sync_copy(counts_hbm.at[w], cbuf)
    n = jnp.sum(cbuf[pl.ds(0, 16)])
    nch = (n + K - 1) // K


    def chunk(ch, c):
        off = ch * K
        pltpu.sync_copy(acts_hbm.at[pl.ds(w * CAP + off, K)], sidx)
        pltpu.sync_copy(actd_hbm.at[pl.ds(w * CAP + off, K)], didx)
        pad_s = (w * 311 + off) % (N - K) + jj16
        pad_d = N + (w * 71 + off + jj16) % (NP - N)
        for j in range(K // 16):
            gp = off + j * 16 + lanes
            valid = gp < n
            s16 = sidx[pl.ds(j * 16, 16)]
            d16 = didx[pl.ds(j * 16, 16)]
            sidx[pl.ds(j * 16, 16)] = jnp.where(valid, s16, pad_s + j * 16)
            didx[pl.ds(j * 16, 16)] = jnp.where(valid, d16, pad_d)
        pltpu.async_copy(y_hbm.at[sidx], rows, sem).wait()
        pltpu.sync_copy(rows, acc_sp.at[didx], add=True)
        return c

    lax.fori_loop(0, nch, chunk, 0)
    plsc.subcore_barrier()

    pltpu.sync_copy(acc_sp.at[pl.ds(base_r, SLC)],
                    acc_hbm.at[pl.ds(cid * NP + base_r, SLC)])


_gather_scatter_call = functools.partial(
    pl.kernel,
    mesh=plsc.VectorSubcoreMesh(core_axis_name="c", subcore_axis_name="s"),
    compiler_params=pltpu.CompilerParams(needs_layout_passes=False),
    out_type=[jax.ShapeDtypeStruct((NC * NP, D), jnp.float32)],
    scratch_types=[
        pltpu.VMEM((K,), jnp.int32),
        pltpu.VMEM((K,), jnp.int32),
        pltpu.VMEM((K, D), jnp.float32),
        pltpu.VMEM((16,), jnp.int32),
        pltpu.VMEM_SHARED((NP, D), jnp.float32),
        pltpu.SemaphoreType.DMA,
    ],
)(_gather_scatter_kernel)


def _mm1_kernel(x_ref, w_ref, xw_ref):
    xw_ref[...] = jnp.dot(x_ref[...], w_ref[...],
                          preferred_element_type=jnp.float32)


def _mm1_call(x, w):
    return pl.pallas_call(
        _mm1_kernel,
        grid=(GR,),
        in_specs=[
            pl.BlockSpec((RB, D), lambda i: (i, 0)),
            pl.BlockSpec((D, D), lambda i: (0, 0)),
        ],
        out_specs=pl.BlockSpec((RB, D), lambda i: (i, 0)),
        out_shape=jax.ShapeDtypeStruct((N, D), jnp.float32),
    )(x, w)


def _mm2_kernel(xw_ref, degp_ref, cntp_ref, y_ref, dinv_ref, cnt_ref):
    deg = degp_ref[0] + degp_ref[1] + 1.0
    dinv = lax.rsqrt(deg)
    y_ref[...] = dinv * xw_ref[...]
    dinv_ref[...] = dinv
    cnt_ref[...] = cntp_ref[0:1] + cntp_ref[1:2]


def _mm2_call(xw, degp, cntp):
    return pl.pallas_call(
        _mm2_kernel,
        grid=(GR,),
        in_specs=[
            pl.BlockSpec((RB, D), lambda i: (i, 0)),
            pl.BlockSpec((NC, RB, 1), lambda i: (0, i, 0)),
            pl.BlockSpec((NC, 128), lambda i: (0, 0)),
        ],
        out_specs=[
            pl.BlockSpec((RB, D), lambda i: (i, 0)),
            pl.BlockSpec((RB, 1), lambda i: (i, 0)),
            pl.BlockSpec((1, 128), lambda i: (0, 0)),
        ],
        out_shape=[
            jax.ShapeDtypeStruct((N, D), jnp.float32),
            jax.ShapeDtypeStruct((N, 1), jnp.float32),
            jax.ShapeDtypeStruct((1, 128), jnp.float32),
        ],
    )(xw, degp, cntp)


def _comb_kernel(a0_ref, a1_ref, y_ref, dinv_ref, clu_ref, cnt_ref,
                 x_ref, b_ref, out_ref):
    acc = a0_ref[...] + a1_ref[...] + y_ref[...]
    o = dinv_ref[...] * acc + b_ref[...]
    colid = lax.broadcasted_iota(jnp.int32, (RB, 128), 1)
    hit = jnp.logical_and(clu_ref[...] == colid, cnt_ref[...] > 0.0)
    upd = jnp.any(hit, axis=1, keepdims=True)
    out_ref[...] = jnp.where(upd, o, x_ref[...])


def _comb_call(a0, a1, y, dinv, clu, cnt, x, b):
    rb_spec = pl.BlockSpec((RB, D), lambda i: (i, 0))
    return pl.pallas_call(
        _comb_kernel,
        grid=(GR,),
        in_specs=[
            rb_spec, rb_spec, rb_spec,
            pl.BlockSpec((RB, 1), lambda i: (i, 0)),
            pl.BlockSpec((RB, 1), lambda i: (i, 0)),
            pl.BlockSpec((1, 128), lambda i: (0, 0)),
            rb_spec,
            pl.BlockSpec((1, 128), lambda i: (0, 0)),
        ],
        out_specs=rb_spec,
        out_shape=jax.ShapeDtypeStruct((N, D), jnp.float32),
    )(a0, a1, y, dinv, clu, cnt, x, b)


def kernel(X, edge_index, cluster_assignment, full_edge_attr, W, b):
    del full_edge_attr
    src = edge_index[0]
    dst = edge_index[1]
    xw = _mm1_call(X, W)
    deg_p, cnt_p, acts, actd, counts = _edge_call(src, dst,
                                                  cluster_assignment)
    y, dinv, cnt_tot = _mm2_call(xw,
                                 deg_p.reshape(NC, NP, 1),
                                 cnt_p.reshape(NC, 128))
    (acc,) = _gather_scatter_call(y, acts, actd, counts)
    a0 = acc[:N]
    a1 = acc[NP:NP + N]
    return _comb_call(a0, a1, y, dinv,
                      cluster_assignment.reshape(N, 1).astype(jnp.int32),
                      cnt_tot, X, b.reshape(1, 128))

# --- scband reference (transcript-rebuilt; emitter-appended) ---
"""Pipeline reference for scband-cluster-gcnlayer-3925600109367 (READ-ONLY COPY).

The authoritative reference and input builder live on the scoring server;
editing this copy changes nothing except your own understanding.
"""

import jax, jax.numpy as jnp
import numpy as np


def setup_inputs(seed: int = 0) -> dict:
    key = jax.random.key(seed)
    N, E, D_IN, D_OUT, C, D_EDGE = 10000, 320000, 128, 128, 50, 4
    k1, k2, k3, k4, k5 = jax.random.split(key, 5)
    X = jax.random.normal(k1, (N, D_IN), dtype=jnp.float32)
    edge_index = jax.random.randint(k2, (2, E), 0, N, dtype=jnp.int32)
    cluster_assignment = jax.random.randint(k3, (N,), 0, C, dtype=jnp.int32)
    full_edge_attr = jax.random.normal(k4, (E, D_EDGE), dtype=jnp.float32)
    kw, kb = jax.random.split(k5)
    W = jax.random.normal(kw, (D_IN, D_OUT), dtype=jnp.float32) * (1.0 / np.sqrt(D_IN))
    b = jnp.zeros((D_OUT,), dtype=jnp.float32)
    return {"X": X, "edge_index": edge_index, "cluster_assignment": cluster_assignment,
            "full_edge_attr": full_edge_attr, "W": W, "b": b}


def reference(X, edge_index, cluster_assignment, full_edge_attr, W, b):
    # Cluster-GCN layer: GCNConv applied independently within each cluster.
    # Equivalent vectorized form: keep only intra-cluster edges (weight 1, else 0),
    # run a single GCNConv (symmetric norm, self-loops) over the whole graph,
    # and leave nodes untouched whose cluster has zero internal edges
    # (the torch loop `continue`s those clusters).
    N = X.shape[0]
    src = edge_index[0]
    dst = edge_index[1]
    # intra-cluster edge mask: mask[src] & mask[dst] over all clusters c
    w = (cluster_assignment[src] == cluster_assignment[dst]).astype(jnp.float32)
    # GCN degree with self-loop (PyG gcn_norm: deg = scatter(edge_weight, col) + 1)
    deg = jnp.zeros((N,), jnp.float32).at[dst].add(w) + 1.0
    dinv = jax.lax.rsqrt(deg)
    XW = X @ W
    norm = dinv[src] * w * dinv[dst]
    agg = jnp.zeros((N, XW.shape[1]), jnp.float32).at[dst].add(norm[:, None] * XW[src])
    # self-loop contribution: norm_ii = dinv[i]^2 = 1/deg[i]
    out = agg + (1.0 / deg)[:, None] * XW + b
    # clusters with zero internal edges are skipped -> those nodes keep X
    cluster_cnt = jnp.bincount(cluster_assignment[src], weights=w, length=N)
    updated = cluster_cnt[cluster_assignment] > 0
    return jnp.where(updated[:, None], out, X)

if __name__ == "__main__":
    import jax
    _d = setup_inputs()
    print(jax.jit(kernel)(*tuple(_d.values())))

</pallas_src>

<mosaic_0001>
#map = affine_map<(d0, d1) -> (0, 0)>
#map1 = affine_map<(d0, d1) -> (0)>
module attributes {stable_mosaic.version = 14 : i64} {
  func.func @_gather_scatter_kernel(%arg0: i32, %arg1: i32, %arg2: memref<10000x128xf32, #tpu.memory_space<hbm>>, %arg3: memref<327680xi32, #tpu.memory_space<hbm>>, %arg4: memref<327680xi32, #tpu.memory_space<hbm>>, %arg5: memref<32x16xi32, #tpu.memory_space<hbm>>, %arg6: memref<20480x128xf32, #tpu.memory_space<hbm>>, %arg7: memref<256xi32, #tpu.memory_space<vmem>>, %arg8: memref<256xi32, #tpu.memory_space<vmem>>, %arg9: memref<256x128xf32, #tpu.memory_space<vmem>>, %arg10: memref<16xi32, #tpu.memory_space<vmem>>, %arg11: memref<10240x128xf32, #tpu.memory_space<vmem_shared>>, %arg12: memref<!tpu.dma_semaphore, #tpu.memory_space<semaphore_mem>>) attributes {dimension_semantics = [#tpu.dimension_semantics<core_parallel>, #tpu.dimension_semantics<subcore_parallel>], iteration_bounds = array<i64: 2, 16>, scalar_prefetch = 0 : i64, scratch_operands = 6 : i64, tpu.core_type = #tpu.core_type<sc_vector_subcore>, window_params = [{transform_indices = #map}, {transform_indices = #map1}, {transform_indices = #map1}, {transform_indices = #map}, {transform_indices = #map}]} {
    %mul3A = arith.constant 2 : i32
    %mul3A_0 = arith.muli %arg1, %mul3A : i32
    %add3A = arith.addi %mul3A_0, %arg0 : i32
    %iota3A = tpu.iota {dimensions = array<i32: 0>} : vector<16xi32>
    %broadcast_in_dim3A = arith.constant 0.000000e+00 : f32
    %broadcast_in_dim3A_1 = vector.broadcast %broadcast_in_dim3A : f32 to vector<16xf32>
    %scan3A = arith.constant 0 : i32
    %scan3A_2 = arith.constant 0 : i32
    %scan3A_3 = arith.constant 256 : i32
    %scan3A_4 = arith.addi %scan3A_2, %scan3A_3 : i32
    %scan3A_5 = arith.constant 1 : i32
    scf.for %scan3A_50 = %scan3A_2 to %scan3A_4 step %scan3A_5  : i32 {
      %swap3A = arith.index_cast %scan3A_50 : i32 to index
      %swap3A_51 = arith.constant 0 : index
      %swap3A_52 = tpu.vector_load %arg9[%swap3A, %swap3A_51] {strides = array<i32>} : memref<256x128xf32, #tpu.memory_space<vmem>>, vector<16xf32>,
      tpu.vector_store %arg9[%swap3A, %swap3A_51], %broadcast_in_dim3A_1 {strides = array<i32>} : memref<256x128xf32, #tpu.memory_space<vmem>>, vector<16xf32>,
      %swap3A_53 = arith.index_cast %scan3A_50 : i32 to index
      %swap3A_54 = arith.constant 16 : index
      %swap3A_55 = tpu.vector_load %arg9[%swap3A_53, %swap3A_54] {strides = array<i32>} : memref<256x128xf32, #tpu.memory_space<vmem>>, vector<16xf32>,
      tpu.vector_store %arg9[%swap3A_53, %swap3A_54], %broadcast_in_dim3A_1 {strides = array<i32>} : memref<256x128xf32, #tpu.memory_space<vmem>>, vector<16xf32>,
      %swap3A_56 = arith.index_cast %scan3A_50 : i32 to index
      %swap3A_57 = arith.constant 32 : index
      %swap3A_58 = tpu.vector_load %arg9[%swap3A_56, %swap3A_57] {strides = array<i32>} : memref<256x128xf32, #tpu.memory_space<vmem>>, vector<16xf32>,
      tpu.vector_store %arg9[%swap3A_56, %swap3A_57], %broadcast_in_dim3A_1 {strides = array<i32>} : memref<256x128xf32, #tpu.memory_space<vmem>>, vector<16xf32>,
      %swap3A_59 = arith.index_cast %scan3A_50 : i32 to index
      %swap3A_60 = arith.constant 48 : index
      %swap3A_61 = tpu.vector_load %arg9[%swap3A_59, %swap3A_60] {strides = array<i32>} : memref<256x128xf32, #tpu.memory_space<vmem>>, vector<16xf32>,
      tpu.vector_store %arg9[%swap3A_59, %swap3A_60], %broadcast_in_dim3A_1 {strides = array<i32>} : memref<256x128xf32, #tpu.memory_space<vmem>>, vector<16xf32>,
      %swap3A_62 = arith.index_cast %scan3A_50 : i32 to index
      %swap3A_63 = arith.constant 64 : index
      %swap3A_64 = tpu.vector_load %arg9[%swap3A_62, %swap3A_63] {strides = array<i32>} : memref<256x128xf32, #tpu.memory_space<vmem>>, vector<16xf32>,
      tpu.vector_store %arg9[%swap3A_62, %swap3A_63], %broadcast_in_dim3A_1 {strides = array<i32>} : memref<256x128xf32, #tpu.memory_space<vmem>>, vector<16xf32>,
      %swap3A_65 = arith.index_cast %scan3A_50 : i32 to index
      %swap3A_66 = arith.constant 80 : index
      %swap3A_67 = tpu.vector_load %arg9[%swap3A_65, %swap3A_66] {strides = array<i32>} : memref<256x128xf32, #tpu.memory_space<vmem>>, vector<16xf32>,
      tpu.vector_store %arg9[%swap3A_65, %swap3A_66], %broadcast_in_dim3A_1 {strides = array<i32>} : memref<256x128xf32, #tpu.memory_space<vmem>>, vector<16xf32>,
      %swap3A_68 = arith.index_cast %scan3A_50 : i32 to index
      %swap3A_69 = arith.constant 96 : index
      %swap3A_70 = tpu.vector_load %arg9[%swap3A_68, %swap3A_69] {strides = array<i32>} : memref<256x128xf32, #tpu.memory_space<vmem>>, vector<16xf32>,
      tpu.vector_store %arg9[%swap3A_68, %swap3A_69], %broadcast_in_dim3A_1 {strides = array<i32>} : memref<256x128xf32, #tpu.memory_space<vmem>>, vector<16xf32>,
      %swap3A_71 = arith.index_cast %scan3A_50 : i32 to index
      %swap3A_72 = arith.constant 112 : index
      %swap3A_73 = tpu.vector_load %arg9[%swap3A_71, %swap3A_72] {strides = array<i32>} : memref<256x128xf32, #tpu.memory_space<vmem>>, vector<16xf32>,
      tpu.vector_store %arg9[%swap3A_71, %swap3A_72], %broadcast_in_dim3A_1 {strides = array<i32>} : memref<256x128xf32, #tpu.memory_space<vmem>>, vector<16xf32>,
    }
    %scan3A_6 = arith.constant 256 : i32
    %mul3A_7 = arith.constant 640 : i32
    %mul3A_8 = arith.muli %arg1, %mul3A_7 : i32
    "tpu.region"() ({
      %run_scoped3A = tpu.sem_alloc : memref<!tpu.dma_semaphore, #tpu.memory_space<semaphore_mem>>
      %dma_start3A = arith.constant 0 : i32
      %dma_start3A_50 = tpu.memref_slice %arg11[%mul3A_8, %dma_start3A] : memref<10240x128xf32, #tpu.memory_space<vmem_shared>> -> memref<256x128xf32, #tpu.memory_space<vmem_shared>>
      %dma_start3A_51 = arith.constant 0 : i32
      %dma_start3A_52 = tpu.memref_slice %arg11[%mul3A_8, %dma_start3A_51] : memref<10240x128xf32, #tpu.memory_space<vmem_shared>> -> memref<256x128xf32, #tpu.memory_space<vmem_shared>>
      tpu.enqueue_dma source(%arg9 : memref<256x128xf32, #tpu.memory_space<vmem>>) target(%dma_start3A_52 : memref<256x128xf32, #tpu.memory_space<vmem_shared>>) target_semaphore(%run_scoped3A : memref<!tpu.dma_semaphore, #tpu.memory_space<semaphore_mem>>)
      %dma_wait3A = arith.constant 0 : i32
      %dma_wait3A_53 = tpu.memref_slice %arg11[%mul3A_8, %dma_wait3A] : memref<10240x128xf32, #tpu.memory_space<vmem_shared>> -> memref<256x128xf32, #tpu.memory_space<vmem_shared>>
      %dma_wait3A_54 = arith.constant 0 : i32
      %dma_wait3A_55 = tpu.memref_slice %arg11[%mul3A_8, %dma_wait3A_54] : memref<10240x128xf32, #tpu.memory_space<vmem_shared>> -> memref<256x128xf32, #tpu.memory_space<vmem_shared>>
      tpu.wait_dma2 semaphore(%run_scoped3A : memref<!tpu.dma_semaphore, #tpu.memory_space<semaphore_mem>>) src(%arg9 : memref<256x128xf32, #tpu.memory_space<vmem>>) dst(%dma_wait3A_55 : memref<256x128xf32, #tpu.memory_space<vmem_shared>>)
      tpu.yield
    }) : () -> ()
    %add3A_9 = arith.constant 256 : i32
    %add3A_10 = arith.addi %mul3A_8, %add3A_9 : i32
    "tpu.region"() ({
      %run_scoped3A = tpu.sem_alloc : memref<!tpu.dma_semaphore, #tpu.memory_space<semaphore_mem>>
      %dma_start3A = arith.constant 0 : i32
      %dma_start3A_50 = tpu.memref_slice %arg11[%add3A_10, %dma_start3A] : memref<10240x128xf32, #tpu.memory_space<vmem_shared>> -> memref<256x128xf32, #tpu.memory_space<vmem_shared>>
      %dma_start3A_51 = arith.constant 0 : i32
      %dma_start3A_52 = tpu.memref_slice %arg11[%add3A_10, %dma_start3A_51] : memref<10240x128xf32, #tpu.memory_space<vmem_shared>> -> memref<256x128xf32, #tpu.memory_space<vmem_shared>>
      tpu.enqueue_dma source(%arg9 : memref<256x128xf32, #tpu.memory_space<vmem>>) target(%dma_start3A_52 : memref<256x128xf32, #tpu.memory_space<vmem_shared>>) target_semaphore(%run_scoped3A : memref<!tpu.dma_semaphore, #tpu.memory_space<semaphore_mem>>)
      %dma_wait3A = arith.constant 0 : i32
      %dma_wait3A_53 = tpu.memref_slice %arg11[%add3A_10, %dma_wait3A] : memref<10240x128xf32, #tpu.memory_space<vmem_shared>> -> memref<256x128xf32, #tpu.memory_space<vmem_shared>>
      %dma_wait3A_54 = arith.constant 0 : i32
      %dma_wait3A_55 = tpu.memref_slice %arg11[%add3A_10, %dma_wait3A_54] : memref<10240x128xf32, #tpu.memory_space<vmem_shared>> -> memref<256x128xf32, #tpu.memory_space<vmem_shared>>
      tpu.wait_dma2 semaphore(%run_scoped3A : memref<!tpu.dma_semaphore, #tpu.memory_space<semaphore_mem>>) src(%arg9 : memref<256x128xf32, #tpu.memory_space<vmem>>) dst(%dma_wait3A_55 : memref<256x128xf32, #tpu.memory_space<vmem_shared>>)
      tpu.yield
    }) : () -> ()
    %add3A_11 = arith.constant 512 : i32
    %add3A_12 = arith.addi %mul3A_8, %add3A_11 : i32
    "tpu.region"() ({
      %run_scoped3A = tpu.sem_alloc : memref<!tpu.dma_semaphore, #tpu.memory_space<semaphore_mem>>
      %dma_start3A = arith.constant 0 : i32
      %dma_start3A_50 = arith.constant 0 : i32
      %dma_start3A_51 = tpu.memref_slice %arg9[%dma_start3A, %dma_start3A_50] : memref<256x128xf32, #tpu.memory_space<vmem>> -> memref<128x128xf32, #tpu.memory_space<vmem>>
      %dma_start3A_52 = arith.constant 0 : i32
      %dma_start3A_53 = tpu.memref_slice %arg11[%add3A_12, %dma_start3A_52] : memref<10240x128xf32, #tpu.memory_space<vmem_shared>> -> memref<128x128xf32, #tpu.memory_space<vmem_shared>>
      %dma_start3A_54 = arith.constant 0 : i32
      %dma_start3A_55 = tpu.memref_slice %arg11[%add3A_12, %dma_start3A_54] : memref<10240x128xf32, #tpu.memory_space<vmem_shared>> -> memref<128x128xf32, #tpu.memory_space<vmem_shared>>
      %dma_start3A_56 = arith.constant 0 : i32
      %dma_start3A_57 = arith.constant 0 : i32
      %dma_start3A_58 = tpu.memref_slice %arg9[%dma_start3A_56, %dma_start3A_57] : memref<256x128xf32, #tpu.memory_space<vmem>> -> memref<128x128xf32, #tpu.memory_space<vmem>>
      tpu.enqueue_dma source(%dma_start3A_58 : memref<128x128xf32, #tpu.memory_space<vmem>>) target(%dma_start3A_55 : memref<128x128xf32, #tpu.memory_space<vmem_shared>>) target_semaphore(%run_scoped3A : memref<!tpu.dma_semaphore, #tpu.memory_space<semaphore_mem>>)
      %dma_wait3A = arith.constant 0 : i32
      %dma_wait3A_59 = arith.constant 0 : i32
      %dma_wait3A_60 = tpu.memref_slice %arg9[%dma_wait3A, %dma_wait3A_59] : memref<256x128xf32, #tpu.memory_space<vmem>> -> memref<128x128xf32, #tpu.memory_space<vmem>>
      %dma_wait3A_61 = arith.constant 0 : i32
      %dma_wait3A_62 = tpu.memref_slice %arg11[%add3A_12, %dma_wait3A_61] : memref<10240x128xf32, #tpu.memory_space<vmem_shared>> -> memref<128x128xf32, #tpu.memory_space<vmem_shared>>
      %dma_wait3A_63 = arith.constant 0 : i32
      %dma_wait3A_64 = tpu.memref_slice %arg11[%add3A_12, %dma_wait3A_63] : memref<10240x128xf32, #tpu.memory_space<vmem_shared>> -> memref<128x128xf32, #tpu.memory_space<vmem_shared>>
      %dma_wait3A_65 = arith.constant 0 : i32
      %dma_wait3A_66 = arith.constant 0 : i32
      %dma_wait3A_67 = tpu.memref_slice %arg9[%dma_wait3A_65, %dma_wait3A_66] : memref<256x128xf32, #tpu.memory_space<vmem>> -> memref<128x128xf32, #tpu.memory_space<vmem>>
      tpu.wait_dma2 semaphore(%run_scoped3A : memref<!tpu.dma_semaphore, #tpu.memory_space<semaphore_mem>>) src(%dma_wait3A_67 : memref<128x128xf32, #tpu.memory_space<vmem>>) dst(%dma_wait3A_64 : memref<128x128xf32, #tpu.memory_space<vmem_shared>>)
      tpu.yield
    }) : () -> ()
    %barrier3A = arith.constant 0 : index
    tpu.barrier barrier_id(%barrier3A)
    "tpu.region"() ({
      %run_scoped3A = tpu.sem_alloc : memref<!tpu.dma_semaphore, #tpu.memory_space<semaphore_mem>>
      %dma_start3A = arith.constant 0 : i32
      %dma_start3A_50 = tpu.memref_slice %arg5[%add3A, %dma_start3A] : memref<32x16xi32, #tpu.memory_space<hbm>> -> memref<1x16xi32, #tpu.memory_space<hbm>>
      %dma_start3A_51 = tpu.memref_squeeze %dma_start3A_50 : memref<1x16xi32, #tpu.memory_space<hbm>> -> memref<16xi32, #tpu.memory_space<hbm>>
      %dma_start3A_52 = arith.constant 0 : i32
      %dma_start3A_53 = tpu.memref_slice %arg5[%add3A, %dma_start3A_52] : memref<32x16xi32, #tpu.memory_space<hbm>> -> memref<1x16xi32, #tpu.memory_space<hbm>>
      %dma_start3A_54 = tpu.memref_squeeze %dma_start3A_53 : memref<1x16xi32, #tpu.memory_space<hbm>> -> memref<16xi32, #tpu.memory_space<hbm>>
      tpu.enqueue_dma source(%dma_start3A_54 : memref<16xi32, #tpu.memory_space<hbm>>) target(%arg10 : memref<16xi32, #tpu.memory_space<vmem>>) target_semaphore(%run_scoped3A : memref<!tpu.dma_semaphore, #tpu.memory_space<semaphore_mem>>)
      %dma_wait3A = arith.constant 0 : i32
      %dma_wait3A_55 = tpu.memref_slice %arg5[%add3A, %dma_wait3A] : memref<32x16xi32, #tpu.memory_space<hbm>> -> memref<1x16xi32, #tpu.memory_space<hbm>>
      %dma_wait3A_56 = tpu.memref_squeeze %dma_wait3A_55 : memref<1x16xi32, #tpu.memory_space<hbm>> -> memref<16xi32, #tpu.memory_space<hbm>>
      %dma_wait3A_57 = arith.constant 0 : i32
      %dma_wait3A_58 = tpu.memref_slice %arg5[%add3A, %dma_wait3A_57] : memref<32x16xi32, #tpu.memory_space<hbm>> -> memref<1x16xi32, #tpu.memory_space<hbm>>
      %dma_wait3A_59 = tpu.memref_squeeze %dma_wait3A_58 : memref<1x16xi32, #tpu.memory_space<hbm>> -> memref<16xi32, #tpu.memory_space<hbm>>
      tpu.wait_dma2 semaphore(%run_scoped3A : memref<!tpu.dma_semaphore, #tpu.memory_space<semaphore_mem>>) src(%dma_wait3A_59 : memref<16xi32, #tpu.memory_space<hbm>>) dst(%arg10 : memref<16xi32, #tpu.memory_space<vmem>>)
      tpu.yield
    }) : () -> ()
    %get3A = arith.constant 0 : index
    %get3A_13 = tpu.vector_load %arg10[%get3A] {strides = array<i32>} : memref<16xi32, #tpu.memory_space<vmem>>, vector<16xi32>,
    %reduce_sum3A = arith.constant true
    %reduce_sum3A_14 = vector.broadcast %reduce_sum3A : i1 to vector<16xi1>
    %reduce_sum3A_15 = tpu.scan <sum>, %get3A_13 masked %reduce_sum3A_14 : vector<16xi32>, vector<16xi1> -> vector<16xi32>
    %reduce_sum3A_16 = vector.extract %reduce_sum3A_15[15] : i32 from vector<16xi32>
    %add3A_17 = arith.constant 256 : i32
    %add3A_18 = arith.addi %reduce_sum3A_16, %add3A_17 : i32
    %sub3A = arith.constant 1 : i32
    %sub3A_19 = arith.subi %add3A_18, %sub3A : i32
    %jit3A = arith.constant 256 : i32
    %div3A = arith.divsi %sub3A_19, %jit3A : i32
    %sign3A = arith.constant 0 : i32
    %sign3A_20 = arith.cmpi sgt, %sub3A_19, %sign3A : i32
    %sign3A_21 = arith.extui %sign3A_20 : i1 to i32
    %sign3A_22 = arith.constant 0 : i32
    %sign3A_23 = arith.cmpi slt, %sub3A_19, %sign3A_22 : i32
    %sign3A_24 = arith.extui %sign3A_23 : i1 to i32
    %sign3A_25 = arith.subi %sign3A_21, %sign3A_24 : i32
    %sign3A_26 = arith.constant 0 : i32
    %sign3A_27 = arith.cmpi sgt, %jit3A, %sign3A_26 : i32
    %sign3A_28 = arith.extui %sign3A_27 : i1 to i32
    %sign3A_29 = arith.constant 0 : i32
    %sign3A_30 = arith.cmpi slt, %jit3A, %sign3A_29 : i32
    %sign3A_31 = arith.extui %sign3A_30 : i1 to i32
    %sign3A_32 = arith.subi %sign3A_28, %sign3A_31 : i32
    %ne3A = arith.cmpi ne, %sign3A_25, %sign3A_32 : i32
    %rem3A = arith.remsi %sub3A_19, %jit3A : i32
    %ne3A_33 = arith.constant 0 : i32
    %ne3A_34 = arith.cmpi ne, %rem3A, %ne3A_33 : i32
    %and3A = arith.andi %ne3A, %ne3A_34 : i1
    %sub3A_35 = arith.constant 1 : i32
    %sub3A_36 = arith.subi %div3A, %sub3A_35 : i32
    %select_n3A = arith.select %and3A, %sub3A_36, %div3A : i32
    %while3A = arith.constant 0 : i32
    %while3A_37 = arith.constant 0 : i32
    %while3A_38 = arith.subi %select_n3A, %while3A_37 : i32
    %while3A_39 = arith.addi %while3A_37, %while3A_38 : i32
    %while3A_40 = arith.constant 1 : i32
    %while3A_41 = arith.divsi %while3A_38, %while3A_40 : i32
    %while3A_42 = arith.muli %while3A_41, %while3A_40 : i32
    %while3A_43 = arith.addi %while3A_37, %while3A_42 : i32
    %while3A_44 = arith.constant 1 : i32
    scf.for %while3A_50 = %while3A_37 to %while3A_43 step %while3A_44  : i32 {
      %mul3A_51 = arith.constant 256 : i32
      %mul3A_52 = arith.muli %while3A_50, %mul3A_51 : i32
      %mul3A_53 = arith.constant 10240 : i32
      %mul3A_54 = arith.muli %add3A, %mul3A_53 : i32
      %add3A_55 = arith.addi %mul3A_54, %mul3A_52 : i32
      "tpu.region"() ({
        %run_scoped3A = tpu.sem_alloc : memref<!tpu.dma_semaphore, #tpu.memory_space<semaphore_mem>>
        %dma_start3A_415 = tpu.memref_slice %arg3[%add3A_55] : memref<327680xi32, #tpu.memory_space<hbm>> -> memref<256xi32, #tpu.memory_space<hbm>>
        %dma_start3A_416 = tpu.memref_slice %arg3[%add3A_55] : memref<327680xi32, #tpu.memory_space<hbm>> -> memref<256xi32, #tpu.memory_space<hbm>>
        tpu.enqueue_dma source(%dma_start3A_416 : memref<256xi32, #tpu.memory_space<hbm>>) target(%arg7 : memref<256xi32, #tpu.memory_space<vmem>>) target_semaphore(%run_scoped3A : memref<!tpu.dma_semaphore, #tpu.memory_space<semaphore_mem>>)
        %dma_wait3A_417 = tpu.memref_slice %arg3[%add3A_55] : memref<327680xi32, #tpu.memory_space<hbm>> -> memref<256xi32, #tpu.memory_space<hbm>>
        %dma_wait3A_418 = tpu.memref_slice %arg3[%add3A_55] : memref<327680xi32, #tpu.memory_space<hbm>> -> memref<256xi32, #tpu.memory_space<hbm>>
        tpu.wait_dma2 semaphore(%run_scoped3A : memref<!tpu.dma_semaphore, #tpu.memory_space<semaphore_mem>>) src(%dma_wait3A_418 : memref<256xi32, #tpu.memory_space<hbm>>) dst(%arg7 : memref<256xi32, #tpu.memory_space<vmem>>)
        tpu.yield
      }) : () -> ()
      %mul3A_56 = arith.constant 10240 : i32
      %mul3A_57 = arith.muli %add3A, %mul3A_56 : i32
      %add3A_58 = arith.addi %mul3A_57, %mul3A_52 : i32
      "tpu.region"() ({
        %run_scoped3A = tpu.sem_alloc : memref<!tpu.dma_semaphore, #tpu.memory_space<semaphore_mem>>
        %dma_start3A_415 = tpu.memref_slice %arg4[%add3A_58] : memref<327680xi32, #tpu.memory_space<hbm>> -> memref<256xi32, #tpu.memory_space<hbm>>
        %dma_start3A_416 = tpu.memref_slice %arg4[%add3A_58] : memref<327680xi32, #tpu.memory_space<hbm>> -> memref<256xi32, #tpu.memory_space<hbm>>
        tpu.enqueue_dma source(%dma_start3A_416 : memref<256xi32, #tpu.memory_space<hbm>>) target(%arg8 : memref<256xi32, #tpu.memory_space<vmem>>) target_semaphore(%run_scoped3A : memref<!tpu.dma_semaphore, #tpu.memory_space<semaphore_mem>>)
        %dma_wait3A_417 = tpu.memref_slice %arg4[%add3A_58] : memref<327680xi32, #tpu.memory_space<hbm>> -> memref<256xi32, #tpu.memory_space<hbm>>
        %dma_wait3A_418 = tpu.memref_slice %arg4[%add3A_58] : memref<327680xi32, #tpu.memory_space<hbm>> -> memref<256xi32, #tpu.memory_space<hbm>>
        tpu.wait_dma2 semaphore(%run_scoped3A : memref<!tpu.dma_semaphore, #tpu.memory_space<semaphore_mem>>) src(%dma_wait3A_418 : memref<256xi32, #tpu.memory_space<hbm>>) dst(%arg8 : memref<256xi32, #tpu.memory_space<vmem>>)
        tpu.yield
      }) : () -> ()
      %mul3A_59 = arith.constant 311 : i32
      %mul3A_60 = arith.muli %add3A, %mul3A_59 : i32
      %add3A_61 = arith.addi %mul3A_60, %mul3A_52 : i32
      %jit3A_62 = arith.constant 9744 : i32
      %eq3A = arith.constant 0 : i32
      %eq3A_63 = arith.cmpi eq, %jit3A_62, %eq3A : i32
      %jit3A_64 = arith.constant 1 : i32
      %select_n3A_65 = arith.select %eq3A_63, %jit3A_64, %jit3A_62 : i32
      %rem3A_66 = arith.remsi %add3A_61, %select_n3A_65 : i32
      %ne3A_67 = arith.constant 0 : i32
      %ne3A_68 = arith.cmpi ne, %rem3A_66, %ne3A_67 : i32
      %lt3A = arith.constant 0 : i32
      %lt3A_69 = arith.cmpi slt, %rem3A_66, %lt3A : i32
      %lt3A_70 = arith.constant 0 : i32
      %lt3A_71 = arith.cmpi slt, %select_n3A_65, %lt3A_70 : i32
      %ne3A_72 = arith.xori %lt3A_69, %lt3A_71 : i1
      %and3A_73 = arith.andi %ne3A_72, %ne3A_68 : i1
      %add3A_74 = arith.addi %rem3A_66, %select_n3A_65 : i32
      %select_n3A_75 = arith.select %and3A_73, %add3A_74, %rem3A_66 : i32
      %add3A_76 = vector.broadcast %select_n3A_75 : i32 to vector<16xi32>
      %add3A_77 = arith.addi %add3A_76, %iota3A : vector<16xi32>
      %mul3A_78 = arith.constant 71 : i32
      %mul3A_79 = arith.muli %add3A, %mul3A_78 : i32
      %add3A_80 = arith.addi %mul3A_79, %mul3A_52 : i32
      %add3A_81 = vector.broadcast %add3A_80 : i32 to vector<16xi32>
      %add3A_82 = arith.addi %add3A_81, %iota3A : vector<16xi32>
      %jit3A_83 = arith.constant 240 : i32
      %eq3A_84 = arith.constant 0 : i32
      %eq3A_85 = arith.cmpi eq, %jit3A_83, %eq3A_84 : i32
      %jit3A_86 = arith.constant 1 : i32
      %select_n3A_87 = arith.select %eq3A_85, %jit3A_86, %jit3A_83 : i32
      %rem3A_88 = vector.broadcast %select_n3A_87 : i32 to vector<16xi32>
      %rem3A_89 = arith.remsi %add3A_82, %rem3A_88 : vector<16xi32>
      %ne3A_90 = arith.constant 0 : i32
      %ne3A_91 = vector.broadcast %ne3A_90 : i32 to vector<16xi32>
      %ne3A_92 = arith.cmpi ne, %rem3A_89, %ne3A_91 : vector<16xi32>
      %lt3A_93 = arith.constant 0 : i32
      %lt3A_94 = vector.broadcast %lt3A_93 : i32 to vector<16xi32>
      %lt3A_95 = arith.cmpi slt, %rem3A_89, %lt3A_94 : vector<16xi32>
      %lt3A_96 = arith.constant 0 : i32
      %lt3A_97 = arith.cmpi slt, %select_n3A_87, %lt3A_96 : i32
      %ne3A_98 = vector.broadcast %lt3A_97 : i1 to vector<16xi1>
      %ne3A_99 = vector.broadcast %ne3A_98 : vector<16xi1> to vector<16xi1>
      %ne3A_100 = arith.xori %lt3A_95, %ne3A_99 : vector<16xi1>
      %and3A_101 = arith.andi %ne3A_100, %ne3A_92 : vector<16xi1>
      %add3A_102 = vector.broadcast %select_n3A_87 : i32 to vector<16xi32>
      %add3A_103 = arith.addi %rem3A_89, %add3A_102 : vector<16xi32>
      %select_n3A_104 = arith.select %and3A_101, %add3A_103, %rem3A_89 : vector<16xi1>, vector<16xi32>
      %add3A_105 = arith.constant 10000 : i32
      %add3A_106 = vector.broadcast %add3A_105 : i32 to vector<16xi32>
      %add3A_107 = arith.addi %add3A_106, %select_n3A_104 : vector<16xi32>
      %add3A_108 = arith.constant 0 : i32
      %add3A_109 = arith.addi %mul3A_52, %add3A_108 : i32
      %add3A_110 = vector.broadcast %add3A_109 : i32 to vector<16xi32>
      %add3A_111 = arith.addi %add3A_110, %iota3A : vector<16xi32>
      %lt3A_112 = vector.broadcast %reduce_sum3A_16 : i32 to vector<16xi32>
      %lt3A_113 = arith.cmpi slt, %add3A_111, %lt3A_112 : vector<16xi32>
      %get3A_114 = arith.constant 0 : index
      %get3A_115 = tpu.vector_load %arg7[%get3A_114] {strides = array<i32>} : memref<256xi32, #tpu.memory_space<vmem>>, vector<16xi32>,
      %get3A_116 = arith.constant 0 : index
      %get3A_117 = tpu.vector_load %arg8[%get3A_116] {strides = array<i32>} : memref<256xi32, #tpu.memory_space<vmem>>, vector<16xi32>,
      %add3A_118 = arith.constant 0 : i32
      %add3A_119 = vector.broadcast %add3A_118 : i32 to vector<16xi32>
      %add3A_120 = arith.addi %add3A_77, %add3A_119 : vector<16xi32>
      %select_n3A_121 = arith.select %lt3A_113, %get3A_115, %add3A_120 : vector<16xi1>, vector<16xi32>
      %swap3A = arith.constant 0 : index
      %swap3A_122 = tpu.vector_load %arg7[%swap3A] {strides = array<i32>} : memref<256xi32, #tpu.memory_space<vmem>>, vector<16xi32>,
      tpu.vector_store %arg7[%swap3A], %select_n3A_121 {strides = array<i32>} : memref<256xi32, #tpu.memory_space<vmem>>, vector<16xi32>,
      %select_n3A_123 = arith.select %lt3A_113, %get3A_117, %add3A_107 : vector<16xi1>, vector<16xi32>
      %swap3A_124 = arith.constant 0 : index
      %swap3A_125 = tpu.vector_load %arg8[%swap3A_124] {strides = array<i32>} : memref<256xi32, #tpu.memory_space<vmem>>, vector<16xi32>,
      tpu.vector_store %arg8[%swap3A_124], %select_n3A_123 {strides = array<i32>} : memref<256xi32, #tpu.memory_space<vmem>>, vector<16xi32>,
      %add3A_126 = arith.constant 16 : i32
      %add3A_127 = arith.addi %mul3A_52, %add3A_126 : i32
      %add3A_128 = vector.broadcast %add3A_127 : i32 to vector<16xi32>
      %add3A_129 = arith.addi %add3A_128, %iota3A : vector<16xi32>
      %lt3A_130 = vector.broadcast %reduce_sum3A_16 : i32 to vector<16xi32>
      %lt3A_131 = arith.cmpi slt, %add3A_129, %lt3A_130 : vector<16xi32>
      %get3A_132 = arith.constant 16 : index
      %get3A_133 = tpu.vector_load %arg7[%get3A_132] {strides = array<i32>} : memref<256xi32, #tpu.memory_space<vmem>>, vector<16xi32>,
      %get3A_134 = arith.constant 16 : index
      %get3A_135 = tpu.vector_load %arg8[%get3A_134] {strides = array<i32>} : memref<256xi32, #tpu.memory_space<vmem>>, vector<16xi32>,
      %add3A_136 = arith.constant 16 : i32
      %add3A_137 = vector.broadcast %add3A_136 : i32 to vector<16xi32>
      %add3A_138 = arith.addi %add3A_77, %add3A_137 : vector<16xi32>
      %select_n3A_139 = arith.select %lt3A_131, %get3A_133, %add3A_138 : vector<16xi1>, vector<16xi32>
      %swap3A_140 = arith.constant 16 : index
      %swap3A_141 = tpu.vector_load %arg7[%swap3A_140] {strides = array<i32>} : memref<256xi32, #tpu.memory_space<vmem>>, vector<16xi32>,
      tpu.vector_store %arg7[%swap3A_140], %select_n3A_139 {strides = array<i32>} : memref<256xi32, #tpu.memory_space<vmem>>, vector<16xi32>,
      %select_n3A_142 = arith.select %lt3A_131, %get3A_135, %add3A_107 : vector<16xi1>, vector<16xi32>
      %swap3A_143 = arith.constant 16 : index
      %swap3A_144 = tpu.vector_load %arg8[%swap3A_143] {strides = array<i32>} : memref<256xi32, #tpu.memory_space<vmem>>, vector<16xi32>,
      tpu.vector_store %arg8[%swap3A_143], %select_n3A_142 {strides = array<i32>} : memref<256xi32, #tpu.memory_space<vmem>>, vector<16xi32>,
      %add3A_145 = arith.constant 32 : i32
      %add3A_146 = arith.addi %mul3A_52, %add3A_145 : i32
      %add3A_147 = vector.broadcast %add3A_146 : i32 to vector<16xi32>
      %add3A_148 = arith.addi %add3A_147, %iota3A : vector<16xi32>
      %lt3A_149 = vector.broadcast %reduce_sum3A_16 : i32 to vector<16xi32>
      %lt3A_150 = arith.cmpi slt, %add3A_148, %lt3A_149 : vector<16xi32>
      %get3A_151 = arith.constant 32 : index
      %get3A_152 = tpu.vector_load %arg7[%get3A_151] {strides = array<i32>} : memref<256xi32, #tpu.memory_space<vmem>>, vector<16xi32>,
      %get3A_153 = arith.constant 32 : index
      %get3A_154 = tpu.vector_load %arg8[%get3A_153] {strides = array<i32>} : memref<256xi32, #tpu.memory_space<vmem>>, vector<16xi32>,
      %add3A_155 = arith.constant 32 : i32
      %add3A_156 = vector.broadcast %add3A_155 : i32 to vector<16xi32>
      %add3A_157 = arith.addi %add3A_77, %add3A_156 : vector<16xi32>
      %select_n3A_158 = arith.select %lt3A_150, %get3A_152, %add3A_157 : vector<16xi1>, vector<16xi32>
      %swap3A_159 = arith.constant 32 : index
      %swap3A_160 = tpu.vector_load %arg7[%swap3A_159] {strides = array<i32>} : memref<256xi32, #tpu.memory_space<vmem>>, vector<16xi32>,
      tpu.vector_store %arg7[%swap3A_159], %select_n3A_158 {strides = array<i32>} : memref<256xi32, #tpu.memory_space<vmem>>, vector<16xi32>,
      %select_n3A_161 = arith.select %lt3A_150, %get3A_154, %add3A_107 : vector<16xi1>, vector<16xi32>
      %swap3A_162 = arith.constant 32 : index
      %swap3A_163 = tpu.vector_load %arg8[%swap3A_162] {strides = array<i32>} : memref<256xi32, #tpu.memory_space<vmem>>, vector<16xi32>,
      tpu.vector_store %arg8[%swap3A_162], %select_n3A_161 {strides = array<i32>} : memref<256xi32, #tpu.memory_space<vmem>>, vector<16xi32>,
      %add3A_164 = arith.constant 48 : i32
      %add3A_165 = arith.addi %mul3A_52, %add3A_164 : i32
      %add3A_166 = vector.broadcast %add3A_165 : i32 to vector<16xi32>
      %add3A_167 = arith.addi %add3A_166, %iota3A : vector<16xi32>
      %lt3A_168 = vector.broadcast %reduce_sum3A_16 : i32 to vector<16xi32>
      %lt3A_169 = arith.cmpi slt, %add3A_167, %lt3A_168 : vector<16xi32>
      %get3A_170 = arith.constant 48 : index
      %get3A_171 = tpu.vector_load %arg7[%get3A_170] {strides = array<i32>} : memref<256xi32, #tpu.memory_space<vmem>>, vector<16xi32>,
      %get3A_172 = arith.constant 48 : index
      %get3A_173 = tpu.vector_load %arg8[%get3A_172] {strides = array<i32>} : memref<256xi32, #tpu.memory_space<vmem>>, vector<16xi32>,
      %add3A_174 = arith.constant 48 : i32
      %add3A_175 = vector.broadcast %add3A_174 : i32 to vector<16xi32>
      %add3A_176 = arith.addi %add3A_77, %add3A_175 : vector<16xi32>
      %select_n3A_177 = arith.select %lt3A_169, %get3A_171, %add3A_176 : vector<16xi1>, vector<16xi32>
      %swap3A_178 = arith.constant 48 : index
      %swap3A_179 = tpu.vector_load %arg7[%swap3A_178] {strides = array<i32>} : memref<256xi32, #tpu.memory_space<vmem>>, vector<16xi32>,
      tpu.vector_store %arg7[%swap3A_178], %select_n3A_177 {strides = array<i32>} : memref<256xi32, #tpu.memory_space<vmem>>, vector<16xi32>,
      %select_n3A_180 = arith.select %lt3A_169, %get3A_173, %add3A_107 : vector<16xi1>, vector<16xi32>
      %swap3A_181 = arith.constant 48 : index
      %swap3A_182 = tpu.vector_load %arg8[%swap3A_181] {strides = array<i32>} : memref<256xi32, #tpu.memory_space<vmem>>, vector<16xi32>,
      tpu.vector_store %arg8[%swap3A_181], %select_n3A_180 {strides = array<i32>} : memref<256xi32, #tpu.memory_space<vmem>>, vector<16xi32>,
      %add3A_183 = arith.constant 64 : i32
      %add3A_184 = arith.addi %mul3A_52, %add3A_183 : i32
      %add3A_185 = vector.broadcast %add3A_184 : i32 to vector<16xi32>
      %add3A_186 = arith.addi %add3A_185, %iota3A : vector<16xi32>
      %lt3A_187 = vector.broadcast %reduce_sum3A_16 : i32 to vector<16xi32>
      %lt3A_188 = arith.cmpi slt, %add3A_186, %lt3A_187 : vector<16xi32>
      %get3A_189 = arith.constant 64 : index
      %get3A_190 = tpu.vector_load %arg7[%get3A_189] {strides = array<i32>} : memref<256xi32, #tpu.memory_space<vmem>>, vector<16xi32>,
      %get3A_191 = arith.constant 64 : index
      %get3A_192 = tpu.vector_load %arg8[%get3A_191] {strides = array<i32>} : memref<256xi32, #tpu.memory_space<vmem>>, vector<16xi32>,
      %add3A_193 = arith.constant 64 : i32
      %add3A_194 = vector.broadcast %add3A_193 : i32 to vector<16xi32>
      %add3A_195 = arith.addi %add3A_77, %add3A_194 : vector<16xi32>
      %select_n3A_196 = arith.select %lt3A_188, %get3A_190, %add3A_195 : vector<16xi1>, vector<16xi32>
      %swap3A_197 = arith.constant 64 : index
      %swap3A_198 = tpu.vector_load %arg7[%swap3A_197] {strides = array<i32>} : memref<256xi32, #tpu.memory_space<vmem>>, vector<16xi32>,
      tpu.vector_store %arg7[%swap3A_197], %select_n3A_196 {strides = array<i32>} : memref<256xi32, #tpu.memory_space<vmem>>, vector<16xi32>,
      %select_n3A_199 = arith.select %lt3A_188, %get3A_192, %add3A_107 : vector<16xi1>, vector<16xi32>
      %swap3A_200 = arith.constant 64 : index
      %swap3A_201 = tpu.vector_load %arg8[%swap3A_200] {strides = array<i32>} : memref<256xi32, #tpu.memory_space<vmem>>, vector<16xi32>,
      tpu.vector_store %arg8[%swap3A_200], %select_n3A_199 {strides = array<i32>} : memref<256xi32, #tpu.memory_space<vmem>>, vector<16xi32>,
      %add3A_202 = arith.constant 80 : i32
      %add3A_203 = arith.addi %mul3A_52, %add3A_202 : i32
      %add3A_204 = vector.broadcast %add3A_203 : i32 to vector<16xi32>
      %add3A_205 = arith.addi %add3A_204, %iota3A : vector<16xi32>
      %lt3A_206 = vector.broadcast %reduce_sum3A_16 : i32 to vector<16xi32>
      %lt3A_207 = arith.cmpi slt, %add3A_205, %lt3A_206 : vector<16xi32>
      %get3A_208 = arith.constant 80 : index
      %get3A_209 = tpu.vector_load %arg7[%get3A_208] {strides = array<i32>} : memref<256xi32, #tpu.memory_space<vmem>>, vector<16xi32>,
      %get3A_210 = arith.constant 80 : index
      %get3A_211 = tpu.vector_load %arg8[%get3A_210] {strides = array<i32>} : memref<256xi32, #tpu.memory_space<vmem>>, vector<16xi32>,
      %add3A_212 = arith.constant 80 : i32
      %add3A_213 = vector.broadcast %add3A_212 : i32 to vector<16xi32>
      %add3A_214 = arith.addi %add3A_77, %add3A_213 : vector<16xi32>
      %select_n3A_215 = arith.select %lt3A_207, %get3A_209, %add3A_214 : vector<16xi1>, vector<16xi32>
      %swap3A_216 = arith.constant 80 : index
      %swap3A_217 = tpu.vector_load %arg7[%swap3A_216] {strides = array<i32>} : memref<256xi32, #tpu.memory_space<vmem>>, vector<16xi32>,
      tpu.vector_store %arg7[%swap3A_216], %select_n3A_215 {strides = array<i32>} : memref<256xi32, #tpu.memory_space<vmem>>, vector<16xi32>,
      %select_n3A_218 = arith.select %lt3A_207, %get3A_211, %add3A_107 : vector<16xi1>, vector<16xi32>
      %swap3A_219 = arith.constant 80 : index
      %swap3A_220 = tpu.vector_load %arg8[%swap3A_219] {strides = array<i32>} : memref<256xi32, #tpu.memory_space<vmem>>, vector<16xi32>,
      tpu.vector_store %arg8[%swap3A_219], %select_n3A_218 {strides = array<i32>} : memref<256xi32, #tpu.memory_space<vmem>>, vector<16xi32>,
      %add3A_221 = arith.constant 96 : i32
      %add3A_222 = arith.addi %mul3A_52, %add3A_221 : i32
      %add3A_223 = vector.broadcast %add3A_222 : i32 to vector<16xi32>
      %add3A_224 = arith.addi %add3A_223, %iota3A : vector<16xi32>
      %lt3A_225 = vector.broadcast %reduce_sum3A_16 : i32 to vector<16xi32>
      %lt3A_226 = arith.cmpi slt, %add3A_224, %lt3A_225 : vector<16xi32>
      %get3A_227 = arith.constant 96 : index
      %get3A_228 = tpu.vector_load %arg7[%get3A_227] {strides = array<i32>} : memref<256xi32, #tpu.memory_space<vmem>>, vector<16xi32>,
      %get3A_229 = arith.constant 96 : index
      %get3A_230 = tpu.vector_load %arg8[%get3A_229] {strides = array<i32>} : memref<256xi32, #tpu.memory_space<vmem>>, vector<16xi32>,
      %add3A_231 = arith.constant 96 : i32
      %add3A_232 = vector.broadcast %add3A_231 : i32 to vector<16xi32>
      %add3A_233 = arith.addi %add3A_77, %add3A_232 : vector<16xi32>
      %select_n3A_234 = arith.select %lt3A_226, %get3A_228, %add3A_233 : vector<16xi1>, vector<16xi32>
      %swap3A_235 = arith.constant 96 : index
      %swap3A_236 = tpu.vector_load %arg7[%swap3A_235] {strides = array<i32>} : memref<256xi32, #tpu.memory_space<vmem>>, vector<16xi32>,
      tpu.vector_store %arg7[%swap3A_235], %select_n3A_234 {strides = array<i32>} : memref<256xi32, #tpu.memory_space<vmem>>, vector<16xi32>,
      %select_n3A_237 = arith.select %lt3A_226, %get3A_230, %add3A_107 : vector<16xi1>, vector<16xi32>
      %swap3A_238 = arith.constant 96 : index
      %swap3A_239 = tpu.vector_load %arg8[%swap3A_238] {strides = array<i32>} : memref<256xi32, #tpu.memory_space<vmem>>, vector<16xi32>,
      tpu.vector_store %arg8[%swap3A_238], %select_n3A_237 {strides = array<i32>} : memref<256xi32, #tpu.memory_space<vmem>>, vector<16xi32>,
      %add3A_240 = arith.constant 112 : i32
      %add3A_241 = arith.addi %mul3A_52, %add3A_240 : i32
      %add3A_242 = vector.broadcast %add3A_241 : i32 to vector<16xi32>
      %add3A_243 = arith.addi %add3A_242, %iota3A : vector<16xi32>
      %lt3A_244 = vector.broadcast %reduce_sum3A_16 : i32 to vector<16xi32>
      %lt3A_245 = arith.cmpi slt, %add3A_243, %lt3A_244 : vector<16xi32>
      %get3A_246 = arith.constant 112 : index
      %get3A_247 = tpu.vector_load %arg7[%get3A_246] {strides = array<i32>} : memref<256xi32, #tpu.memory_space<vmem>>, vector<16xi32>,
      %get3A_248 = arith.constant 112 : index
      %get3A_249 = tpu.vector_load %arg8[%get3A_248] {strides = array<i32>} : memref<256xi32, #tpu.memory_space<vmem>>, vector<16xi32>,
      %add3A_250 = arith.constant 112 : i32
      %add3A_251 = vector.broadcast %add3A_250 : i32 to vector<16xi32>
      %add3A_252 = arith.addi %add3A_77, %add3A_251 : vector<16xi32>
      %select_n3A_253 = arith.select %lt3A_245, %get3A_247, %add3A_252 : vector<16xi1>, vector<16xi32>
      %swap3A_254 = arith.constant 112 : index
      %swap3A_255 = tpu.vector_load %arg7[%swap3A_254] {strides = array<i32>} : memref<256xi32, #tpu.memory_space<vmem>>, vector<16xi32>,
      tpu.vector_store %arg7[%swap3A_254], %select_n3A_253 {strides = array<i32>} : memref<256xi32, #tpu.memory_space<vmem>>, vector<16xi32>,
      %select_n3A_256 = arith.select %lt3A_245, %get3A_249, %add3A_107 : vector<16xi1>, vector<16xi32>
      %swap3A_257 = arith.constant 112 : index
      %swap3A_258 = tpu.vector_load %arg8[%swap3A_257] {strides = array<i32>} : memref<256xi32, #tpu.memory_space<vmem>>, vector<16xi32>,
      tpu.vector_store %arg8[%swap3A_257], %select_n3A_256 {strides = array<i32>} : memref<256xi32, #tpu.memory_space<vmem>>, vector<16xi32>,
      %add3A_259 = arith.constant 128 : i32
      %add3A_260 = arith.addi %mul3A_52, %add3A_259 : i32
      %add3A_261 = vector.broadcast %add3A_260 : i32 to vector<16xi32>
      %add3A_262 = arith.addi %add3A_261, %iota3A : vector<16xi32>
      %lt3A_263 = vector.broadcast %reduce_sum3A_16 : i32 to vector<16xi32>
      %lt3A_264 = arith.cmpi slt, %add3A_262, %lt3A_263 : vector<16xi32>
      %get3A_265 = arith.constant 128 : index
      %get3A_266 = tpu.vector_load %arg7[%get3A_265] {strides = array<i32>} : memref<256xi32, #tpu.memory_space<vmem>>, vector<16xi32>,
      %get3A_267 = arith.constant 128 : index
      %get3A_268 = tpu.vector_load %arg8[%get3A_267] {strides = array<i32>} : memref<256xi32, #tpu.memory_space<vmem>>, vector<16xi32>,
      %add3A_269 = arith.constant 128 : i32
      %add3A_270 = vector.broadcast %add3A_269 : i32 to vector<16xi32>
      %add3A_271 = arith.addi %add3A_77, %add3A_270 : vector<16xi32>
      %select_n3A_272 = arith.select %lt3A_264, %get3A_266, %add3A_271 : vector<16xi1>, vector<16xi32>
      %swap3A_273 = arith.constant 128 : index
      %swap3A_274 = tpu.vector_load %arg7[%swap3A_273] {strides = array<i32>} : memref<256xi32, #tpu.memory_space<vmem>>, vector<16xi32>,
      tpu.vector_store %arg7[%swap3A_273], %select_n3A_272 {strides = array<i32>} : memref<256xi32, #tpu.memory_space<vmem>>, vector<16xi32>,
      %select_n3A_275 = arith.select %lt3A_264, %get3A_268, %add3A_107 : vector<16xi1>, vector<16xi32>
      %swap3A_276 = arith.constant 128 : index
      %swap3A_277 = tpu.vector_load %arg8[%swap3A_276] {strides = array<i32>} : memref<256xi32, #tpu.memory_space<vmem>>, vector<16xi32>,
      tpu.vector_store %arg8[%swap3A_276], %select_n3A_275 {strides = array<i32>} : memref<256xi32, #tpu.memory_space<vmem>>, vector<16xi32>,
      %add3A_278 = arith.constant 144 : i32
      %add3A_279 = arith.addi %mul3A_52, %add3A_278 : i32
      %add3A_280 = vector.broadcast %add3A_279 : i32 to vector<16xi32>
      %add3A_281 = arith.addi %add3A_280, %iota3A : vector<16xi32>
      %lt3A_282 = vector.broadcast %reduce_sum3A_16 : i32 to vector<16xi32>
      %lt3A_283 = arith.cmpi slt, %add3A_281, %lt3A_282 : vector<16xi32>
      %get3A_284 = arith.constant 144 : index
      %get3A_285 = tpu.vector_load %arg7[%get3A_284] {strides = array<i32>} : memref<256xi32, #tpu.memory_space<vmem>>, vector<16xi32>,
      %get3A_286 = arith.constant 144 : index
      %get3A_287 = tpu.vector_load %arg8[%get3A_286] {strides = array<i32>} : memref<256xi32, #tpu.memory_space<vmem>>, vector<16xi32>,
      %add3A_288 = arith.constant 144 : i32
      %add3A_289 = vector.broadcast %add3A_288 : i32 to vector<16xi32>
      %add3A_290 = arith.addi %add3A_77, %add3A_289 : vector<16xi32>
      %select_n3A_291 = arith.select %lt3A_283, %get3A_285, %add3A_290 : vector<16xi1>, vector<16xi32>
      %swap3A_292 = arith.constant 144 : index
      %swap3A_293 = tpu.vector_load %arg7[%swap3A_292] {strides = array<i32>} : memref<256xi32, #tpu.memory_space<vmem>>, vector<16xi32>,
      tpu.vector_store %arg7[%swap3A_292], %select_n3A_291 {strides = array<i32>} : memref<256xi32, #tpu.memory_space<vmem>>, vector<16xi32>,
      %select_n3A_294 = arith.select %lt3A_283, %get3A_287, %add3A_107 : vector<16xi1>, vector<16xi32>
      %swap3A_295 = arith.constant 144 : index
      %swap3A_296 = tpu.vector_load %arg8[%swap3A_295] {strides = array<i32>} : memref<256xi32, #tpu.memory_space<vmem>>, vector<16xi32>,
      tpu.vector_store %arg8[%swap3A_295], %select_n3A_294 {strides = array<i32>} : memref<256xi32, #tpu.memory_space<vmem>>, vector<16xi32>,
      %add3A_297 = arith.constant 160 : i32
      %add3A_298 = arith.addi %mul3A_52, %add3A_297 : i32
      %add3A_299 = vector.broadcast %add3A_298 : i32 to vector<16xi32>
      %add3A_300 = arith.addi %add3A_299, %iota3A : vector<16xi32>
      %lt3A_301 = vector.broadcast %reduce_sum3A_16 : i32 to vector<16xi32>
      %lt3A_302 = arith.cmpi slt, %add3A_300, %lt3A_301 : vector<16xi32>
      %get3A_303 = arith.constant 160 : index
      %get3A_304 = tpu.vector_load %arg7[%get3A_303] {strides = array<i32>} : memref<256xi32, #tpu.memory_space<vmem>>, vector<16xi32>,
      %get3A_305 = arith.constant 160 : index
      %get3A_306 = tpu.vector_load %arg8[%get3A_305] {strides = array<i32>} : memref<256xi32, #tpu.memory_space<vmem>>, vector<16xi32>,
      %add3A_307 = arith.constant 160 : i32
      %add3A_308 = vector.broadcast %add3A_307 : i32 to vector<16xi32>
      %add3A_309 = arith.addi %add3A_77, %add3A_308 : vector<16xi32>
      %select_n3A_310 = arith.select %lt3A_302, %get3A_304, %add3A_309 : vector<16xi1>, vector<16xi32>
      %swap3A_311 = arith.constant 160 : index
      %swap3A_312 = tpu.vector_load %arg7[%swap3A_311] {strides = array<i32>} : memref<256xi32, #tpu.memory_space<vmem>>, vector<16xi32>,
      tpu.vector_store %arg7[%swap3A_311], %select_n3A_310 {strides = array<i32>} : memref<256xi32, #tpu.memory_space<vmem>>, vector<16xi32>,
      %select_n3A_313 = arith.select %lt3A_302, %get3A_306, %add3A_107 : vector<16xi1>, vector<16xi32>
      %swap3A_314 = arith.constant 160 : index
      %swap3A_315 = tpu.vector_load %arg8[%swap3A_314] {strides = array<i32>} : memref<256xi32, #tpu.memory_space<vmem>>, vector<16xi32>,
      tpu.vector_store %arg8[%swap3A_314], %select_n3A_313 {strides = array<i32>} : memref<256xi32, #tpu.memory_space<vmem>>, vector<16xi32>,
      %add3A_316 = arith.constant 176 : i32
      %add3A_317 = arith.addi %mul3A_52, %add3A_316 : i32
      %add3A_318 = vector.broadcast %add3A_317 : i32 to vector<16xi32>
      %add3A_319 = arith.addi %add3A_318, %iota3A : vector<16xi32>
      %lt3A_320 = vector.broadcast %reduce_sum3A_16 : i32 to vector<16xi32>
      %lt3A_321 = arith.cmpi slt, %add3A_319, %lt3A_320 : vector<16xi32>
      %get3A_322 = arith.constant 176 : index
      %get3A_323 = tpu.vector_load %arg7[%get3A_322] {strides = array<i32>} : memref<256xi32, #tpu.memory_space<vmem>>, vector<16xi32>,
      %get3A_324 = arith.constant 176 : index
      %get3A_325 = tpu.vector_load %arg8[%get3A_324] {strides = array<i32>} : memref<256xi32, #tpu.memory_space<vmem>>, vector<16xi32>,
      %add3A_326 = arith.constant 176 : i32
      %add3A_327 = vector.broadcast %add3A_326 : i32 to vector<16xi32>
      %add3A_328 = arith.addi %add3A_77, %add3A_327 : vector<16xi32>
      %select_n3A_329 = arith.select %lt3A_321, %get3A_323, %add3A_328 : vector<16xi1>, vector<16xi32>
      %swap3A_330 = arith.constant 176 : index
      %swap3A_331 = tpu.vector_load %arg7[%swap3A_330] {strides = array<i32>} : memref<256xi32, #tpu.memory_space<vmem>>, vector<16xi32>,
      tpu.vector_store %arg7[%swap3A_330], %select_n3A_329 {strides = array<i32>} : memref<256xi32, #tpu.memory_space<vmem>>, vector<16xi32>,
      %select_n3A_332 = arith.select %lt3A_321, %get3A_325, %add3A_107 : vector<16xi1>, vector<16xi32>
      %swap3A_333 = arith.constant 176 : index
      %swap3A_334 = tpu.vector_load %arg8[%swap3A_333] {strides = array<i32>} : memref<256xi32, #tpu.memory_space<vmem>>, vector<16xi32>,
      tpu.vector_store %arg8[%swap3A_333], %select_n3A_332 {strides = array<i32>} : memref<256xi32, #tpu.memory_space<vmem>>, vector<16xi32>,
      %add3A_335 = arith.constant 192 : i32
      %add3A_336 = arith.addi %mul3A_52, %add3A_335 : i32
      %add3A_337 = vector.broadcast %add3A_336 : i32 to vector<16xi32>
      %add3A_338 = arith.addi %add3A_337, %iota3A : vector<16xi32>
      %lt3A_339 = vector.broadcast %reduce_sum3A_16 : i32 to vector<16xi32>
      %lt3A_340 = arith.cmpi slt, %add3A_338, %lt3A_339 : vector<16xi32>
      %get3A_341 = arith.constant 192 : index
      %get3A_342 = tpu.vector_load %arg7[%get3A_341] {strides = array<i32>} : memref<256xi32, #tpu.memory_space<vmem>>, vector<16xi32>,
      %get3A_343 = arith.constant 192 : index
      %get3A_344 = tpu.vector_load %arg8[%get3A_343] {strides = array<i32>} : memref<256xi32, #tpu.memory_space<vmem>>, vector<16xi32>,
      %add3A_345 = arith.constant 192 : i32
      %add3A_346 = vector.broadcast %add3A_345 : i32 to vector<16xi32>
      %add3A_347 = arith.addi %add3A_77, %add3A_346 : vector<16xi32>
      %select_n3A_348 = arith.select %lt3A_340, %get3A_342, %add3A_347 : vector<16xi1>, vector<16xi32>
      %swap3A_349 = arith.constant 192 : index
      %swap3A_350 = tpu.vector_load %arg7[%swap3A_349] {strides = array<i32>} : memref<256xi32, #tpu.memory_space<vmem>>, vector<16xi32>,
      tpu.vector_store %arg7[%swap3A_349], %select_n3A_348 {strides = array<i32>} : memref<256xi32, #tpu.memory_space<vmem>>, vector<16xi32>,
      %select_n3A_351 = arith.select %lt3A_340, %get3A_344, %add3A_107 : vector<16xi1>, vector<16xi32>
      %swap3A_352 = arith.constant 192 : index
      %swap3A_353 = tpu.vector_load %arg8[%swap3A_352] {strides = array<i32>} : memref<256xi32, #tpu.memory_space<vmem>>, vector<16xi32>,
      tpu.vector_store %arg8[%swap3A_352], %select_n3A_351 {strides = array<i32>} : memref<256xi32, #tpu.memory_space<vmem>>, vector<16xi32>,
      %add3A_354 = arith.constant 208 : i32
      %add3A_355 = arith.addi %mul3A_52, %add3A_354 : i32
      %add3A_356 = vector.broadcast %add3A_355 : i32 to vector<16xi32>
      %add3A_357 = arith.addi %add3A_356, %iota3A : vector<16xi32>
      %lt3A_358 = vector.broadcast %reduce_sum3A_16 : i32 to vector<16xi32>
      %lt3A_359 = arith.cmpi slt, %add3A_357, %lt3A_358 : vector<16xi32>
      %get3A_360 = arith.constant 208 : index
      %get3A_361 = tpu.vector_load %arg7[%get3A_360] {strides = array<i32>} : memref<256xi32, #tpu.memory_space<vmem>>, vector<16xi32>,
      %get3A_362 = arith.constant 208 : index
      %get3A_363 = tpu.vector_load %arg8[%get3A_362] {strides = array<i32>} : memref<256xi32, #tpu.memory_space<vmem>>, vector<16xi32>,
      %add3A_364 = arith.constant 208 : i32
      %add3A_365 = vector.broadcast %add3A_364 : i32 to vector<16xi32>
      %add3A_366 = arith.addi %add3A_77, %add3A_365 : vector<16xi32>
      %select_n3A_367 = arith.select %lt3A_359, %get3A_361, %add3A_366 : vector<16xi1>, vector<16xi32>
      %swap3A_368 = arith.constant 208 : index
      %swap3A_369 = tpu.vector_load %arg7[%swap3A_368] {strides = array<i32>} : memref<256xi32, #tpu.memory_space<vmem>>, vector<16xi32>,
      tpu.vector_store %arg7[%swap3A_368], %select_n3A_367 {strides = array<i32>} : memref<256xi32, #tpu.memory_space<vmem>>, vector<16xi32>,
      %select_n3A_370 = arith.select %lt3A_359, %get3A_363, %add3A_107 : vector<16xi1>, vector<16xi32>
      %swap3A_371 = arith.constant 208 : index
      %swap3A_372 = tpu.vector_load %arg8[%swap3A_371] {strides = array<i32>} : memref<256xi32, #tpu.memory_space<vmem>>, vector<16xi32>,
      tpu.vector_store %arg8[%swap3A_371], %select_n3A_370 {strides = array<i32>} : memref<256xi32, #tpu.memory_space<vmem>>, vector<16xi32>,
      %add3A_373 = arith.constant 224 : i32
      %add3A_374 = arith.addi %mul3A_52, %add3A_373 : i32
      %add3A_375 = vector.broadcast %add3A_374 : i32 to vector<16xi32>
      %add3A_376 = arith.addi %add3A_375, %iota3A : vector<16xi32>
      %lt3A_377 = vector.broadcast %reduce_sum3A_16 : i32 to vector<16xi32>
      %lt3A_378 = arith.cmpi slt, %add3A_376, %lt3A_377 : vector<16xi32>
      %get3A_379 = arith.constant 224 : index
      %get3A_380 = tpu.vector_load %arg7[%get3A_379] {strides = array<i32>} : memref<256xi32, #tpu.memory_space<vmem>>, vector<16xi32>,
      %get3A_381 = arith.constant 224 : index
      %get3A_382 = tpu.vector_load %arg8[%get3A_381] {strides = array<i32>} : memref<256xi32, #tpu.memory_space<vmem>>, vector<16xi32>,
      %add3A_383 = arith.constant 224 : i32
      %add3A_384 = vector.broadcast %add3A_383 : i32 to vector<16xi32>
      %add3A_385 = arith.addi %add3A_77, %add3A_384 : vector<16xi32>
      %select_n3A_386 = arith.select %lt3A_378, %get3A_380, %add3A_385 : vector<16xi1>, vector<16xi32>
      %swap3A_387 = arith.constant 224 : index
      %swap3A_388 = tpu.vector_load %arg7[%swap3A_387] {strides = array<i32>} : memref<256xi32, #tpu.memory_space<vmem>>, vector<16xi32>,
      tpu.vector_store %arg7[%swap3A_387], %select_n3A_386 {strides = array<i32>} : memref<256xi32, #tpu.memory_space<vmem>>, vector<16xi32>,
      %select_n3A_389 = arith.select %lt3A_378, %get3A_382, %add3A_107 : vector<16xi1>, vector<16xi32>
      %swap3A_390 = arith.constant 224 : index
      %swap3A_391 = tpu.vector_load %arg8[%swap3A_390] {strides = array<i32>} : memref<256xi32, #tpu.memory_space<vmem>>, vector<16xi32>,
      tpu.vector_store %arg8[%swap3A_390], %select_n3A_389 {strides = array<i32>} : memref<256xi32, #tpu.memory_space<vmem>>, vector<16xi32>,
      %add3A_392 = arith.constant 240 : i32
      %add3A_393 = arith.addi %mul3A_52, %add3A_392 : i32
      %add3A_394 = vector.broadcast %add3A_393 : i32 to vector<16xi32>
      %add3A_395 = arith.addi %add3A_394, %iota3A : vector<16xi32>
      %lt3A_396 = vector.broadcast %reduce_sum3A_16 : i32 to vector<16xi32>
      %lt3A_397 = arith.cmpi slt, %add3A_395, %lt3A_396 : vector<16xi32>
      %get3A_398 = arith.constant 240 : index
      %get3A_399 = tpu.vector_load %arg7[%get3A_398] {strides = array<i32>} : memref<256xi32, #tpu.memory_space<vmem>>, vector<16xi32>,
      %get3A_400 = arith.constant 240 : index
      %get3A_401 = tpu.vector_load %arg8[%get3A_400] {strides = array<i32>} : memref<256xi32, #tpu.memory_space<vmem>>, vector<16xi32>,
      %add3A_402 = arith.constant 240 : i32
      %add3A_403 = vector.broadcast %add3A_402 : i32 to vector<16xi32>
      %add3A_404 = arith.addi %add3A_77, %add3A_403 : vector<16xi32>
      %select_n3A_405 = arith.select %lt3A_397, %get3A_399, %add3A_404 : vector<16xi1>, vector<16xi32>
      %swap3A_406 = arith.constant 240 : index
      %swap3A_407 = tpu.vector_load %arg7[%swap3A_406] {strides = array<i32>} : memref<256xi32, #tpu.memory_space<vmem>>, vector<16xi32>,
      tpu.vector_store %arg7[%swap3A_406], %select_n3A_405 {strides = array<i32>} : memref<256xi32, #tpu.memory_space<vmem>>, vector<16xi32>,
      %select_n3A_408 = arith.select %lt3A_397, %get3A_401, %add3A_107 : vector<16xi1>, vector<16xi32>
      %swap3A_409 = arith.constant 240 : index
      %swap3A_410 = tpu.vector_load %arg8[%swap3A_409] {strides = array<i32>} : memref<256xi32, #tpu.memory_space<vmem>>, vector<16xi32>,
      tpu.vector_store %arg8[%swap3A_409], %select_n3A_408 {strides = array<i32>} : memref<256xi32, #tpu.memory_space<vmem>>, vector<16xi32>,
      %dma_start3A = arith.constant 0 : i32
      %dma_start3A_411 = arith.constant 0 : i32
      %dma_start3A_412 = tpu.memref_slice %arg2[%dma_start3A, %dma_start3A_411] : memref<10000x128xf32, #tpu.memory_space<hbm>> -> memref<10000x128xf32, #tpu.memory_space<hbm>>
      tpu.enqueue_indirect_dma source(%dma_start3A_412 : memref<10000x128xf32, #tpu.memory_space<hbm>>) target(%arg9 : memref<256x128xf32, #tpu.memory_space<vmem>>) offsets(%arg7 : memref<256xi32, #tpu.memory_space<vmem>>) semaphore(%arg12 : memref<!tpu.dma_semaphore, #tpu.memory_space<semaphore_mem>>)
      %dma_wait3A = arith.constant 0 : i32
      %dma_wait3A_413 = arith.constant 0 : i32
      %dma_wait3A_414 = tpu.memref_slice %arg2[%dma_wait3A, %dma_wait3A_413] : memref<10000x128xf32, #tpu.memory_space<hbm>> -> memref<10000x128xf32, #tpu.memory_space<hbm>>
      tpu.wait_indirect_dma semaphore(%arg12 : memref<!tpu.dma_semaphore, #tpu.memory_space<semaphore_mem>>) src(%dma_wait3A_414 : memref<10000x128xf32, #tpu.memory_space<hbm>>) dst(%arg9 : memref<256x128xf32, #tpu.memory_space<vmem>>)
      "tpu.region"() ({
        %run_scoped3A = tpu.sem_alloc : memref<!tpu.dma_semaphore, #tpu.memory_space<semaphore_mem>>
        %dma_start3A_415 = arith.constant 0 : i32
        %dma_start3A_416 = arith.constant 0 : i32
        %dma_start3A_417 = tpu.memref_slice %arg11[%dma_start3A_415, %dma_start3A_416] : memref<10240x128xf32, #tpu.memory_space<vmem_shared>> -> memref<10240x128xf32, #tpu.memory_space<vmem_shared>>
        tpu.enqueue_indirect_dma source(%arg9 : memref<256x128xf32, #tpu.memory_space<vmem>>) target(%dma_start3A_417 : memref<10240x128xf32, #tpu.memory_space<vmem_shared>>) offsets(%arg8 : memref<256xi32, #tpu.memory_space<vmem>>) semaphore(%run_scoped3A : memref<!tpu.dma_semaphore, #tpu.memory_space<semaphore_mem>>) {add = true}
        %dma_wait3A_418 = arith.constant 0 : i32
        %dma_wait3A_419 = arith.constant 0 : i32
        %dma_wait3A_420 = tpu.memref_slice %arg11[%dma_wait3A_418, %dma_wait3A_419] : memref<10240x128xf32, #tpu.memory_space<vmem_shared>> -> memref<10240x128xf32, #tpu.memory_space<vmem_shared>>
        tpu.wait_indirect_dma semaphore(%run_scoped3A : memref<!tpu.dma_semaphore, #tpu.memory_space<semaphore_mem>>) src(%arg9 : memref<256x128xf32, #tpu.memory_space<vmem>>) dst(%dma_wait3A_420 : memref<10240x128xf32, #tpu.memory_space<vmem_shared>>)
        tpu.yield
      }) : () -> ()
    }
    %while3A_45 = arith.constant 1 : i32
    scf.for %while3A_50 = %while3A_43 to %while3A_39 step %while3A_45  : i32 {
      %mul3A_51 = arith.constant 256 : i32
      %mul3A_52 = arith.muli %while3A_50, %mul3A_51 : i32
      %mul3A_53 = arith.constant 10240 : i32
      %mul3A_54 = arith.muli %add3A, %mul3A_53 : i32
      %add3A_55 = arith.addi %mul3A_54, %mul3A_52 : i32
      "tpu.region"() ({
        %run_scoped3A = tpu.sem_alloc : memref<!tpu.dma_semaphore, #tpu.memory_space<semaphore_mem>>
        %dma_start3A_415 = tpu.memref_slice %arg3[%add3A_55] : memref<327680xi32, #tpu.memory_space<hbm>> -> memref<256xi32, #tpu.memory_space<hbm>>
        %dma_start3A_416 = tpu.memref_slice %arg3[%add3A_55] : memref<327680xi32, #tpu.memory_space<hbm>> -> memref<256xi32, #tpu.memory_space<hbm>>
        tpu.enqueue_dma source(%dma_start3A_416 : memref<256xi32, #tpu.memory_space<hbm>>) target(%arg7 : memref<256xi32, #tpu.memory_space<vmem>>) target_semaphore(%run_scoped3A : memref<!tpu.dma_semaphore, #tpu.memory_space<semaphore_mem>>)
        %dma_wait3A_417 = tpu.memref_slice %arg3[%add3A_55] : memref<327680xi32, #tpu.memory_space<hbm>> -> memref<256xi32, #tpu.memory_space<hbm>>
        %dma_wait3A_418 = tpu.memref_slice %arg3[%add3A_55] : memref<327680xi32, #tpu.memory_space<hbm>> -> memref<256xi32, #tpu.memory_space<hbm>>
        tpu.wait_dma2 semaphore(%run_scoped3A : memref<!tpu.dma_semaphore, #tpu.memory_space<semaphore_mem>>) src(%dma_wait3A_418 : memref<256xi32, #tpu.memory_space<hbm>>) dst(%arg7 : memref<256xi32, #tpu.memory_space<vmem>>)
        tpu.yield
      }) : () -> ()
      %mul3A_56 = arith.constant 10240 : i32
      %mul3A_57 = arith.muli %add3A, %mul3A_56 : i32
      %add3A_58 = arith.addi %mul3A_57, %mul3A_52 : i32
      "tpu.region"() ({
        %run_scoped3A = tpu.sem_alloc : memref<!tpu.dma_semaphore, #tpu.memory_space<semaphore_mem>>
        %dma_start3A_415 = tpu.memref_slice %arg4[%add3A_58] : memref<327680xi32, #tpu.memory_space<hbm>> -> memref<256xi32, #tpu.memory_space<hbm>>
        %dma_start3A_416 = tpu.memref_slice %arg4[%add3A_58] : memref<327680xi32, #tpu.memory_space<hbm>> -> memref<256xi32, #tpu.memory_space<hbm>>
        tpu.enqueue_dma source(%dma_start3A_416 : memref<256xi32, #tpu.memory_space<hbm>>) target(%arg8 : memref<256xi32, #tpu.memory_space<vmem>>) target_semaphore(%run_scoped3A : memref<!tpu.dma_semaphore, #tpu.memory_space<semaphore_mem>>)
        %dma_wait3A_417 = tpu.memref_slice %arg4[%add3A_58] : memref<327680xi32, #tpu.memory_space<hbm>> -> memref<256xi32, #tpu.memory_space<hbm>>
        %dma_wait3A_418 = tpu.memref_slice %arg4[%add3A_58] : memref<327680xi32, #tpu.memory_space<hbm>> -> memref<256xi32, #tpu.memory_space<hbm>>
        tpu.wait_dma2 semaphore(%run_scoped3A : memref<!tpu.dma_semaphore, #tpu.memory_space<semaphore_mem>>) src(%dma_wait3A_418 : memref<256xi32, #tpu.memory_space<hbm>>) dst(%arg8 : memref<256xi32, #tpu.memory_space<vmem>>)
        tpu.yield
      }) : () -> ()
      %mul3A_59 = arith.constant 311 : i32
      %mul3A_60 = arith.muli %add3A, %mul3A_59 : i32
      %add3A_61 = arith.addi %mul3A_60, %mul3A_52 : i32
      %jit3A_62 = arith.constant 9744 : i32
      %eq3A = arith.constant 0 : i32
      %eq3A_63 = arith.cmpi eq, %jit3A_62, %eq3A : i32
      %jit3A_64 = arith.constant 1 : i32
      %select_n3A_65 = arith.select %eq3A_63, %jit3A_64, %jit3A_62 : i32
      %rem3A_66 = arith.remsi %add3A_61, %select_n3A_65 : i32
      %ne3A_67 = arith.constant 0 : i32
      %ne3A_68 = arith.cmpi ne, %rem3A_66, %ne3A_67 : i32
      %lt3A = arith.constant 0 : i32
      %lt3A_69 = arith.cmpi slt, %rem3A_66, %lt3A : i32
      %lt3A_70 = arith.constant 0 : i32
      %lt3A_71 = arith.cmpi slt, %select_n3A_65, %lt3A_70 : i32
      %ne3A_72 = arith.xori %lt3A_69, %lt3A_71 : i1
      %and3A_73 = arith.andi %ne3A_72, %ne3A_68 : i1
      %add3A_74 = arith.addi %rem3A_66, %select_n3A_65 : i32
      %select_n3A_75 = arith.select %and3A_73, %add3A_74, %rem3A_66 : i32
      %add3A_76 = vector.broadcast %select_n3A_75 : i32 to vector<16xi32>
      %add3A_77 = arith.addi %add3A_76, %iota3A : vector<16xi32>
      %mul3A_78 = arith.constant 71 : i32
      %mul3A_79 = arith.muli %add3A, %mul3A_78 : i32
      %add3A_80 = arith.addi %mul3A_79, %mul3A_52 : i32
      %add3A_81 = vector.broadcast %add3A_80 : i32 to vector<16xi32>
      %add3A_82 = arith.addi %add3A_81, %iota3A : vector<16xi32>
      %jit3A_83 = arith.constant 240 : i32
      %eq3A_84 = arith.constant 0 : i32
      %eq3A_85 = arith.cmpi eq, %jit3A_83, %eq3A_84 : i32
      %jit3A_86 = arith.constant 1 : i32
      %select_n3A_87 = arith.select %eq3A_85, %jit3A_86, %jit3A_83 : i32
      %rem3A_88 = vector.broadcast %select_n3A_87 : i32 to vector<16xi32>
      %rem3A_89 = arith.remsi %add3A_82, %rem3A_88 : vector<16xi32>
      %ne3A_90 = arith.constant 0 : i32
      %ne3A_91 = vector.broadcast %ne3A_90 : i32 to vector<16xi32>
      %ne3A_92 = arith.cmpi ne, %rem3A_89, %ne3A_91 : vector<16xi32>
      %lt3A_93 = arith.constant 0 : i32
      %lt3A_94 = vector.broadcast %lt3A_93 : i32 to vector<16xi32>
      %lt3A_95 = arith.cmpi slt, %rem3A_89, %lt3A_94 : vector<16xi32>
      %lt3A_96 = arith.constant 0 : i32
      %lt3A_97 = arith.cmpi slt, %select_n3A_87, %lt3A_96 : i32
      %ne3A_98 = vector.broadcast %lt3A_97 : i1 to vector<16xi1>
      %ne3A_99 = vector.broadcast %ne3A_98 : vector<16xi1> to vector<16xi1>
      %ne3A_100 = arith.xori %lt3A_95, %ne3A_99 : vector<16xi1>
      %and3A_101 = arith.andi %ne3A_100, %ne3A_92 : vector<16xi1>
      %add3A_102 = vector.broadcast %select_n3A_87 : i32 to vector<16xi32>
      %add3A_103 = arith.addi %rem3A_89, %add3A_102 : vector<16xi32>
      %select_n3A_104 = arith.select %and3A_101, %add3A_103, %rem3A_89 : vector<16xi1>, vector<16xi32>
      %add3A_105 = arith.constant 10000 : i32
      %add3A_106 = vector.broadcast %add3A_105 : i32 to vector<16xi32>
      %add3A_107 = arith.addi %add3A_106, %select_n3A_104 : vector<16xi32>
      %add3A_108 = arith.constant 0 : i32
      %add3A_109 = arith.addi %mul3A_52, %add3A_108 : i32
      %add3A_110 = vector.broadcast %add3A_109 : i32 to vector<16xi32>
      %add3A_111 = arith.addi %add3A_110, %iota3A : vector<16xi32>
      %lt3A_112 = vector.broadcast %reduce_sum3A_16 : i32 to vector<16xi32>
      %lt3A_113 = arith.cmpi slt, %add3A_111, %lt3A_112 : vector<16xi32>
      %get3A_114 = arith.constant 0 : index
      %get3A_115 = tpu.vector_load %arg7[%get3A_114] {strides = array<i32>} : memref<256xi32, #tpu.memory_space<vmem>>, vector<16xi32>,
      %get3A_116 = arith.constant 0 : index
      %get3A_117 = tpu.vector_load %arg8[%get3A_116] {strides = array<i32>} : memref<256xi32, #tpu.memory_space<vmem>>, vector<16xi32>,
      %add3A_118 = arith.constant 0 : i32
      %add3A_119 = vector.broadcast %add3A_118 : i32 to vector<16xi32>
      %add3A_120 = arith.addi %add3A_77, %add3A_119 : vector<16xi32>
      %select_n3A_121 = arith.select %lt3A_113, %get3A_115, %add3A_120 : vector<16xi1>, vector<16xi32>
      %swap3A = arith.constant 0 : index
      %swap3A_122 = tpu.vector_load %arg7[%swap3A] {strides = array<i32>} : memref<256xi32, #tpu.memory_space<vmem>>, vector<16xi32>,
      tpu.vector_store %arg7[%swap3A], %select_n3A_121 {strides = array<i32>} : memref<256xi32, #tpu.memory_space<vmem>>, vector<16xi32>,
      %select_n3A_123 = arith.select %lt3A_113, %get3A_117, %add3A_107 : vector<16xi1>, vector<16xi32>
      %swap3A_124 = arith.constant 0 : index
      %swap3A_125 = tpu.vector_load %arg8[%swap3A_124] {strides = array<i32>} : memref<256xi32, #tpu.memory_space<vmem>>, vector<16xi32>,
      tpu.vector_store %arg8[%swap3A_124], %select_n3A_123 {strides = array<i32>} : memref<256xi32, #tpu.memory_space<vmem>>, vector<16xi32>,
      %add3A_126 = arith.constant 16 : i32
      %add3A_127 = arith.addi %mul3A_52, %add3A_126 : i32
      %add3A_128 = vector.broadcast %add3A_127 : i32 to vector<16xi32>
      %add3A_129 = arith.addi %add3A_128, %iota3A : vector<16xi32>
      %lt3A_130 = vector.broadcast %reduce_sum3A_16 : i32 to vector<16xi32>
      %lt3A_131 = arith.cmpi slt, %add3A_129, %lt3A_130 : vector<16xi32>
      %get3A_132 = arith.constant 16 : index
      %get3A_133 = tpu.vector_load %arg7[%get3A_132] {strides = array<i32>} : memref<256xi32, #tpu.memory_space<vmem>>, vector<16xi32>,
      %get3A_134 = arith.constant 16 : index
      %get3A_135 = tpu.vector_load %arg8[%get3A_134] {strides = array<i32>} : memref<256xi32, #tpu.memory_space<vmem>>, vector<16xi32>,
      %add3A_136 = arith.constant 16 : i32
      %add3A_137 = vector.broadcast %add3A_136 : i32 to vector<16xi32>
      %add3A_138 = arith.addi %add3A_77, %add3A_137 : vector<16xi32>
      %select_n3A_139 = arith.select %lt3A_131, %get3A_133, %add3A_138 : vector<16xi1>, vector<16xi32>
      %swap3A_140 = arith.constant 16 : index
      %swap3A_141 = tpu.vector_load %arg7[%swap3A_140] {strides = array<i32>} : memref<256xi32, #tpu.memory_space<vmem>>, vector<16xi32>,
      tpu.vector_store %arg7[%swap3A_140], %select_n3A_139 {strides = array<i32>} : memref<256xi32, #tpu.memory_space<vmem>>, vector<16xi32>,
      %select_n3A_142 = arith.select %lt3A_131, %get3A_135, %add3A_107 : vector<16xi1>, vector<16xi32>
      %swap3A_143 = arith.constant 16 : index
      %swap3A_144 = tpu.vector_load %arg8[%swap3A_143] {strides = array<i32>} : memref<256xi32, #tpu.memory_space<vmem>>, vector<16xi32>,
      tpu.vector_store %arg8[%swap3A_143], %select_n3A_142 {strides = array<i32>} : memref<256xi32, #tpu.memory_space<vmem>>, vector<16xi32>,
      %add3A_145 = arith.constant 32 : i32
      %add3A_146 = arith.addi %mul3A_52, %add3A_145 : i32
      %add3A_147 = vector.broadcast %add3A_146 : i32 to vector<16xi32>
      %add3A_148 = arith.addi %add3A_147, %iota3A : vector<16xi32>
      %lt3A_149 = vector.broadcast %reduce_sum3A_16 : i32 to vector<16xi32>
      %lt3A_150 = arith.cmpi slt, %add3A_148, %lt3A_149 : vector<16xi32>
      %get3A_151 = arith.constant 32 : index
      %get3A_152 = tpu.vector_load %arg7[%get3A_151] {strides = array<i32>} : memref<256xi32, #tpu.memory_space<vmem>>, vector<16xi32>,
      %get3A_153 = arith.constant 32 : index
      %get3A_154 = tpu.vector_load %arg8[%get3A_153] {strides = array<i32>} : memref<256xi32, #tpu.memory_space<vmem>>, vector<16xi32>,
      %add3A_155 = arith.constant 32 : i32
      %add3A_156 = vector.broadcast %add3A_155 : i32 to vector<16xi32>
      %add3A_157 = arith.addi %add3A_77, %add3A_156 : vector<16xi32>
      %select_n3A_158 = arith.select %lt3A_150, %get3A_152, %add3A_157 : vector<16xi1>, vector<16xi32>
      %swap3A_159 = arith.constant 32 : index
      %swap3A_160 = tpu.vector_load %arg7[%swap3A_159] {strides = array<i32>} : memref<256xi32, #tpu.memory_space<vmem>>, vector<16xi32>,
      tpu.vector_store %arg7[%swap3A_159], %select_n3A_158 {strides = array<i32>} : memref<256xi32, #tpu.memory_space<vmem>>, vector<16xi32>,
      %select_n3A_161 = arith.select %lt3A_150, %get3A_154, %add3A_107 : vector<16xi1>, vector<16xi32>
      %swap3A_162 = arith.constant 32 : index
      %swap3A_163 = tpu.vector_load %arg8[%swap3A_162] {strides = array<i32>} : memref<256xi32, #tpu.memory_space<vmem>>, vector<16xi32>,
      tpu.vector_store %arg8[%swap3A_162], %select_n3A_161 {strides = array<i32>} : memref<256xi32, #tpu.memory_space<vmem>>, vector<16xi32>,
      %add3A_164 = arith.constant 48 : i32
      %add3A_165 = arith.addi %mul3A_52, %add3A_164 : i32
      %add3A_166 = vector.broadcast %add3A_165 : i32 to vector<16xi32>
      %add3A_167 = arith.addi %add3A_166, %iota3A : vector<16xi32>
      %lt3A_168 = vector.broadcast %reduce_sum3A_16 : i32 to vector<16xi32>
      %lt3A_169 = arith.cmpi slt, %add3A_167, %lt3A_168 : vector<16xi32>
      %get3A_170 = arith.constant 48 : index
      %get3A_171 = tpu.vector_load %arg7[%get3A_170] {strides = array<i32>} : memref<256xi32, #tpu.memory_space<vmem>>, vector<16xi32>,
      %get3A_172 = arith.constant 48 : index
      %get3A_173 = tpu.vector_load %arg8[%get3A_172] {strides = array<i32>} : memref<256xi32, #tpu.memory_space<vmem>>, vector<16xi32>,
      %add3A_174 = arith.constant 48 : i32
      %add3A_175 = vector.broadcast %add3A_174 : i32 to vector<16xi32>
      %add3A_176 = arith.addi %add3A_77, %add3A_175 : vector<16xi32>
      %select_n3A_177 = arith.select %lt3A_169, %get3A_171, %add3A_176 : vector<16xi1>, vector<16xi32>
      %swap3A_178 = arith.constant 48 : index
      %swap3A_179 = tpu.vector_load %arg7[%swap3A_178] {strides = array<i32>} : memref<256xi32, #tpu.memory_space<vmem>>, vector<16xi32>,
      tpu.vector_store %arg7[%swap3A_178], %select_n3A_177 {strides = array<i32>} : memref<256xi32, #tpu.memory_space<vmem>>, vector<16xi32>,
      %select_n3A_180 = arith.select %lt3A_169, %get3A_173, %add3A_107 : vector<16xi1>, vector<16xi32>
      %swap3A_181 = arith.constant 48 : index
      %swap3A_182 = tpu.vector_load %arg8[%swap3A_181] {strides = array<i32>} : memref<256xi32, #tpu.memory_space<vmem>>, vector<16xi32>,
      tpu.vector_store %arg8[%swap3A_181], %select_n3A_180 {strides = array<i32>} : memref<256xi32, #tpu.memory_space<vmem>>, vector<16xi32>,
      %add3A_183 = arith.constant 64 : i32
      %add3A_184 = arith.addi %mul3A_52, %add3A_183 : i32
      %add3A_185 = vector.broadcast %add3A_184 : i32 to vector<16xi32>
      %add3A_186 = arith.addi %add3A_185, %iota3A : vector<16xi32>
      %lt3A_187 = vector.broadcast %reduce_sum3A_16 : i32 to vector<16xi32>
      %lt3A_188 = arith.cmpi slt, %add3A_186, %lt3A_187 : vector<16xi32>
      %get3A_189 = arith.constant 64 : index
      %get3A_190 = tpu.vector_load %arg7[%get3A_189] {strides = array<i32>} : memref<256xi32, #tpu.memory_space<vmem>>, vector<16xi32>,
      %get3A_191 = arith.constant 64 : index
      %get3A_192 = tpu.vector_load %arg8[%get3A_191] {strides = array<i32>} : memref<256xi32, #tpu.memory_space<vmem>>, vector<16xi32>,
      %add3A_193 = arith.constant 64 : i32
      %add3A_194 = vector.broadcast %add3A_193 : i32 to vector<16xi32>
      %add3A_195 = arith.addi %add3A_77, %add3A_194 : vector<16xi32>
      %select_n3A_196 = arith.select %lt3A_188, %get3A_190, %add3A_195 : vector<16xi1>, vector<16xi32>
      %swap3A_197 = arith.constant 64 : index
      %swap3A_198 = tpu.vector_load %arg7[%swap3A_197] {strides = array<i32>} : memref<256xi32, #tpu.memory_space<vmem>>, vector<16xi32>,
      tpu.vector_store %arg7[%swap3A_197], %select_n3A_196 {strides = array<i32>} : memref<256xi32, #tpu.memory_space<vmem>>, vector<16xi32>,
      %select_n3A_199 = arith.select %lt3A_188, %get3A_192, %add3A_107 : vector<16xi1>, vector<16xi32>
      %swap3A_200 = arith.constant 64 : index
      %swap3A_201 = tpu.vector_load %arg8[%swap3A_200] {strides = array<i32>} : memref<256xi32, #tpu.memory_space<vmem>>, vector<16xi32>,
      tpu.vector_store %arg8[%swap3A_200], %select_n3A_199 {strides = array<i32>} : memref<256xi32, #tpu.memory_space<vmem>>, vector<16xi32>,
      %add3A_202 = arith.constant 80 : i32
      %add3A_203 = arith.addi %mul3A_52, %add3A_202 : i32
      %add3A_204 = vector.broadcast %add3A_203 : i32 to vector<16xi32>
      %add3A_205 = arith.addi %add3A_204, %iota3A : vector<16xi32>
      %lt3A_206 = vector.broadcast %reduce_sum3A_16 : i32 to vector<16xi32>
      %lt3A_207 = arith.cmpi slt, %add3A_205, %lt3A_206 : vector<16xi32>
      %get3A_208 = arith.constant 80 : index
      %get3A_209 = tpu.vector_load %arg7[%get3A_208] {strides = array<i32>} : memref<256xi32, #tpu.memory_space<vmem>>, vector<16xi32>,
      %get3A_210 = arith.constant 80 : index
      %get3A_211 = tpu.vector_load %arg8[%get3A_210] {strides = array<i32>} : memref<256xi32, #tpu.memory_space<vmem>>, vector<16xi32>,
      %add3A_212 = arith.constant 80 : i32
      %add3A_213 = vector.broadcast %add3A_212 : i32 to vector<16xi32>
      %add3A_214 = arith.addi %add3A_77, %add3A_213 : vector<16xi32>
      %select_n3A_215 = arith.select %lt3A_207, %get3A_209, %add3A_214 : vector<16xi1>, vector<16xi32>
      %swap3A_216 = arith.constant 80 : index
      %swap3A_217 = tpu.vector_load %arg7[%swap3A_216] {strides = array<i32>} : memref<256xi32, #tpu.memory_space<vmem>>, vector<16xi32>,
      tpu.vector_store %arg7[%swap3A_216], %select_n3A_215 {strides = array<i32>} : memref<256xi32, #tpu.memory_space<vmem>>, vector<16xi32>,
      %select_n3A_218 = arith.select %lt3A_207, %get3A_211, %add3A_107 : vector<16xi1>, vector<16xi32>
      %swap3A_219 = arith.constant 80 : index
      %swap3A_220 = tpu.vector_load %arg8[%swap3A_219] {strides = array<i32>} : memref<256xi32, #tpu.memory_space<vmem>>, vector<16xi32>,
      tpu.vector_store %arg8[%swap3A_219], %select_n3A_218 {strides = array<i32>} : memref<256xi32, #tpu.memory_space<vmem>>, vector<16xi32>,
      %add3A_221 = arith.constant 96 : i32
      %add3A_222 = arith.addi %mul3A_52, %add3A_221 : i32
      %add3A_223 = vector.broadcast %add3A_222 : i32 to vector<16xi32>
      %add3A_224 = arith.addi %add3A_223, %iota3A : vector<16xi32>
      %lt3A_225 = vector.broadcast %reduce_sum3A_16 : i32 to vector<16xi32>
      %lt3A_226 = arith.cmpi slt, %add3A_224, %lt3A_225 : vector<16xi32>
      %get3A_227 = arith.constant 96 : index
      %get3A_228 = tpu.vector_load %arg7[%get3A_227] {strides = array<i32>} : memref<256xi32, #tpu.memory_space<vmem>>, vector<16xi32>,
      %get3A_229 = arith.constant 96 : index
      %get3A_230 = tpu.vector_load %arg8[%get3A_229] {strides = array<i32>} : memref<256xi32, #tpu.memory_space<vmem>>, vector<16xi32>,
      %add3A_231 = arith.constant 96 : i32
      %add3A_232 = vector.broadcast %add3A_231 : i32 to vector<16xi32>
      %add3A_233 = arith.addi %add3A_77, %add3A_232 : vector<16xi32>
      %select_n3A_234 = arith.select %lt3A_226, %get3A_228, %add3A_233 : vector<16xi1>, vector<16xi32>
      %swap3A_235 = arith.constant 96 : index
      %swap3A_236 = tpu.vector_load %arg7[%swap3A_235] {strides = array<i32>} : memref<256xi32, #tpu.memory_space<vmem>>, vector<16xi32>,
      tpu.vector_store %arg7[%swap3A_235], %select_n3A_234 {strides = array<i32>} : memref<256xi32, #tpu.memory_space<vmem>>, vector<16xi32>,
      %select_n3A_237 = arith.select %lt3A_226, %get3A_230, %add3A_107 : vector<16xi1>, vector<16xi32>
      %swap3A_238 = arith.constant 96 : index
      %swap3A_239 = tpu.vector_load %arg8[%swap3A_238] {strides = array<i32>} : memref<256xi32, #tpu.memory_space<vmem>>, vector<16xi32>,
      tpu.vector_store %arg8[%swap3A_238], %select_n3A_237 {strides = array<i32>} : memref<256xi32, #tpu.memory_space<vmem>>, vector<16xi32>,
      %add3A_240 = arith.constant 112 : i32
      %add3A_241 = arith.addi %mul3A_52, %add3A_240 : i32
      %add3A_242 = vector.broadcast %add3A_241 : i32 to vector<16xi32>
      %add3A_243 = arith.addi %add3A_242, %iota3A : vector<16xi32>
      %lt3A_244 = vector.broadcast %reduce_sum3A_16 : i32 to vector<16xi32>
      %lt3A_245 = arith.cmpi slt, %add3A_243, %lt3A_244 : vector<16xi32>
      %get3A_246 = arith.constant 112 : index
      %get3A_247 = tpu.vector_load %arg7[%get3A_246] {strides = array<i32>} : memref<256xi32, #tpu.memory_space<vmem>>, vector<16xi32>,
      %get3A_248 = arith.constant 112 : index
      %get3A_249 = tpu.vector_load %arg8[%get3A_248] {strides = array<i32>} : memref<256xi32, #tpu.memory_space<vmem>>, vector<16xi32>,
      %add3A_250 = arith.constant 112 : i32
      %add3A_251 = vector.broadcast %add3A_250 : i32 to vector<16xi32>
      %add3A_252 = arith.addi %add3A_77, %add3A_251 : vector<16xi32>
      %select_n3A_253 = arith.select %lt3A_245, %get3A_247, %add3A_252 : vector<16xi1>, vector<16xi32>
      %swap3A_254 = arith.constant 112 : index
      %swap3A_255 = tpu.vector_load %arg7[%swap3A_254] {strides = array<i32>} : memref<256xi32, #tpu.memory_space<vmem>>, vector<16xi32>,
      tpu.vector_store %arg7[%swap3A_254], %select_n3A_253 {strides = array<i32>} : memref<256xi32, #tpu.memory_space<vmem>>, vector<16xi32>,
      %select_n3A_256 = arith.select %lt3A_245, %get3A_249, %add3A_107 : vector<16xi1>, vector<16xi32>
      %swap3A_257 = arith.constant 112 : index
      %swap3A_258 = tpu.vector_load %arg8[%swap3A_257] {strides = array<i32>} : memref<256xi32, #tpu.memory_space<vmem>>, vector<16xi32>,
      tpu.vector_store %arg8[%swap3A_257], %select_n3A_256 {strides = array<i32>} : memref<256xi32, #tpu.memory_space<vmem>>, vector<16xi32>,
      %add3A_259 = arith.constant 128 : i32
      %add3A_260 = arith.addi %mul3A_52, %add3A_259 : i32
      %add3A_261 = vector.broadcast %add3A_260 : i32 to vector<16xi32>
      %add3A_262 = arith.addi %add3A_261, %iota3A : vector<16xi32>
      %lt3A_263 = vector.broadcast %reduce_sum3A_16 : i32 to vector<16xi32>
      %lt3A_264 = arith.cmpi slt, %add3A_262, %lt3A_263 : vector<16xi32>
      %get3A_265 = arith.constant 128 : index
      %get3A_266 = tpu.vector_load %arg7[%get3A_265] {strides = array<i32>} : memref<256xi32, #tpu.memory_space<vmem>>, vector<16xi32>,
      %get3A_267 = arith.constant 128 : index
      %get3A_268 = tpu.vector_load %arg8[%get3A_267] {strides = array<i32>} : memref<256xi32, #tpu.memory_space<vmem>>, vector<16xi32>,
      %add3A_269 = arith.constant 128 : i32
      %add3A_270 = vector.broadcast %add3A_269 : i32 to vector<16xi32>
      %add3A_271 = arith.addi %add3A_77, %add3A_270 : vector<16xi32>
      %select_n3A_272 = arith.select %lt3A_264, %get3A_266, %add3A_271 : vector<16xi1>, vector<16xi32>
      %swap3A_273 = arith.constant 128 : index
      %swap3A_274 = tpu.vector_load %arg7[%swap3A_273] {strides = array<i32>} : memref<256xi32, #tpu.memory_space<vmem>>, vector<16xi32>,
      tpu.vector_store %arg7[%swap3A_273], %select_n3A_272 {strides = array<i32>} : memref<256xi32, #tpu.memory_space<vmem>>, vector<16xi32>,
      %select_n3A_275 = arith.select %lt3A_264, %get3A_268, %add3A_107 : vector<16xi1>, vector<16xi32>
      %swap3A_276 = arith.constant 128 : index
      %swap3A_277 = tpu.vector_load %arg8[%swap3A_276] {strides = array<i32>} : memref<256xi32, #tpu.memory_space<vmem>>, vector<16xi32>,
      tpu.vector_store %arg8[%swap3A_276], %select_n3A_275 {strides = array<i32>} : memref<256xi32, #tpu.memory_space<vmem>>, vector<16xi32>,
      %add3A_278 = arith.constant 144 : i32
      %add3A_279 = arith.addi %mul3A_52, %add3A_278 : i32
      %add3A_280 = vector.broadcast %add3A_279 : i32 to vector<16xi32>
      %add3A_281 = arith.addi %add3A_280, %iota3A : vector<16xi32>
      %lt3A_282 = vector.broadcast %reduce_sum3A_16 : i32 to vector<16xi32>
      %lt3A_283 = arith.cmpi slt, %add3A_281, %lt3A_282 : vector<16xi32>
      %get3A_284 = arith.constant 144 : index
      %get3A_285 = tpu.vector_load %arg7[%get3A_284] {strides = array<i32>} : memref<256xi32, #tpu.memory_space<vmem>>, vector<16xi32>,
      %get3A_286 = arith.constant 144 : index
      %get3A_287 = tpu.vector_load %arg8[%get3A_286] {strides = array<i32>} : memref<256xi32, #tpu.memory_space<vmem>>, vector<16xi32>,
      %add3A_288 = arith.constant 144 : i32
      %add3A_289 = vector.broadcast %add3A_288 : i32 to vector<16xi32>
      %add3A_290 = arith.addi %add3A_77, %add3A_289 : vector<16xi32>
      %select_n3A_291 = arith.select %lt3A_283, %get3A_285, %add3A_290 : vector<16xi1>, vector<16xi32>
      %swap3A_292 = arith.constant 144 : index
      %swap3A_293 = tpu.vector_load %arg7[%swap3A_292] {strides = array<i32>} : memref<256xi32, #tpu.memory_space<vmem>>, vector<16xi32>,
      tpu.vector_store %arg7[%swap3A_292], %select_n3A_291 {strides = array<i32>} : memref<256xi32, #tpu.memory_space<vmem>>, vector<16xi32>,
      %select_n3A_294 = arith.select %lt3A_283, %get3A_287, %add3A_107 : vector<16xi1>, vector<16xi32>
      %swap3A_295 = arith.constant 144 : index
      %swap3A_296 = tpu.vector_load %arg8[%swap3A_295] {strides = array<i32>} : memref<256xi32, #tpu.memory_space<vmem>>, vector<16xi32>,
      tpu.vector_store %arg8[%swap3A_295], %select_n3A_294 {strides = array<i32>} : memref<256xi32, #tpu.memory_space<vmem>>, vector<16xi32>,
      %add3A_297 = arith.constant 160 : i32
      %add3A_298 = arith.addi %mul3A_52, %add3A_297 : i32
      %add3A_299 = vector.broadcast %add3A_298 : i32 to vector<16xi32>
      %add3A_300 = arith.addi %add3A_299, %iota3A : vector<16xi32>
      %lt3A_301 = vector.broadcast %reduce_sum3A_16 : i32 to vector<16xi32>
      %lt3A_302 = arith.cmpi slt, %add3A_300, %lt3A_301 : vector<16xi32>
      %get3A_303 = arith.constant 160 : index
      %get3A_304 = tpu.vector_load %arg7[%get3A_303] {strides = array<i32>} : memref<256xi32, #tpu.memory_space<vmem>>, vector<16xi32>,
      %get3A_305 = arith.constant 160 : index
      %get3A_306 = tpu.vector_load %arg8[%get3A_305] {strides = array<i32>} : memref<256xi32, #tpu.memory_space<vmem>>, vector<16xi32>,
      %add3A_307 = arith.constant 160 : i32
      %add3A_308 = vector.broadcast %add3A_307 : i32 to vector<16xi32>
      %add3A_309 = arith.addi %add3A_77, %add3A_308 : vector<16xi32>
      %select_n3A_310 = arith.select %lt3A_302, %get3A_304, %add3A_309 : vector<16xi1>, vector<16xi32>
      %swap3A_311 = arith.constant 160 : index
      %swap3A_312 = tpu.vector_load %arg7[%swap3A_311] {strides = array<i32>} : memref<256xi32, #tpu.memory_space<vmem>>, vector<16xi32>,
      tpu.vector_store %arg7[%swap3A_311], %select_n3A_310 {strides = array<i32>} : memref<256xi32, #tpu.memory_space<vmem>>, vector<16xi32>,
      %select_n3A_313 = arith.select %lt3A_302, %get3A_306, %add3A_107 : vector<16xi1>, vector<16xi32>
      %swap3A_314 = arith.constant 160 : index
      %swap3A_315 = tpu.vector_load %arg8[%swap3A_314] {strides = array<i32>} : memref<256xi32, #tpu.memory_space<vmem>>, vector<16xi32>,
      tpu.vector_store %arg8[%swap3A_314], %select_n3A_313 {strides = array<i32>} : memref<256xi32, #tpu.memory_space<vmem>>, vector<16xi32>,
      %add3A_316 = arith.constant 176 : i32
      %add3A_317 = arith.addi %mul3A_52, %add3A_316 : i32
      %add3A_318 = vector.broadcast %add3A_317 : i32 to vector<16xi32>
      %add3A_319 = arith.addi %add3A_318, %iota3A : vector<16xi32>
      %lt3A_320 = vector.broadcast %reduce_sum3A_16 : i32 to vector<16xi32>
      %lt3A_321 = arith.cmpi slt, %add3A_319, %lt3A_320 : vector<16xi32>
      %get3A_322 = arith.constant 176 : index
      %get3A_323 = tpu.vector_load %arg7[%get3A_322] {strides = array<i32>} : memref<256xi32, #tpu.memory_space<vmem>>, vector<16xi32>,
      %get3A_324 = arith.constant 176 : index
      %get3A_325 = tpu.vector_load %arg8[%get3A_324] {strides = array<i32>} : memref<256xi32, #tpu.memory_space<vmem>>, vector<16xi32>,
      %add3A_326 = arith.constant 176 : i32
      %add3A_327 = vector.broadcast %add3A_326 : i32 to vector<16xi32>
      %add3A_328 = arith.addi %add3A_77, %add3A_327 : vector<16xi32>
      %select_n3A_329 = arith.select %lt3A_321, %get3A_323, %add3A_328 : vector<16xi1>, vector<16xi32>
      %swap3A_330 = arith.constant 176 : index
      %swap3A_331 = tpu.vector_load %arg7[%swap3A_330] {strides = array<i32>} : memref<256xi32, #tpu.memory_space<vmem>>, vector<16xi32>,
      tpu.vector_store %arg7[%swap3A_330], %select_n3A_329 {strides = array<i32>} : memref<256xi32, #tpu.memory_space<vmem>>, vector<16xi32>,
      %select_n3A_332 = arith.select %lt3A_321, %get3A_325, %add3A_107 : vector<16xi1>, vector<16xi32>
      %swap3A_333 = arith.constant 176 : index
      %swap3A_334 = tpu.vector_load %arg8[%swap3A_333] {strides = array<i32>} : memref<256xi32, #tpu.memory_space<vmem>>, vector<16xi32>,
      tpu.vector_store %arg8[%swap3A_333], %select_n3A_332 {strides = array<i32>} : memref<256xi32, #tpu.memory_space<vmem>>, vector<16xi32>,
      %add3A_335 = arith.constant 192 : i32
      %add3A_336 = arith.addi %mul3A_52, %add3A_335 : i32
      %add3A_337 = vector.broadcast %add3A_336 : i32 to vector<16xi32>
      %add3A_338 = arith.addi %add3A_337, %iota3A : vector<16xi32>
      %lt3A_339 = vector.broadcast %reduce_sum3A_16 : i32 to vector<16xi32>
      %lt3A_340 = arith.cmpi slt, %add3A_338, %lt3A_339 : vector<16xi32>
      %get3A_341 = arith.constant 192 : index
      %get3A_342 = tpu.vector_load %arg7[%get3A_341] {strides = array<i32>} : memref<256xi32, #tpu.memory_space<vmem>>, vector<16xi32>,
      %get3A_343 = arith.constant 192 : index
      %get3A_344 = tpu.vector_load %arg8[%get3A_343] {strides = array<i32>} : memref<256xi32, #tpu.memory_space<vmem>>, vector<16xi32>,
      %add3A_345 = arith.constant 192 : i32
      %add3A_346 = vector.broadcast %add3A_345 : i32 to vector<16xi32>
      %add3A_347 = arith.addi %add3A_77, %add3A_346 : vector<16xi32>
      %select_n3A_348 = arith.select %lt3A_340, %get3A_342, %add3A_347 : vector<16xi1>, vector<16xi32>
      %swap3A_349 = arith.constant 192 : index
      %swap3A_350 = tpu.vector_load %arg7[%swap3A_349] {strides = array<i32>} : memref<256xi32, #tpu.memory_space<vmem>>, vector<16xi32>,
      tpu.vector_store %arg7[%swap3A_349], %select_n3A_348 {strides = array<i32>} : memref<256xi32, #tpu.memory_space<vmem>>, vector<16xi32>,
      %select_n3A_351 = arith.select %lt3A_340, %get3A_344, %add3A_107 : vector<16xi1>, vector<16xi32>
      %swap3A_352 = arith.constant 192 : index
      %swap3A_353 = tpu.vector_load %arg8[%swap3A_352] {strides = array<i32>} : memref<256xi32, #tpu.memory_space<vmem>>, vector<16xi32>,
      tpu.vector_store %arg8[%swap3A_352], %select_n3A_351 {strides = array<i32>} : memref<256xi32, #tpu.memory_space<vmem>>, vector<16xi32>,
      %add3A_354 = arith.constant 208 : i32
      %add3A_355 = arith.addi %mul3A_52, %add3A_354 : i32
      %add3A_356 = vector.broadcast %add3A_355 : i32 to vector<16xi32>
      %add3A_357 = arith.addi %add3A_356, %iota3A : vector<16xi32>
      %lt3A_358 = vector.broadcast %reduce_sum3A_16 : i32 to vector<16xi32>
      %lt3A_359 = arith.cmpi slt, %add3A_357, %lt3A_358 : vector<16xi32>
      %get3A_360 = arith.constant 208 : index
      %get3A_361 = tpu.vector_load %arg7[%get3A_360] {strides = array<i32>} : memref<256xi32, #tpu.memory_space<vmem>>, vector<16xi32>,
      %get3A_362 = arith.constant 208 : index
      %get3A_363 = tpu.vector_load %arg8[%get3A_362] {strides = array<i32>} : memref<256xi32, #tpu.memory_space<vmem>>, vector<16xi32>,
      %add3A_364 = arith.constant 208 : i32
      %add3A_365 = vector.broadcast %add3A_364 : i32 to vector<16xi32>
      %add3A_366 = arith.addi %add3A_77, %add3A_365 : vector<16xi32>
      %select_n3A_367 = arith.select %lt3A_359, %get3A_361, %add3A_366 : vector<16xi1>, vector<16xi32>
      %swap3A_368 = arith.constant 208 : index
      %swap3A_369 = tpu.vector_load %arg7[%swap3A_368] {strides = array<i32>} : memref<256xi32, #tpu.memory_space<vmem>>, vector<16xi32>,
      tpu.vector_store %arg7[%swap3A_368], %select_n3A_367 {strides = array<i32>} : memref<256xi32, #tpu.memory_space<vmem>>, vector<16xi32>,
      %select_n3A_370 = arith.select %lt3A_359, %get3A_363, %add3A_107 : vector<16xi1>, vector<16xi32>
      %swap3A_371 = arith.constant 208 : index
      %swap3A_372 = tpu.vector_load %arg8[%swap3A_371] {strides = array<i32>} : memref<256xi32, #tpu.memory_space<vmem>>, vector<16xi32>,
      tpu.vector_store %arg8[%swap3A_371], %select_n3A_370 {strides = array<i32>} : memref<256xi32, #tpu.memory_space<vmem>>, vector<16xi32>,
      %add3A_373 = arith.constant 224 : i32
      %add3A_374 = arith.addi %mul3A_52, %add3A_373 : i32
      %add3A_375 = vector.broadcast %add3A_374 : i32 to vector<16xi32>
      %add3A_376 = arith.addi %add3A_375, %iota3A : vector<16xi32>
      %lt3A_377 = vector.broadcast %reduce_sum3A_16 : i32 to vector<16xi32>
      %lt3A_378 = arith.cmpi slt, %add3A_376, %lt3A_377 : vector<16xi32>
      %get3A_379 = arith.constant 224 : index
      %get3A_380 = tpu.vector_load %arg7[%get3A_379] {strides = array<i32>} : memref<256xi32, #tpu.memory_space<vmem>>, vector<16xi32>,
      %get3A_381 = arith.constant 224 : index
      %get3A_382 = tpu.vector_load %arg8[%get3A_381] {strides = array<i32>} : memref<256xi32, #tpu.memory_space<vmem>>, vector<16xi32>,
      %add3A_383 = arith.constant 224 : i32
      %add3A_384 = vector.broadcast %add3A_383 : i32 to vector<16xi32>
      %add3A_385 = arith.addi %add3A_77, %add3A_384 : vector<16xi32>
      %select_n3A_386 = arith.select %lt3A_378, %get3A_380, %add3A_385 : vector<16xi1>, vector<16xi32>
      %swap3A_387 = arith.constant 224 : index
      %swap3A_388 = tpu.vector_load %arg7[%swap3A_387] {strides = array<i32>} : memref<256xi32, #tpu.memory_space<vmem>>, vector<16xi32>,
      tpu.vector_store %arg7[%swap3A_387], %select_n3A_386 {strides = array<i32>} : memref<256xi32, #tpu.memory_space<vmem>>, vector<16xi32>,
      %select_n3A_389 = arith.select %lt3A_378, %get3A_382, %add3A_107 : vector<16xi1>, vector<16xi32>
      %swap3A_390 = arith.constant 224 : index
      %swap3A_391 = tpu.vector_load %arg8[%swap3A_390] {strides = array<i32>} : memref<256xi32, #tpu.memory_space<vmem>>, vector<16xi32>,
      tpu.vector_store %arg8[%swap3A_390], %select_n3A_389 {strides = array<i32>} : memref<256xi32, #tpu.memory_space<vmem>>, vector<16xi32>,
      %add3A_392 = arith.constant 240 : i32
      %add3A_393 = arith.addi %mul3A_52, %add3A_392 : i32
      %add3A_394 = vector.broadcast %add3A_393 : i32 to vector<16xi32>
      %add3A_395 = arith.addi %add3A_394, %iota3A : vector<16xi32>
      %lt3A_396 = vector.broadcast %reduce_sum3A_16 : i32 to vector<16xi32>
      %lt3A_397 = arith.cmpi slt, %add3A_395, %lt3A_396 : vector<16xi32>
      %get3A_398 = arith.constant 240 : index
      %get3A_399 = tpu.vector_load %arg7[%get3A_398] {strides = array<i32>} : memref<256xi32, #tpu.memory_space<vmem>>, vector<16xi32>,
      %get3A_400 = arith.constant 240 : index
      %get3A_401 = tpu.vector_load %arg8[%get3A_400] {strides = array<i32>} : memref<256xi32, #tpu.memory_space<vmem>>, vector<16xi32>,
      %add3A_402 = arith.constant 240 : i32
      %add3A_403 = vector.broadcast %add3A_402 : i32 to vector<16xi32>
      %add3A_404 = arith.addi %add3A_77, %add3A_403 : vector<16xi32>
      %select_n3A_405 = arith.select %lt3A_397, %get3A_399, %add3A_404 : vector<16xi1>, vector<16xi32>
      %swap3A_406 = arith.constant 240 : index
      %swap3A_407 = tpu.vector_load %arg7[%swap3A_406] {strides = array<i32>} : memref<256xi32, #tpu.memory_space<vmem>>, vector<16xi32>,
      tpu.vector_store %arg7[%swap3A_406], %select_n3A_405 {strides = array<i32>} : memref<256xi32, #tpu.memory_space<vmem>>, vector<16xi32>,
      %select_n3A_408 = arith.select %lt3A_397, %get3A_401, %add3A_107 : vector<16xi1>, vector<16xi32>
      %swap3A_409 = arith.constant 240 : index
      %swap3A_410 = tpu.vector_load %arg8[%swap3A_409] {strides = array<i32>} : memref<256xi32, #tpu.memory_space<vmem>>, vector<16xi32>,
      tpu.vector_store %arg8[%swap3A_409], %select_n3A_408 {strides = array<i32>} : memref<256xi32, #tpu.memory_space<vmem>>, vector<16xi32>,
      %dma_start3A = arith.constant 0 : i32
      %dma_start3A_411 = arith.constant 0 : i32
      %dma_start3A_412 = tpu.memref_slice %arg2[%dma_start3A, %dma_start3A_411] : memref<10000x128xf32, #tpu.memory_space<hbm>> -> memref<10000x128xf32, #tpu.memory_space<hbm>>
      tpu.enqueue_indirect_dma source(%dma_start3A_412 : memref<10000x128xf32, #tpu.memory_space<hbm>>) target(%arg9 : memref<256x128xf32, #tpu.memory_space<vmem>>) offsets(%arg7 : memref<256xi32, #tpu.memory_space<vmem>>) semaphore(%arg12 : memref<!tpu.dma_semaphore, #tpu.memory_space<semaphore_mem>>)
      %dma_wait3A = arith.constant 0 : i32
      %dma_wait3A_413 = arith.constant 0 : i32
      %dma_wait3A_414 = tpu.memref_slice %arg2[%dma_wait3A, %dma_wait3A_413] : memref<10000x128xf32, #tpu.memory_space<hbm>> -> memref<10000x128xf32, #tpu.memory_space<hbm>>
      tpu.wait_indirect_dma semaphore(%arg12 : memref<!tpu.dma_semaphore, #tpu.memory_space<semaphore_mem>>) src(%dma_wait3A_414 : memref<10000x128xf32, #tpu.memory_space<hbm>>) dst(%arg9 : memref<256x128xf32, #tpu.memory_space<vmem>>)
      "tpu.region"() ({
        %run_scoped3A = tpu.sem_alloc : memref<!tpu.dma_semaphore, #tpu.memory_space<semaphore_mem>>
        %dma_start3A_415 = arith.constant 0 : i32
        %dma_start3A_416 = arith.constant 0 : i32
        %dma_start3A_417 = tpu.memref_slice %arg11[%dma_start3A_415, %dma_start3A_416] : memref<10240x128xf32, #tpu.memory_space<vmem_shared>> -> memref<10240x128xf32, #tpu.memory_space<vmem_shared>>
        tpu.enqueue_indirect_dma source(%arg9 : memref<256x128xf32, #tpu.memory_space<vmem>>) target(%dma_start3A_417 : memref<10240x128xf32, #tpu.memory_space<vmem_shared>>) offsets(%arg8 : memref<256xi32, #tpu.memory_space<vmem>>) semaphore(%run_scoped3A : memref<!tpu.dma_semaphore, #tpu.memory_space<semaphore_mem>>) {add = true}
        %dma_wait3A_418 = arith.constant 0 : i32
        %dma_wait3A_419 = arith.constant 0 : i32
        %dma_wait3A_420 = tpu.memref_slice %arg11[%dma_wait3A_418, %dma_wait3A_419] : memref<10240x128xf32, #tpu.memory_space<vmem_shared>> -> memref<10240x128xf32, #tpu.memory_space<vmem_shared>>
        tpu.wait_indirect_dma semaphore(%run_scoped3A : memref<!tpu.dma_semaphore, #tpu.memory_space<semaphore_mem>>) src(%arg9 : memref<256x128xf32, #tpu.memory_space<vmem>>) dst(%dma_wait3A_420 : memref<10240x128xf32, #tpu.memory_space<vmem_shared>>)
        tpu.yield
      }) : () -> ()
    }
    %barrier3A_46 = arith.constant 0 : index
    tpu.barrier barrier_id(%barrier3A_46)
    %mul3A_47 = arith.constant 10240 : i32
    %mul3A_48 = arith.muli %arg0, %mul3A_47 : i32
    %add3A_49 = arith.addi %mul3A_48, %mul3A_8 : i32
    "tpu.region"() ({
      %run_scoped3A = tpu.sem_alloc : memref<!tpu.dma_semaphore, #tpu.memory_space<semaphore_mem>>
      %dma_start3A = arith.constant 0 : i32
      %dma_start3A_50 = tpu.memref_slice %arg6[%add3A_49, %dma_start3A] : memref<20480x128xf32, #tpu.memory_space<hbm>> -> memref<640x128xf32, #tpu.memory_space<hbm>>
      %dma_start3A_51 = arith.constant 0 : i32
      %dma_start3A_52 = tpu.memref_slice %arg11[%mul3A_8, %dma_start3A_51] : memref<10240x128xf32, #tpu.memory_space<vmem_shared>> -> memref<640x128xf32, #tpu.memory_space<vmem_shared>>
      tpu.enqueue_dma source(%dma_start3A_52 : memref<640x128xf32, #tpu.memory_space<vmem_shared>>) target(%dma_start3A_50 : memref<640x128xf32, #tpu.memory_space<hbm>>) target_semaphore(%run_scoped3A : memref<!tpu.dma_semaphore, #tpu.memory_space<semaphore_mem>>)
      %dma_wait3A = arith.constant 0 : i32
      %dma_wait3A_53 = tpu.memref_slice %arg6[%add3A_49, %dma_wait3A] : memref<20480x128xf32, #tpu.memory_space<hbm>> -> memref<640x128xf32, #tpu.memory_space<hbm>>
      %dma_wait3A_54 = arith.constant 0 : i32
      %dma_wait3A_55 = tpu.memref_slice %arg11[%mul3A_8, %dma_wait3A_54] : memref<10240x128xf32, #tpu.memory_space<vmem_shared>> -> memref<640x128xf32, #tpu.memory_space<vmem_shared>>
      tpu.wait_dma2 semaphore(%run_scoped3A : memref<!tpu.dma_semaphore, #tpu.memory_space<semaphore_mem>>) src(%dma_wait3A_55 : memref<640x128xf32, #tpu.memory_space<vmem_shared>>) dst(%dma_wait3A_53 : memref<640x128xf32, #tpu.memory_space<hbm>>)
      tpu.yield
    }) : () -> ()
    return
  }
}

#map = affine_map<(d0, d1) -> (0)>
#map1 = affine_map<(d0, d1) -> (0, 0)>
module attributes {stable_mosaic.version = 14 : i64} {
  func.func @_edge_kernel(%arg0: i32, %arg1: i32, %arg2: memref<320000xi32, #tpu.memory_space<hbm>>, %arg3: memref<320000xi32, #tpu.memory_space<hbm>>, %arg4: memref<10000xi32, #tpu.memory_space<hbm>>, %arg5: memref<20480xf32, #tpu.memory_space<hbm>>, %arg6: memref<256xf32, #tpu.memory_space<hbm>>, %arg7: memref<327680xi32, #tpu.memory_space<hbm>>, %arg8: memref<327680xi32, #tpu.memory_space<hbm>>, %arg9: memref<32x16xi32, #tpu.memory_space<hbm>>, %arg10: memref<10000xi32, #tpu.memory_space<vmem>>, %arg11: memref<10000xi32, #tpu.memory_space<vmem>>, %arg12: memref<10000xi32, #tpu.memory_space<vmem>>, %arg13: memref<640xf32, #tpu.memory_space<vmem>>, %arg14: memref<256xf32, #tpu.memory_space<vmem>>, %arg15: memref<256xi32, #tpu.memory_space<vmem>>, %arg16: memref<10240xi32, #tpu.memory_space<vmem>>, %arg17: memref<10240xi32, #tpu.memory_space<vmem>>, %arg18: memref<16xi32, #tpu.memory_space<vmem>>, %arg19: memref<128xi32, #tpu.memory_space<vmem>>, %arg20: memref<128xf32, #tpu.memory_space<vmem>>, %arg21: memref<10240xf32, #tpu.memory_space<vmem_shared>>, %arg22: memref<128xf32, #tpu.memory_space<vmem_shared>>) attributes {dimension_semantics = [#tpu.dimension_semantics<core_parallel>, #tpu.dimension_semantics<subcore_parallel>], iteration_bounds = array<i64: 2, 16>, scalar_prefetch = 0 : i64, scratch_operands = 13 : i64, tpu.core_type = #tpu.core_type<sc_vector_subcore>, window_params = [{transform_indices = #map}, {transform_indices = #map}, {transform_indices = #map}, {transform_indices = #map}, {transform_indices = #map}, {transform_indices = #map}, {transform_indices = #map}, {transform_indices = #map1}]} {
    %mul3A = arith.constant 2 : i32
    %mul3A_0 = arith.muli %arg1, %mul3A : i32
    %add3A = arith.addi %mul3A_0, %arg0 : i32
    %mul3A_1 = arith.constant 10000 : i32
    %mul3A_2 = arith.muli %add3A, %mul3A_1 : i32
    %iota3A = tpu.iota {dimensions = array<i32: 0>} : vector<16xi32>
    %broadcast_in_dim3A = arith.constant 0.000000e+00 : f32
    %broadcast_in_dim3A_3 = vector.broadcast %broadcast_in_dim3A : f32 to vector<16xf32>
    "tpu.region"() ({
      %run_scoped3A = tpu.sem_alloc : memref<!tpu.dma_semaphore, #tpu.memory_space<semaphore_mem>>
      tpu.enqueue_dma source(%arg4 : memref<10000xi32, #tpu.memory_space<hbm>>) target(%arg10 : memref<10000xi32, #tpu.memory_space<vmem>>) target_semaphore(%run_scoped3A : memref<!tpu.dma_semaphore, #tpu.memory_space<semaphore_mem>>)
      tpu.wait_dma2 semaphore(%run_scoped3A : memref<!tpu.dma_semaphore, #tpu.memory_space<semaphore_mem>>) src(%arg4 : memref<10000xi32, #tpu.memory_space<hbm>>) dst(%arg10 : memref<10000xi32, #tpu.memory_space<vmem>>)
      tpu.yield
    }) : () -> ()
    "tpu.region"() ({
      %run_scoped3A = tpu.sem_alloc : memref<!tpu.dma_semaphore, #tpu.memory_space<semaphore_mem>>
      %dma_start3A = tpu.memref_slice %arg2[%mul3A_2] : memref<320000xi32, #tpu.memory_space<hbm>> -> memref<10000xi32, #tpu.memory_space<hbm>>
      %dma_start3A_343 = tpu.memref_slice %arg2[%mul3A_2] : memref<320000xi32, #tpu.memory_space<hbm>> -> memref<10000xi32, #tpu.memory_space<hbm>>
      tpu.enqueue_dma source(%dma_start3A_343 : memref<10000xi32, #tpu.memory_space<hbm>>) target(%arg11 : memref<10000xi32, #tpu.memory_space<vmem>>) target_semaphore(%run_scoped3A : memref<!tpu.dma_semaphore, #tpu.memory_space<semaphore_mem>>)
      %dma_wait3A = tpu.memref_slice %arg2[%mul3A_2] : memref<320000xi32, #tpu.memory_space<hbm>> -> memref<10000xi32, #tpu.memory_space<hbm>>
      %dma_wait3A_344 = tpu.memref_slice %arg2[%mul3A_2] : memref<320000xi32, #tpu.memory_space<hbm>> -> memref<10000xi32, #tpu.memory_space<hbm>>
      tpu.wait_dma2 semaphore(%run_scoped3A : memref<!tpu.dma_semaphore, #tpu.memory_space<semaphore_mem>>) src(%dma_wait3A_344 : memref<10000xi32, #tpu.memory_space<hbm>>) dst(%arg11 : memref<10000xi32, #tpu.memory_space<vmem>>)
      tpu.yield
    }) : () -> ()
    "tpu.region"() ({
      %run_scoped3A = tpu.sem_alloc : memref<!tpu.dma_semaphore, #tpu.memory_space<semaphore_mem>>
      %dma_start3A = tpu.memref_slice %arg3[%mul3A_2] : memref<320000xi32, #tpu.memory_space<hbm>> -> memref<10000xi32, #tpu.memory_space<hbm>>
      %dma_start3A_343 = tpu.memref_slice %arg3[%mul3A_2] : memref<320000xi32, #tpu.memory_space<hbm>> -> memref<10000xi32, #tpu.memory_space<hbm>>
      tpu.enqueue_dma source(%dma_start3A_343 : memref<10000xi32, #tpu.memory_space<hbm>>) target(%arg12 : memref<10000xi32, #tpu.memory_space<vmem>>) target_semaphore(%run_scoped3A : memref<!tpu.dma_semaphore, #tpu.memory_space<semaphore_mem>>)
      %dma_wait3A = tpu.memref_slice %arg3[%mul3A_2] : memref<320000xi32, #tpu.memory_space<hbm>> -> memref<10000xi32, #tpu.memory_space<hbm>>
      %dma_wait3A_344 = tpu.memref_slice %arg3[%mul3A_2] : memref<320000xi32, #tpu.memory_space<hbm>> -> memref<10000xi32, #tpu.memory_space<hbm>>
      tpu.wait_dma2 semaphore(%run_scoped3A : memref<!tpu.dma_semaphore, #tpu.memory_space<semaphore_mem>>) src(%dma_wait3A_344 : memref<10000xi32, #tpu.memory_space<hbm>>) dst(%arg12 : memref<10000xi32, #tpu.memory_space<vmem>>)
      tpu.yield
    }) : () -> ()
    %broadcast_in_dim3A_4 = arith.constant 1.000000e+00 : f32
    %broadcast_in_dim3A_5 = vector.broadcast %broadcast_in_dim3A_4 : f32 to vector<16xf32>
    %swap3A = arith.constant 0 : index
    %swap3A_6 = tpu.vector_load %arg13[%swap3A] {strides = array<i32>} : memref<640xf32, #tpu.memory_space<vmem>>, vector<16xf32>,
    tpu.vector_store %arg13[%swap3A], %broadcast_in_dim3A_3 {strides = array<i32>} : memref<640xf32, #tpu.memory_space<vmem>>, vector<16xf32>,
    %swap3A_7 = arith.constant 16 : index
    %swap3A_8 = tpu.vector_load %arg13[%swap3A_7] {strides = array<i32>} : memref<640xf32, #tpu.memory_space<vmem>>, vector<16xf32>,
    tpu.vector_store %arg13[%swap3A_7], %broadcast_in_dim3A_3 {strides = array<i32>} : memref<640xf32, #tpu.memory_space<vmem>>, vector<16xf32>,
    %swap3A_9 = arith.constant 32 : index
    %swap3A_10 = tpu.vector_load %arg13[%swap3A_9] {strides = array<i32>} : memref<640xf32, #tpu.memory_space<vmem>>, vector<16xf32>,
    tpu.vector_store %arg13[%swap3A_9], %broadcast_in_dim3A_3 {strides = array<i32>} : memref<640xf32, #tpu.memory_space<vmem>>, vector<16xf32>,
    %swap3A_11 = arith.constant 48 : index
    %swap3A_12 = tpu.vector_load %arg13[%swap3A_11] {strides = array<i32>} : memref<640xf32, #tpu.memory_space<vmem>>, vector<16xf32>,
    tpu.vector_store %arg13[%swap3A_11], %broadcast_in_dim3A_3 {strides = array<i32>} : memref<640xf32, #tpu.memory_space<vmem>>, vector<16xf32>,
    %swap3A_13 = arith.constant 64 : index
    %swap3A_14 = tpu.vector_load %arg13[%swap3A_13] {strides = array<i32>} : memref<640xf32, #tpu.memory_space<vmem>>, vector<16xf32>,
    tpu.vector_store %arg13[%swap3A_13], %broadcast_in_dim3A_3 {strides = array<i32>} : memref<640xf32, #tpu.memory_space<vmem>>, vector<16xf32>,
    %swap3A_15 = arith.constant 80 : index
    %swap3A_16 = tpu.vector_load %arg13[%swap3A_15] {strides = array<i32>} : memref<640xf32, #tpu.memory_space<vmem>>, vector<16xf32>,
    tpu.vector_store %arg13[%swap3A_15], %broadcast_in_dim3A_3 {strides = array<i32>} : memref<640xf32, #tpu.memory_space<vmem>>, vector<16xf32>,
    %swap3A_17 = arith.constant 96 : index
    %swap3A_18 = tpu.vector_load %arg13[%swap3A_17] {strides = array<i32>} : memref<640xf32, #tpu.memory_space<vmem>>, vector<16xf32>,
    tpu.vector_store %arg13[%swap3A_17], %broadcast_in_dim3A_3 {strides = array<i32>} : memref<640xf32, #tpu.memory_space<vmem>>, vector<16xf32>,
    %swap3A_19 = arith.constant 112 : index
    %swap3A_20 = tpu.vector_load %arg13[%swap3A_19] {strides = array<i32>} : memref<640xf32, #tpu.memory_space<vmem>>, vector<16xf32>,
    tpu.vector_store %arg13[%swap3A_19], %broadcast_in_dim3A_3 {strides = array<i32>} : memref<640xf32, #tpu.memory_space<vmem>>, vector<16xf32>,
    %swap3A_21 = arith.constant 128 : index
    %swap3A_22 = tpu.vector_load %arg13[%swap3A_21] {strides = array<i32>} : memref<640xf32, #tpu.memory_space<vmem>>, vector<16xf32>,
    tpu.vector_store %arg13[%swap3A_21], %broadcast_in_dim3A_3 {strides = array<i32>} : memref<640xf32, #tpu.memory_space<vmem>>, vector<16xf32>,
    %swap3A_23 = arith.constant 144 : index
    %swap3A_24 = tpu.vector_load %arg13[%swap3A_23] {strides = array<i32>} : memref<640xf32, #tpu.memory_space<vmem>>, vector<16xf32>,
    tpu.vector_store %arg13[%swap3A_23], %broadcast_in_dim3A_3 {strides = array<i32>} : memref<640xf32, #tpu.memory_space<vmem>>, vector<16xf32>,
    %swap3A_25 = arith.constant 160 : index
    %swap3A_26 = tpu.vector_load %arg13[%swap3A_25] {strides = array<i32>} : memref<640xf32, #tpu.memory_space<vmem>>, vector<16xf32>,
    tpu.vector_store %arg13[%swap3A_25], %broadcast_in_dim3A_3 {strides = array<i32>} : memref<640xf32, #tpu.memory_space<vmem>>, vector<16xf32>,
    %swap3A_27 = arith.constant 176 : index
    %swap3A_28 = tpu.vector_load %arg13[%swap3A_27] {strides = array<i32>} : memref<640xf32, #tpu.memory_space<vmem>>, vector<16xf32>,
    tpu.vector_store %arg13[%swap3A_27], %broadcast_in_dim3A_3 {strides = array<i32>} : memref<640xf32, #tpu.memory_space<vmem>>, vector<16xf32>,
    %swap3A_29 = arith.constant 192 : index
    %swap3A_30 = tpu.vector_load %arg13[%swap3A_29] {strides = array<i32>} : memref<640xf32, #tpu.memory_space<vmem>>, vector<16xf32>,
    tpu.vector_store %arg13[%swap3A_29], %broadcast_in_dim3A_3 {strides = array<i32>} : memref<640xf32, #tpu.memory_space<vmem>>, vector<16xf32>,
    %swap3A_31 = arith.constant 208 : index
    %swap3A_32 = tpu.vector_load %arg13[%swap3A_31] {strides = array<i32>} : memref<640xf32, #tpu.memory_space<vmem>>, vector<16xf32>,
    tpu.vector_store %arg13[%swap3A_31], %broadcast_in_dim3A_3 {strides = array<i32>} : memref<640xf32, #tpu.memory_space<vmem>>, vector<16xf32>,
    %swap3A_33 = arith.constant 224 : index
    %swap3A_34 = tpu.vector_load %arg13[%swap3A_33] {strides = array<i32>} : memref<640xf32, #tpu.memory_space<vmem>>, vector<16xf32>,
    tpu.vector_store %arg13[%swap3A_33], %broadcast_in_dim3A_3 {strides = array<i32>} : memref<640xf32, #tpu.memory_space<vmem>>, vector<16xf32>,
    %swap3A_35 = arith.constant 240 : index
    %swap3A_36 = tpu.vector_load %arg13[%swap3A_35] {strides = array<i32>} : memref<640xf32, #tpu.memory_space<vmem>>, vector<16xf32>,
    tpu.vector_store %arg13[%swap3A_35], %broadcast_in_dim3A_3 {strides = array<i32>} : memref<640xf32, #tpu.memory_space<vmem>>, vector<16xf32>,
    %swap3A_37 = arith.constant 256 : index
    %swap3A_38 = tpu.vector_load %arg13[%swap3A_37] {strides = array<i32>} : memref<640xf32, #tpu.memory_space<vmem>>, vector<16xf32>,
    tpu.vector_store %arg13[%swap3A_37], %broadcast_in_dim3A_3 {strides = array<i32>} : memref<640xf32, #tpu.memory_space<vmem>>, vector<16xf32>,
    %swap3A_39 = arith.constant 272 : index
    %swap3A_40 = tpu.vector_load %arg13[%swap3A_39] {strides = array<i32>} : memref<640xf32, #tpu.memory_space<vmem>>, vector<16xf32>,
    tpu.vector_store %arg13[%swap3A_39], %broadcast_in_dim3A_3 {strides = array<i32>} : memref<640xf32, #tpu.memory_space<vmem>>, vector<16xf32>,
    %swap3A_41 = arith.constant 288 : index
    %swap3A_42 = tpu.vector_load %arg13[%swap3A_41] {strides = array<i32>} : memref<640xf32, #tpu.memory_space<vmem>>, vector<16xf32>,
    tpu.vector_store %arg13[%swap3A_41], %broadcast_in_dim3A_3 {strides = array<i32>} : memref<640xf32, #tpu.memory_space<vmem>>, vector<16xf32>,
    %swap3A_43 = arith.constant 304 : index
    %swap3A_44 = tpu.vector_load %arg13[%swap3A_43] {strides = array<i32>} : memref<640xf32, #tpu.memory_space<vmem>>, vector<16xf32>,
    tpu.vector_store %arg13[%swap3A_43], %broadcast_in_dim3A_3 {strides = array<i32>} : memref<640xf32, #tpu.memory_space<vmem>>, vector<16xf32>,
    %swap3A_45 = arith.constant 320 : index
    %swap3A_46 = tpu.vector_load %arg13[%swap3A_45] {strides = array<i32>} : memref<640xf32, #tpu.memory_space<vmem>>, vector<16xf32>,
    tpu.vector_store %arg13[%swap3A_45], %broadcast_in_dim3A_3 {strides = array<i32>} : memref<640xf32, #tpu.memory_space<vmem>>, vector<16xf32>,
    %swap3A_47 = arith.constant 336 : index
    %swap3A_48 = tpu.vector_load %arg13[%swap3A_47] {strides = array<i32>} : memref<640xf32, #tpu.memory_space<vmem>>, vector<16xf32>,
    tpu.vector_store %arg13[%swap3A_47], %broadcast_in_dim3A_3 {strides = array<i32>} : memref<640xf32, #tpu.memory_space<vmem>>, vector<16xf32>,
    %swap3A_49 = arith.constant 352 : index
    %swap3A_50 = tpu.vector_load %arg13[%swap3A_49] {strides = array<i32>} : memref<640xf32, #tpu.memory_space<vmem>>, vector<16xf32>,
    tpu.vector_store %arg13[%swap3A_49], %broadcast_in_dim3A_3 {strides = array<i32>} : memref<640xf32, #tpu.memory_space<vmem>>, vector<16xf32>,
    %swap3A_51 = arith.constant 368 : index
    %swap3A_52 = tpu.vector_load %arg13[%swap3A_51] {strides = array<i32>} : memref<640xf32, #tpu.memory_space<vmem>>, vector<16xf32>,
    tpu.vector_store %arg13[%swap3A_51], %broadcast_in_dim3A_3 {strides = array<i32>} : memref<640xf32, #tpu.memory_space<vmem>>, vector<16xf32>,
    %swap3A_53 = arith.constant 384 : index
    %swap3A_54 = tpu.vector_load %arg13[%swap3A_53] {strides = array<i32>} : memref<640xf32, #tpu.memory_space<vmem>>, vector<16xf32>,
    tpu.vector_store %arg13[%swap3A_53], %broadcast_in_dim3A_3 {strides = array<i32>} : memref<640xf32, #tpu.memory_space<vmem>>, vector<16xf32>,
    %swap3A_55 = arith.constant 400 : index
    %swap3A_56 = tpu.vector_load %arg13[%swap3A_55] {strides = array<i32>} : memref<640xf32, #tpu.memory_space<vmem>>, vector<16xf32>,
    tpu.vector_store %arg13[%swap3A_55], %broadcast_in_dim3A_3 {strides = array<i32>} : memref<640xf32, #tpu.memory_space<vmem>>, vector<16xf32>,
    %swap3A_57 = arith.constant 416 : index
    %swap3A_58 = tpu.vector_load %arg13[%swap3A_57] {strides = array<i32>} : memref<640xf32, #tpu.memory_space<vmem>>, vector<16xf32>,
    tpu.vector_store %arg13[%swap3A_57], %broadcast_in_dim3A_3 {strides = array<i32>} : memref<640xf32, #tpu.memory_space<vmem>>, vector<16xf32>,
    %swap3A_59 = arith.constant 432 : index
    %swap3A_60 = tpu.vector_load %arg13[%swap3A_59] {strides = array<i32>} : memref<640xf32, #tpu.memory_space<vmem>>, vector<16xf32>,
    tpu.vector_store %arg13[%swap3A_59], %broadcast_in_dim3A_3 {strides = array<i32>} : memref<640xf32, #tpu.memory_space<vmem>>, vector<16xf32>,
    %swap3A_61 = arith.constant 448 : index
    %swap3A_62 = tpu.vector_load %arg13[%swap3A_61] {strides = array<i32>} : memref<640xf32, #tpu.memory_space<vmem>>, vector<16xf32>,
    tpu.vector_store %arg13[%swap3A_61], %broadcast_in_dim3A_3 {strides = array<i32>} : memref<640xf32, #tpu.memory_space<vmem>>, vector<16xf32>,
    %swap3A_63 = arith.constant 464 : index
    %swap3A_64 = tpu.vector_load %arg13[%swap3A_63] {strides = array<i32>} : memref<640xf32, #tpu.memory_space<vmem>>, vector<16xf32>,
    tpu.vector_store %arg13[%swap3A_63], %broadcast_in_dim3A_3 {strides = array<i32>} : memref<640xf32, #tpu.memory_space<vmem>>, vector<16xf32>,
    %swap3A_65 = arith.constant 480 : index
    %swap3A_66 = tpu.vector_load %arg13[%swap3A_65] {strides = array<i32>} : memref<640xf32, #tpu.memory_space<vmem>>, vector<16xf32>,
    tpu.vector_store %arg13[%swap3A_65], %broadcast_in_dim3A_3 {strides = array<i32>} : memref<640xf32, #tpu.memory_space<vmem>>, vector<16xf32>,
    %swap3A_67 = arith.constant 496 : index
    %swap3A_68 = tpu.vector_load %arg13[%swap3A_67] {strides = array<i32>} : memref<640xf32, #tpu.memory_space<vmem>>, vector<16xf32>,
    tpu.vector_store %arg13[%swap3A_67], %broadcast_in_dim3A_3 {strides = array<i32>} : memref<640xf32, #tpu.memory_space<vmem>>, vector<16xf32>,
    %swap3A_69 = arith.constant 512 : index
    %swap3A_70 = tpu.vector_load %arg13[%swap3A_69] {strides = array<i32>} : memref<640xf32, #tpu.memory_space<vmem>>, vector<16xf32>,
    tpu.vector_store %arg13[%swap3A_69], %broadcast_in_dim3A_3 {strides = array<i32>} : memref<640xf32, #tpu.memory_space<vmem>>, vector<16xf32>,
    %swap3A_71 = arith.constant 528 : index
    %swap3A_72 = tpu.vector_load %arg13[%swap3A_71] {strides = array<i32>} : memref<640xf32, #tpu.memory_space<vmem>>, vector<16xf32>,
    tpu.vector_store %arg13[%swap3A_71], %broadcast_in_dim3A_3 {strides = array<i32>} : memref<640xf32, #tpu.memory_space<vmem>>, vector<16xf32>,
    %swap3A_73 = arith.constant 544 : index
    %swap3A_74 = tpu.vector_load %arg13[%swap3A_73] {strides = array<i32>} : memref<640xf32, #tpu.memory_space<vmem>>, vector<16xf32>,
    tpu.vector_store %arg13[%swap3A_73], %broadcast_in_dim3A_3 {strides = array<i32>} : memref<640xf32, #tpu.memory_space<vmem>>, vector<16xf32>,
    %swap3A_75 = arith.constant 560 : index
    %swap3A_76 = tpu.vector_load %arg13[%swap3A_75] {strides = array<i32>} : memref<640xf32, #tpu.memory_space<vmem>>, vector<16xf32>,
    tpu.vector_store %arg13[%swap3A_75], %broadcast_in_dim3A_3 {strides = array<i32>} : memref<640xf32, #tpu.memory_space<vmem>>, vector<16xf32>,
    %swap3A_77 = arith.constant 576 : index
    %swap3A_78 = tpu.vector_load %arg13[%swap3A_77] {strides = array<i32>} : memref<640xf32, #tpu.memory_space<vmem>>, vector<16xf32>,
    tpu.vector_store %arg13[%swap3A_77], %broadcast_in_dim3A_3 {strides = array<i32>} : memref<640xf32, #tpu.memory_space<vmem>>, vector<16xf32>,
    %swap3A_79 = arith.constant 592 : index
    %swap3A_80 = tpu.vector_load %arg13[%swap3A_79] {strides = array<i32>} : memref<640xf32, #tpu.memory_space<vmem>>, vector<16xf32>,
    tpu.vector_store %arg13[%swap3A_79], %broadcast_in_dim3A_3 {strides = array<i32>} : memref<640xf32, #tpu.memory_space<vmem>>, vector<16xf32>,
    %swap3A_81 = arith.constant 608 : index
    %swap3A_82 = tpu.vector_load %arg13[%swap3A_81] {strides = array<i32>} : memref<640xf32, #tpu.memory_space<vmem>>, vector<16xf32>,
    tpu.vector_store %arg13[%swap3A_81], %broadcast_in_dim3A_3 {strides = array<i32>} : memref<640xf32, #tpu.memory_space<vmem>>, vector<16xf32>,
    %swap3A_83 = arith.constant 624 : index
    %swap3A_84 = tpu.vector_load %arg13[%swap3A_83] {strides = array<i32>} : memref<640xf32, #tpu.memory_space<vmem>>, vector<16xf32>,
    tpu.vector_store %arg13[%swap3A_83], %broadcast_in_dim3A_3 {strides = array<i32>} : memref<640xf32, #tpu.memory_space<vmem>>, vector<16xf32>,
    %swap3A_85 = arith.constant 0 : index
    %swap3A_86 = tpu.vector_load %arg14[%swap3A_85] {strides = array<i32>} : memref<256xf32, #tpu.memory_space<vmem>>, vector<16xf32>,
    tpu.vector_store %arg14[%swap3A_85], %broadcast_in_dim3A_5 {strides = array<i32>} : memref<256xf32, #tpu.memory_space<vmem>>, vector<16xf32>,
    %swap3A_87 = arith.constant 16 : index
    %swap3A_88 = tpu.vector_load %arg14[%swap3A_87] {strides = array<i32>} : memref<256xf32, #tpu.memory_space<vmem>>, vector<16xf32>,
    tpu.vector_store %arg14[%swap3A_87], %broadcast_in_dim3A_5 {strides = array<i32>} : memref<256xf32, #tpu.memory_space<vmem>>, vector<16xf32>,
    %swap3A_89 = arith.constant 32 : index
    %swap3A_90 = tpu.vector_load %arg14[%swap3A_89] {strides = array<i32>} : memref<256xf32, #tpu.memory_space<vmem>>, vector<16xf32>,
    tpu.vector_store %arg14[%swap3A_89], %broadcast_in_dim3A_5 {strides = array<i32>} : memref<256xf32, #tpu.memory_space<vmem>>, vector<16xf32>,
    %swap3A_91 = arith.constant 48 : index
    %swap3A_92 = tpu.vector_load %arg14[%swap3A_91] {strides = array<i32>} : memref<256xf32, #tpu.memory_space<vmem>>, vector<16xf32>,
    tpu.vector_store %arg14[%swap3A_91], %broadcast_in_dim3A_5 {strides = array<i32>} : memref<256xf32, #tpu.memory_space<vmem>>, vector<16xf32>,
    %swap3A_93 = arith.constant 64 : index
    %swap3A_94 = tpu.vector_load %arg14[%swap3A_93] {strides = array<i32>} : memref<256xf32, #tpu.memory_space<vmem>>, vector<16xf32>,
    tpu.vector_store %arg14[%swap3A_93], %broadcast_in_dim3A_5 {strides = array<i32>} : memref<256xf32, #tpu.memory_space<vmem>>, vector<16xf32>,
    %swap3A_95 = arith.constant 80 : index
    %swap3A_96 = tpu.vector_load %arg14[%swap3A_95] {strides = array<i32>} : memref<256xf32, #tpu.memory_space<vmem>>, vector<16xf32>,
    tpu.vector_store %arg14[%swap3A_95], %broadcast_in_dim3A_5 {strides = array<i32>} : memref<256xf32, #tpu.memory_space<vmem>>, vector<16xf32>,
    %swap3A_97 = arith.constant 96 : index
    %swap3A_98 = tpu.vector_load %arg14[%swap3A_97] {strides = array<i32>} : memref<256xf32, #tpu.memory_space<vmem>>, vector<16xf32>,
    tpu.vector_store %arg14[%swap3A_97], %broadcast_in_dim3A_5 {strides = array<i32>} : memref<256xf32, #tpu.memory_space<vmem>>, vector<16xf32>,
    %swap3A_99 = arith.constant 112 : index
    %swap3A_100 = tpu.vector_load %arg14[%swap3A_99] {strides = array<i32>} : memref<256xf32, #tpu.memory_space<vmem>>, vector<16xf32>,
    tpu.vector_store %arg14[%swap3A_99], %broadcast_in_dim3A_5 {strides = array<i32>} : memref<256xf32, #tpu.memory_space<vmem>>, vector<16xf32>,
    %swap3A_101 = arith.constant 128 : index
    %swap3A_102 = tpu.vector_load %arg14[%swap3A_101] {strides = array<i32>} : memref<256xf32, #tpu.memory_space<vmem>>, vector<16xf32>,
    tpu.vector_store %arg14[%swap3A_101], %broadcast_in_dim3A_5 {strides = array<i32>} : memref<256xf32, #tpu.memory_space<vmem>>, vector<16xf32>,
    %swap3A_103 = arith.constant 144 : index
    %swap3A_104 = tpu.vector_load %arg14[%swap3A_103] {strides = array<i32>} : memref<256xf32, #tpu.memory_space<vmem>>, vector<16xf32>,
    tpu.vector_store %arg14[%swap3A_103], %broadcast_in_dim3A_5 {strides = array<i32>} : memref<256xf32, #tpu.memory_space<vmem>>, vector<16xf32>,
    %swap3A_105 = arith.constant 160 : index
    %swap3A_106 = tpu.vector_load %arg14[%swap3A_105] {strides = array<i32>} : memref<256xf32, #tpu.memory_space<vmem>>, vector<16xf32>,
    tpu.vector_store %arg14[%swap3A_105], %broadcast_in_dim3A_5 {strides = array<i32>} : memref<256xf32, #tpu.memory_space<vmem>>, vector<16xf32>,
    %swap3A_107 = arith.constant 176 : index
    %swap3A_108 = tpu.vector_load %arg14[%swap3A_107] {strides = array<i32>} : memref<256xf32, #tpu.memory_space<vmem>>, vector<16xf32>,
    tpu.vector_store %arg14[%swap3A_107], %broadcast_in_dim3A_5 {strides = array<i32>} : memref<256xf32, #tpu.memory_space<vmem>>, vector<16xf32>,
    %swap3A_109 = arith.constant 192 : index
    %swap3A_110 = tpu.vector_load %arg14[%swap3A_109] {strides = array<i32>} : memref<256xf32, #tpu.memory_space<vmem>>, vector<16xf32>,
    tpu.vector_store %arg14[%swap3A_109], %broadcast_in_dim3A_5 {strides = array<i32>} : memref<256xf32, #tpu.memory_space<vmem>>, vector<16xf32>,
    %swap3A_111 = arith.constant 208 : index
    %swap3A_112 = tpu.vector_load %arg14[%swap3A_111] {strides = array<i32>} : memref<256xf32, #tpu.memory_space<vmem>>, vector<16xf32>,
    tpu.vector_store %arg14[%swap3A_111], %broadcast_in_dim3A_5 {strides = array<i32>} : memref<256xf32, #tpu.memory_space<vmem>>, vector<16xf32>,
    %swap3A_113 = arith.constant 224 : index
    %swap3A_114 = tpu.vector_load %arg14[%swap3A_113] {strides = array<i32>} : memref<256xf32, #tpu.memory_space<vmem>>, vector<16xf32>,
    tpu.vector_store %arg14[%swap3A_113], %broadcast_in_dim3A_5 {strides = array<i32>} : memref<256xf32, #tpu.memory_space<vmem>>, vector<16xf32>,
    %swap3A_115 = arith.constant 240 : index
    %swap3A_116 = tpu.vector_load %arg14[%swap3A_115] {strides = array<i32>} : memref<256xf32, #tpu.memory_space<vmem>>, vector<16xf32>,
    tpu.vector_store %arg14[%swap3A_115], %broadcast_in_dim3A_5 {strides = array<i32>} : memref<256xf32, #tpu.memory_space<vmem>>, vector<16xf32>,
    %swap3A_117 = arith.constant 0 : index
    %swap3A_118 = tpu.vector_load %arg20[%swap3A_117] {strides = array<i32>} : memref<128xf32, #tpu.memory_space<vmem>>, vector<16xf32>,
    tpu.vector_store %arg20[%swap3A_117], %broadcast_in_dim3A_3 {strides = array<i32>} : memref<128xf32, #tpu.memory_space<vmem>>, vector<16xf32>,
    %add3A_119 = arith.constant 0 : i32
    %add3A_120 = vector.broadcast %add3A_119 : i32 to vector<16xi32>
    %add3A_121 = arith.addi %add3A_120, %iota3A : vector<16xi32>
    %swap3A_122 = arith.constant 0 : index
    %swap3A_123 = tpu.vector_load %arg19[%swap3A_122] {strides = array<i32>} : memref<128xi32, #tpu.memory_space<vmem>>, vector<16xi32>,
    tpu.vector_store %arg19[%swap3A_122], %add3A_121 {strides = array<i32>} : memref<128xi32, #tpu.memory_space<vmem>>, vector<16xi32>,
    %swap3A_124 = arith.constant 16 : index
    %swap3A_125 = tpu.vector_load %arg20[%swap3A_124] {strides = array<i32>} : memref<128xf32, #tpu.memory_space<vmem>>, vector<16xf32>,
    tpu.vector_store %arg20[%swap3A_124], %broadcast_in_dim3A_3 {strides = array<i32>} : memref<128xf32, #tpu.memory_space<vmem>>, vector<16xf32>,
    %add3A_126 = arith.constant 16 : i32
    %add3A_127 = vector.broadcast %add3A_126 : i32 to vector<16xi32>
    %add3A_128 = arith.addi %add3A_127, %iota3A : vector<16xi32>
    %swap3A_129 = arith.constant 16 : index
    %swap3A_130 = tpu.vector_load %arg19[%swap3A_129] {strides = array<i32>} : memref<128xi32, #tpu.memory_space<vmem>>, vector<16xi32>,
    tpu.vector_store %arg19[%swap3A_129], %add3A_128 {strides = array<i32>} : memref<128xi32, #tpu.memory_space<vmem>>, vector<16xi32>,
    %swap3A_131 = arith.constant 32 : index
    %swap3A_132 = tpu.vector_load %arg20[%swap3A_131] {strides = array<i32>} : memref<128xf32, #tpu.memory_space<vmem>>, vector<16xf32>,
    tpu.vector_store %arg20[%swap3A_131], %broadcast_in_dim3A_3 {strides = array<i32>} : memref<128xf32, #tpu.memory_space<vmem>>, vector<16xf32>,
    %add3A_133 = arith.constant 32 : i32
    %add3A_134 = vector.broadcast %add3A_133 : i32 to vector<16xi32>
    %add3A_135 = arith.addi %add3A_134, %iota3A : vector<16xi32>
    %swap3A_136 = arith.constant 32 : index
    %swap3A_137 = tpu.vector_load %arg19[%swap3A_136] {strides = array<i32>} : memref<128xi32, #tpu.memory_space<vmem>>, vector<16xi32>,
    tpu.vector_store %arg19[%swap3A_136], %add3A_135 {strides = array<i32>} : memref<128xi32, #tpu.memory_space<vmem>>, vector<16xi32>,
    %swap3A_138 = arith.constant 48 : index
    %swap3A_139 = tpu.vector_load %arg20[%swap3A_138] {strides = array<i32>} : memref<128xf32, #tpu.memory_space<vmem>>, vector<16xf32>,
    tpu.vector_store %arg20[%swap3A_138], %broadcast_in_dim3A_3 {strides = array<i32>} : memref<128xf32, #tpu.memory_space<vmem>>, vector<16xf32>,
    %add3A_140 = arith.constant 48 : i32
    %add3A_141 = vector.broadcast %add3A_140 : i32 to vector<16xi32>
    %add3A_142 = arith.addi %add3A_141, %iota3A : vector<16xi32>
    %swap3A_143 = arith.constant 48 : index
    %swap3A_144 = tpu.vector_load %arg19[%swap3A_143] {strides = array<i32>} : memref<128xi32, #tpu.memory_space<vmem>>, vector<16xi32>,
    tpu.vector_store %arg19[%swap3A_143], %add3A_142 {strides = array<i32>} : memref<128xi32, #tpu.memory_space<vmem>>, vector<16xi32>,
    %swap3A_145 = arith.constant 64 : index
    %swap3A_146 = tpu.vector_load %arg20[%swap3A_145] {strides = array<i32>} : memref<128xf32, #tpu.memory_space<vmem>>, vector<16xf32>,
    tpu.vector_store %arg20[%swap3A_145], %broadcast_in_dim3A_3 {strides = array<i32>} : memref<128xf32, #tpu.memory_space<vmem>>, vector<16xf32>,
    %add3A_147 = arith.constant 64 : i32
    %add3A_148 = vector.broadcast %add3A_147 : i32 to vector<16xi32>
    %add3A_149 = arith.addi %add3A_148, %iota3A : vector<16xi32>
    %swap3A_150 = arith.constant 64 : index
    %swap3A_151 = tpu.vector_load %arg19[%swap3A_150] {strides = array<i32>} : memref<128xi32, #tpu.memory_space<vmem>>, vector<16xi32>,
    tpu.vector_store %arg19[%swap3A_150], %add3A_149 {strides = array<i32>} : memref<128xi32, #tpu.memory_space<vmem>>, vector<16xi32>,
    %swap3A_152 = arith.constant 80 : index
    %swap3A_153 = tpu.vector_load %arg20[%swap3A_152] {strides = array<i32>} : memref<128xf32, #tpu.memory_space<vmem>>, vector<16xf32>,
    tpu.vector_store %arg20[%swap3A_152], %broadcast_in_dim3A_3 {strides = array<i32>} : memref<128xf32, #tpu.memory_space<vmem>>, vector<16xf32>,
    %add3A_154 = arith.constant 80 : i32
    %add3A_155 = vector.broadcast %add3A_154 : i32 to vector<16xi32>
    %add3A_156 = arith.addi %add3A_155, %iota3A : vector<16xi32>
    %swap3A_157 = arith.constant 80 : index
    %swap3A_158 = tpu.vector_load %arg19[%swap3A_157] {strides = array<i32>} : memref<128xi32, #tpu.memory_space<vmem>>, vector<16xi32>,
    tpu.vector_store %arg19[%swap3A_157], %add3A_156 {strides = array<i32>} : memref<128xi32, #tpu.memory_space<vmem>>, vector<16xi32>,
    %swap3A_159 = arith.constant 96 : index
    %swap3A_160 = tpu.vector_load %arg20[%swap3A_159] {strides = array<i32>} : memref<128xf32, #tpu.memory_space<vmem>>, vector<16xf32>,
    tpu.vector_store %arg20[%swap3A_159], %broadcast_in_dim3A_3 {strides = array<i32>} : memref<128xf32, #tpu.memory_space<vmem>>, vector<16xf32>,
    %add3A_161 = arith.constant 96 : i32
    %add3A_162 = vector.broadcast %add3A_161 : i32 to vector<16xi32>
    %add3A_163 = arith.addi %add3A_162, %iota3A : vector<16xi32>
    %swap3A_164 = arith.constant 96 : index
    %swap3A_165 = tpu.vector_load %arg19[%swap3A_164] {strides = array<i32>} : memref<128xi32, #tpu.memory_space<vmem>>, vector<16xi32>,
    tpu.vector_store %arg19[%swap3A_164], %add3A_163 {strides = array<i32>} : memref<128xi32, #tpu.memory_space<vmem>>, vector<16xi32>,
    %swap3A_166 = arith.constant 112 : index
    %swap3A_167 = tpu.vector_load %arg20[%swap3A_166] {strides = array<i32>} : memref<128xf32, #tpu.memory_space<vmem>>, vector<16xf32>,
    tpu.vector_store %arg20[%swap3A_166], %broadcast_in_dim3A_3 {strides = array<i32>} : memref<128xf32, #tpu.memory_space<vmem>>, vector<16xf32>,
    %add3A_168 = arith.constant 112 : i32
    %add3A_169 = vector.broadcast %add3A_168 : i32 to vector<16xi32>
    %add3A_170 = arith.addi %add3A_169, %iota3A : vector<16xi32>
    %swap3A_171 = arith.constant 112 : index
    %swap3A_172 = tpu.vector_load %arg19[%swap3A_171] {strides = array<i32>} : memref<128xi32, #tpu.memory_space<vmem>>, vector<16xi32>,
    tpu.vector_store %arg19[%swap3A_171], %add3A_170 {strides = array<i32>} : memref<128xi32, #tpu.memory_space<vmem>>, vector<16xi32>,
    %mul3A_173 = arith.constant 640 : i32
    %mul3A_174 = arith.muli %arg1, %mul3A_173 : i32
    "tpu.region"() ({
      %run_scoped3A = tpu.sem_alloc : memref<!tpu.dma_semaphore, #tpu.memory_space<semaphore_mem>>
      %dma_start3A = tpu.memref_slice %arg21[%mul3A_174] : memref<10240xf32, #tpu.memory_space<vmem_shared>> -> memref<640xf32, #tpu.memory_space<vmem_shared>>
      %dma_start3A_343 = tpu.memref_slice %arg21[%mul3A_174] : memref<10240xf32, #tpu.memory_space<vmem_shared>> -> memref<640xf32, #tpu.memory_space<vmem_shared>>
      tpu.enqueue_dma source(%arg13 : memref<640xf32, #tpu.memory_space<vmem>>) target(%dma_start3A_343 : memref<640xf32, #tpu.memory_space<vmem_shared>>) target_semaphore(%run_scoped3A : memref<!tpu.dma_semaphore, #tpu.memory_space<semaphore_mem>>)
      %dma_wait3A = tpu.memref_slice %arg21[%mul3A_174] : memref<10240xf32, #tpu.memory_space<vmem_shared>> -> memref<640xf32, #tpu.memory_space<vmem_shared>>
      %dma_wait3A_344 = tpu.memref_slice %arg21[%mul3A_174] : memref<10240xf32, #tpu.memory_space<vmem_shared>> -> memref<640xf32, #tpu.memory_space<vmem_shared>>
      tpu.wait_dma2 semaphore(%run_scoped3A : memref<!tpu.dma_semaphore, #tpu.memory_space<semaphore_mem>>) src(%arg13 : memref<640xf32, #tpu.memory_space<vmem>>) dst(%dma_wait3A_344 : memref<640xf32, #tpu.memory_space<vmem_shared>>)
      tpu.yield
    }) : () -> ()
    %eq3A = arith.constant 0 : i32
    %eq3A_175 = arith.cmpi eq, %arg1, %eq3A : i32
    %convert_element_type3A = arith.extui %eq3A_175 : i1 to i32
    %cond3A = arith.constant 0 : i32
    %cond3A_176 = arith.cmpi ne, %convert_element_type3A, %cond3A : i32
    scf.if %cond3A_176 {
      "tpu.region"() ({
        %run_scoped3A = tpu.sem_alloc : memref<!tpu.dma_semaphore, #tpu.memory_space<semaphore_mem>>
        tpu.enqueue_dma source(%arg20 : memref<128xf32, #tpu.memory_space<vmem>>) target(%arg22 : memref<128xf32, #tpu.memory_space<vmem_shared>>) target_semaphore(%run_scoped3A : memref<!tpu.dma_semaphore, #tpu.memory_space<semaphore_mem>>)
        tpu.wait_dma2 semaphore(%run_scoped3A : memref<!tpu.dma_semaphore, #tpu.memory_space<semaphore_mem>>) src(%arg20 : memref<128xf32, #tpu.memory_space<vmem>>) dst(%arg22 : memref<128xf32, #tpu.memory_space<vmem_shared>>)
        tpu.yield
      }) : () -> ()
    } else {
    }
    %barrier3A = arith.constant 0 : index
    tpu.barrier barrier_id(%barrier3A)
    %broadcast_in_dim3A_177 = arith.constant 1.000000e+00 : f32
    %broadcast_in_dim3A_178 = vector.broadcast %broadcast_in_dim3A_177 : f32 to vector<16xf32>
    %broadcast_in_dim3A_179 = arith.constant 0 : i32
    %broadcast_in_dim3A_180 = vector.broadcast %broadcast_in_dim3A_179 : i32 to vector<16xi32>
    %scan3A = arith.constant 0 : i32
    %scan3A_181 = arith.constant 125 : i32
    %scan3A_182 = arith.addi %scan3A, %scan3A_181 : i32
    %scan3A_183 = arith.constant 1 : i32
    %scan3A_184 = scf.for %scan3A_343 = %scan3A to %scan3A_182 step %scan3A_183 iter_args(%scan3A_344 = %broadcast_in_dim3A_180) -> (vector<16xi32>)  : i32 {
      %mul3A_345 = arith.constant 80 : i32
      %mul3A_346 = arith.muli %scan3A_343, %mul3A_345 : i32
      %add3A_347 = arith.constant 0 : i32
      %add3A_348 = arith.addi %mul3A_346, %add3A_347 : i32
      %get3A = arith.index_cast %add3A_348 : i32 to index
      %get3A_349 = tpu.vector_load %arg11[%get3A] {strides = array<i32>} : memref<10000xi32, #tpu.memory_space<vmem>>, vector<16xi32>,
      %get3A_350 = arith.index_cast %add3A_348 : i32 to index
      %get3A_351 = tpu.vector_load %arg12[%get3A_350] {strides = array<i32>} : memref<10000xi32, #tpu.memory_space<vmem>>, vector<16xi32>,
      %gather3A = tpu.vector_load_idx %arg10[%get3A_349] : memref<10000xi32, #tpu.memory_space<vmem>>[vector<16xi32>], vector<16xi32>,
      %gather3A_352 = tpu.vector_load_idx %arg10[%get3A_351] : memref<10000xi32, #tpu.memory_space<vmem>>[vector<16xi32>], vector<16xi32>,
      %eq3A_353 = arith.cmpi eq, %gather3A, %gather3A_352 : vector<16xi32>
      %jit3A_354 = arith.constant 1 : i32
      %jit3A_355 = arith.constant 0 : i32
      %broadcast_in_dim3A_356 = vector.broadcast %jit3A_354 : i32 to vector<16xi32>
      %broadcast_in_dim3A_357 = vector.broadcast %jit3A_355 : i32 to vector<16xi32>
      %select_n3A_358 = arith.select %eq3A_353, %broadcast_in_dim3A_356, %broadcast_in_dim3A_357 : vector<16xi1>, vector<16xi32>
      tpu.vector_store_idx %arg20[%gather3A], %broadcast_in_dim3A_178 masked %eq3A_353 : memref<128xf32, #tpu.memory_space<vmem>>[vector<16xi32>], vector<16xf32>, vector<16xi1>
      %cumsum3A = arith.constant true
      %cumsum3A_359 = vector.broadcast %cumsum3A : i1 to vector<16xi1>
      %cumsum3A_360 = tpu.scan <sum>, %select_n3A_358 masked %cumsum3A_359 : vector<16xi32>, vector<16xi1> -> vector<16xi32>
      %add3A_361 = arith.addi %scan3A_344, %cumsum3A_360 : vector<16xi32>
      %sub3A_362 = arith.constant 1 : i32
      %sub3A_363 = vector.broadcast %sub3A_362 : i32 to vector<16xi32>
      %sub3A_364 = arith.subi %add3A_361, %sub3A_363 : vector<16xi32>
      tpu.vector_store_idx %arg16[%sub3A_364], %get3A_349 masked %eq3A_353 : memref<10240xi32, #tpu.memory_space<vmem>>[vector<16xi32>], vector<16xi32>, vector<16xi1>
      tpu.vector_store_idx %arg17[%sub3A_364], %get3A_351 masked %eq3A_353 : memref<10240xi32, #tpu.memory_space<vmem>>[vector<16xi32>], vector<16xi32>, vector<16xi1>
      %all_reduce_population_count3A = tpu.all_reduce %eq3A_353 {dim = 0 : i64, kind = #tpu.reduction_kind<sum>} : vector<16xi1> -> vector<16xi32>
      %add3A_365 = arith.addi %scan3A_344, %all_reduce_population_count3A : vector<16xi32>
      %add3A_366 = arith.constant 16 : i32
      %add3A_367 = arith.addi %mul3A_346, %add3A_366 : i32
      %get3A_368 = arith.index_cast %add3A_367 : i32 to index
      %get3A_369 = tpu.vector_load %arg11[%get3A_368] {strides = array<i32>} : memref<10000xi32, #tpu.memory_space<vmem>>, vector<16xi32>,
      %get3A_370 = arith.index_cast %add3A_367 : i32 to index
      %get3A_371 = tpu.vector_load %arg12[%get3A_370] {strides = array<i32>} : memref<10000xi32, #tpu.memory_space<vmem>>, vector<16xi32>,
      %gather3A_372 = tpu.vector_load_idx %arg10[%get3A_369] : memref<10000xi32, #tpu.memory_space<vmem>>[vector<16xi32>], vector<16xi32>,
      %gather3A_373 = tpu.vector_load_idx %arg10[%get3A_371] : memref<10000xi32, #tpu.memory_space<vmem>>[vector<16xi32>], vector<16xi32>,
      %eq3A_374 = arith.cmpi eq, %gather3A_372, %gather3A_373 : vector<16xi32>
      %jit3A_375 = arith.constant 1 : i32
      %jit3A_376 = arith.constant 0 : i32
      %broadcast_in_dim3A_377 = vector.broadcast %jit3A_375 : i32 to vector<16xi32>
      %broadcast_in_dim3A_378 = vector.broadcast %jit3A_376 : i32 to vector<16xi32>
      %select_n3A_379 = arith.select %eq3A_374, %broadcast_in_dim3A_377, %broadcast_in_dim3A_378 : vector<16xi1>, vector<16xi32>
      tpu.vector_store_idx %arg20[%gather3A_372], %broadcast_in_dim3A_178 masked %eq3A_374 : memref<128xf32, #tpu.memory_space<vmem>>[vector<16xi32>], vector<16xf32>, vector<16xi1>
      %cumsum3A_380 = arith.constant true
      %cumsum3A_381 = vector.broadcast %cumsum3A_380 : i1 to vector<16xi1>
      %cumsum3A_382 = tpu.scan <sum>, %select_n3A_379 masked %cumsum3A_381 : vector<16xi32>, vector<16xi1> -> vector<16xi32>
      %add3A_383 = arith.addi %add3A_365, %cumsum3A_382 : vector<16xi32>
      %sub3A_384 = arith.constant 1 : i32
      %sub3A_385 = vector.broadcast %sub3A_384 : i32 to vector<16xi32>
      %sub3A_386 = arith.subi %add3A_383, %sub3A_385 : vector<16xi32>
      tpu.vector_store_idx %arg16[%sub3A_386], %get3A_369 masked %eq3A_374 : memref<10240xi32, #tpu.memory_space<vmem>>[vector<16xi32>], vector<16xi32>, vector<16xi1>
      tpu.vector_store_idx %arg17[%sub3A_386], %get3A_371 masked %eq3A_374 : memref<10240xi32, #tpu.memory_space<vmem>>[vector<16xi32>], vector<16xi32>, vector<16xi1>
      %all_reduce_population_count3A_387 = tpu.all_reduce %eq3A_374 {dim = 0 : i64, kind = #tpu.reduction_kind<sum>} : vector<16xi1> -> vector<16xi32>
      %add3A_388 = arith.addi %add3A_365, %all_reduce_population_count3A_387 : vector<16xi32>
      %add3A_389 = arith.constant 32 : i32
      %add3A_390 = arith.addi %mul3A_346, %add3A_389 : i32
      %get3A_391 = arith.index_cast %add3A_390 : i32 to index
      %get3A_392 = tpu.vector_load %arg11[%get3A_391] {strides = array<i32>} : memref<10000xi32, #tpu.memory_space<vmem>>, vector<16xi32>,
      %get3A_393 = arith.index_cast %add3A_390 : i32 to index
      %get3A_394 = tpu.vector_load %arg12[%get3A_393] {strides = array<i32>} : memref<10000xi32, #tpu.memory_space<vmem>>, vector<16xi32>,
      %gather3A_395 = tpu.vector_load_idx %arg10[%get3A_392] : memref<10000xi32, #tpu.memory_space<vmem>>[vector<16xi32>], vector<16xi32>,
      %gather3A_396 = tpu.vector_load_idx %arg10[%get3A_394] : memref<10000xi32, #tpu.memory_space<vmem>>[vector<16xi32>], vector<16xi32>,
      %eq3A_397 = arith.cmpi eq, %gather3A_395, %gather3A_396 : vector<16xi32>
      %jit3A_398 = arith.constant 1 : i32
      %jit3A_399 = arith.constant 0 : i32
      %broadcast_in_dim3A_400 = vector.broadcast %jit3A_398 : i32 to vector<16xi32>
      %broadcast_in_dim3A_401 = vector.broadcast %jit3A_399 : i32 to vector<16xi32>
      %select_n3A_402 = arith.select %eq3A_397, %broadcast_in_dim3A_400, %broadcast_in_dim3A_401 : vector<16xi1>, vector<16xi32>
      tpu.vector_store_idx %arg20[%gather3A_395], %broadcast_in_dim3A_178 masked %eq3A_397 : memref<128xf32, #tpu.memory_space<vmem>>[vector<16xi32>], vector<16xf32>, vector<16xi1>
      %cumsum3A_403 = arith.constant true
      %cumsum3A_404 = vector.broadcast %cumsum3A_403 : i1 to vector<16xi1>
      %cumsum3A_405 = tpu.scan <sum>, %select_n3A_402 masked %cumsum3A_404 : vector<16xi32>, vector<16xi1> -> vector<16xi32>
      %add3A_406 = arith.addi %add3A_388, %cumsum3A_405 : vector<16xi32>
      %sub3A_407 = arith.constant 1 : i32
      %sub3A_408 = vector.broadcast %sub3A_407 : i32 to vector<16xi32>
      %sub3A_409 = arith.subi %add3A_406, %sub3A_408 : vector<16xi32>
      tpu.vector_store_idx %arg16[%sub3A_409], %get3A_392 masked %eq3A_397 : memref<10240xi32, #tpu.memory_space<vmem>>[vector<16xi32>], vector<16xi32>, vector<16xi1>
      tpu.vector_store_idx %arg17[%sub3A_409], %get3A_394 masked %eq3A_397 : memref<10240xi32, #tpu.memory_space<vmem>>[vector<16xi32>], vector<16xi32>, vector<16xi1>
      %all_reduce_population_count3A_410 = tpu.all_reduce %eq3A_397 {dim = 0 : i64, kind = #tpu.reduction_kind<sum>} : vector<16xi1> -> vector<16xi32>
      %add3A_411 = arith.addi %add3A_388, %all_reduce_population_count3A_410 : vector<16xi32>
      %add3A_412 = arith.constant 48 : i32
      %add3A_413 = arith.addi %mul3A_346, %add3A_412 : i32
      %get3A_414 = arith.index_cast %add3A_413 : i32 to index
      %get3A_415 = tpu.vector_load %arg11[%get3A_414] {strides = array<i32>} : memref<10000xi32, #tpu.memory_space<vmem>>, vector<16xi32>,
      %get3A_416 = arith.index_cast %add3A_413 : i32 to index
      %get3A_417 = tpu.vector_load %arg12[%get3A_416] {strides = array<i32>} : memref<10000xi32, #tpu.memory_space<vmem>>, vector<16xi32>,
      %gather3A_418 = tpu.vector_load_idx %arg10[%get3A_415] : memref<10000xi32, #tpu.memory_space<vmem>>[vector<16xi32>], vector<16xi32>,
      %gather3A_419 = tpu.vector_load_idx %arg10[%get3A_417] : memref<10000xi32, #tpu.memory_space<vmem>>[vector<16xi32>], vector<16xi32>,
      %eq3A_420 = arith.cmpi eq, %gather3A_418, %gather3A_419 : vector<16xi32>
      %jit3A_421 = arith.constant 1 : i32
      %jit3A_422 = arith.constant 0 : i32
      %broadcast_in_dim3A_423 = vector.broadcast %jit3A_421 : i32 to vector<16xi32>
      %broadcast_in_dim3A_424 = vector.broadcast %jit3A_422 : i32 to vector<16xi32>
      %select_n3A_425 = arith.select %eq3A_420, %broadcast_in_dim3A_423, %broadcast_in_dim3A_424 : vector<16xi1>, vector<16xi32>
      tpu.vector_store_idx %arg20[%gather3A_418], %broadcast_in_dim3A_178 masked %eq3A_420 : memref<128xf32, #tpu.memory_space<vmem>>[vector<16xi32>], vector<16xf32>, vector<16xi1>
      %cumsum3A_426 = arith.constant true
      %cumsum3A_427 = vector.broadcast %cumsum3A_426 : i1 to vector<16xi1>
      %cumsum3A_428 = tpu.scan <sum>, %select_n3A_425 masked %cumsum3A_427 : vector<16xi32>, vector<16xi1> -> vector<16xi32>
      %add3A_429 = arith.addi %add3A_411, %cumsum3A_428 : vector<16xi32>
      %sub3A_430 = arith.constant 1 : i32
      %sub3A_431 = vector.broadcast %sub3A_430 : i32 to vector<16xi32>
      %sub3A_432 = arith.subi %add3A_429, %sub3A_431 : vector<16xi32>
      tpu.vector_store_idx %arg16[%sub3A_432], %get3A_415 masked %eq3A_420 : memref<10240xi32, #tpu.memory_space<vmem>>[vector<16xi32>], vector<16xi32>, vector<16xi1>
      tpu.vector_store_idx %arg17[%sub3A_432], %get3A_417 masked %eq3A_420 : memref<10240xi32, #tpu.memory_space<vmem>>[vector<16xi32>], vector<16xi32>, vector<16xi1>
      %all_reduce_population_count3A_433 = tpu.all_reduce %eq3A_420 {dim = 0 : i64, kind = #tpu.reduction_kind<sum>} : vector<16xi1> -> vector<16xi32>
      %add3A_434 = arith.addi %add3A_411, %all_reduce_population_count3A_433 : vector<16xi32>
      %add3A_435 = arith.constant 64 : i32
      %add3A_436 = arith.addi %mul3A_346, %add3A_435 : i32
      %get3A_437 = arith.index_cast %add3A_436 : i32 to index
      %get3A_438 = tpu.vector_load %arg11[%get3A_437] {strides = array<i32>} : memref<10000xi32, #tpu.memory_space<vmem>>, vector<16xi32>,
      %get3A_439 = arith.index_cast %add3A_436 : i32 to index
      %get3A_440 = tpu.vector_load %arg12[%get3A_439] {strides = array<i32>} : memref<10000xi32, #tpu.memory_space<vmem>>, vector<16xi32>,
      %gather3A_441 = tpu.vector_load_idx %arg10[%get3A_438] : memref<10000xi32, #tpu.memory_space<vmem>>[vector<16xi32>], vector<16xi32>,
      %gather3A_442 = tpu.vector_load_idx %arg10[%get3A_440] : memref<10000xi32, #tpu.memory_space<vmem>>[vector<16xi32>], vector<16xi32>,
      %eq3A_443 = arith.cmpi eq, %gather3A_441, %gather3A_442 : vector<16xi32>
      %jit3A_444 = arith.constant 1 : i32
      %jit3A_445 = arith.constant 0 : i32
      %broadcast_in_dim3A_446 = vector.broadcast %jit3A_444 : i32 to vector<16xi32>
      %broadcast_in_dim3A_447 = vector.broadcast %jit3A_445 : i32 to vector<16xi32>
      %select_n3A_448 = arith.select %eq3A_443, %broadcast_in_dim3A_446, %broadcast_in_dim3A_447 : vector<16xi1>, vector<16xi32>
      tpu.vector_store_idx %arg20[%gather3A_441], %broadcast_in_dim3A_178 masked %eq3A_443 : memref<128xf32, #tpu.memory_space<vmem>>[vector<16xi32>], vector<16xf32>, vector<16xi1>
      %cumsum3A_449 = arith.constant true
      %cumsum3A_450 = vector.broadcast %cumsum3A_449 : i1 to vector<16xi1>
      %cumsum3A_451 = tpu.scan <sum>, %select_n3A_448 masked %cumsum3A_450 : vector<16xi32>, vector<16xi1> -> vector<16xi32>
      %add3A_452 = arith.addi %add3A_434, %cumsum3A_451 : vector<16xi32>
      %sub3A_453 = arith.constant 1 : i32
      %sub3A_454 = vector.broadcast %sub3A_453 : i32 to vector<16xi32>
      %sub3A_455 = arith.subi %add3A_452, %sub3A_454 : vector<16xi32>
      tpu.vector_store_idx %arg16[%sub3A_455], %get3A_438 masked %eq3A_443 : memref<10240xi32, #tpu.memory_space<vmem>>[vector<16xi32>], vector<16xi32>, vector<16xi1>
      tpu.vector_store_idx %arg17[%sub3A_455], %get3A_440 masked %eq3A_443 : memref<10240xi32, #tpu.memory_space<vmem>>[vector<16xi32>], vector<16xi32>, vector<16xi1>
      %all_reduce_population_count3A_456 = tpu.all_reduce %eq3A_443 {dim = 0 : i64, kind = #tpu.reduction_kind<sum>} : vector<16xi1> -> vector<16xi32>
      %add3A_457 = arith.addi %add3A_434, %all_reduce_population_count3A_456 : vector<16xi32>
      scf.yield %add3A_457 : vector<16xi32>
    }
    %scan3A_185 = arith.constant 125 : i32
    %eq3A_186 = arith.constant 0 : i32
    %eq3A_187 = vector.broadcast %eq3A_186 : i32 to vector<16xi32>
    %eq3A_188 = arith.cmpi eq, %iota3A, %eq3A_187 : vector<16xi32>
    %jit3A = arith.constant 0 : i32
    %broadcast_in_dim3A_189 = vector.broadcast %jit3A : i32 to vector<16xi32>
    %select_n3A = arith.select %eq3A_188, %scan3A_184, %broadcast_in_dim3A_189 : vector<16xi1>, vector<16xi32>
    %swap3A_190 = arith.constant 0 : index
    %swap3A_191 = tpu.vector_load %arg18[%swap3A_190] {strides = array<i32>} : memref<16xi32, #tpu.memory_space<vmem>>, vector<16xi32>,
    tpu.vector_store %arg18[%swap3A_190], %select_n3A {strides = array<i32>} : memref<16xi32, #tpu.memory_space<vmem>>, vector<16xi32>,
    %reduce_sum3A = arith.constant true
    %reduce_sum3A_192 = vector.broadcast %reduce_sum3A : i1 to vector<16xi1>
    %reduce_sum3A_193 = tpu.scan <sum>, %select_n3A masked %reduce_sum3A_192 : vector<16xi32>, vector<16xi1> -> vector<16xi32>
    %reduce_sum3A_194 = vector.extract %reduce_sum3A_193[15] : i32 from vector<16xi32>
    "tpu.region"() ({
      %run_scoped3A = tpu.sem_alloc : memref<!tpu.dma_semaphore, #tpu.memory_space<semaphore_mem>>
      %dma_start3A = arith.constant 0 : i32
      %dma_start3A_343 = tpu.memref_slice %arg9[%add3A, %dma_start3A] : memref<32x16xi32, #tpu.memory_space<hbm>> -> memref<1x16xi32, #tpu.memory_space<hbm>>
      %dma_start3A_344 = tpu.memref_squeeze %dma_start3A_343 : memref<1x16xi32, #tpu.memory_space<hbm>> -> memref<16xi32, #tpu.memory_space<hbm>>
      %dma_start3A_345 = arith.constant 0 : i32
      %dma_start3A_346 = tpu.memref_slice %arg9[%add3A, %dma_start3A_345] : memref<32x16xi32, #tpu.memory_space<hbm>> -> memref<1x16xi32, #tpu.memory_space<hbm>>
      %dma_start3A_347 = tpu.memref_squeeze %dma_start3A_346 : memref<1x16xi32, #tpu.memory_space<hbm>> -> memref<16xi32, #tpu.memory_space<hbm>>
      tpu.enqueue_dma source(%arg18 : memref<16xi32, #tpu.memory_space<vmem>>) target(%dma_start3A_347 : memref<16xi32, #tpu.memory_space<hbm>>) target_semaphore(%run_scoped3A : memref<!tpu.dma_semaphore, #tpu.memory_space<semaphore_mem>>)
      %dma_wait3A = arith.constant 0 : i32
      %dma_wait3A_348 = tpu.memref_slice %arg9[%add3A, %dma_wait3A] : memref<32x16xi32, #tpu.memory_space<hbm>> -> memref<1x16xi32, #tpu.memory_space<hbm>>
      %dma_wait3A_349 = tpu.memref_squeeze %dma_wait3A_348 : memref<1x16xi32, #tpu.memory_space<hbm>> -> memref<16xi32, #tpu.memory_space<hbm>>
      %dma_wait3A_350 = arith.constant 0 : i32
      %dma_wait3A_351 = tpu.memref_slice %arg9[%add3A, %dma_wait3A_350] : memref<32x16xi32, #tpu.memory_space<hbm>> -> memref<1x16xi32, #tpu.memory_space<hbm>>
      %dma_wait3A_352 = tpu.memref_squeeze %dma_wait3A_351 : memref<1x16xi32, #tpu.memory_space<hbm>> -> memref<16xi32, #tpu.memory_space<hbm>>
      tpu.wait_dma2 semaphore(%run_scoped3A : memref<!tpu.dma_semaphore, #tpu.memory_space<semaphore_mem>>) src(%arg18 : memref<16xi32, #tpu.memory_space<vmem>>) dst(%dma_wait3A_352 : memref<16xi32, #tpu.memory_space<hbm>>)
      tpu.yield
    }) : () -> ()
    %add3A_195 = arith.constant 256 : i32
    %add3A_196 = arith.addi %reduce_sum3A_194, %add3A_195 : i32
    %sub3A = arith.constant 1 : i32
    %sub3A_197 = arith.subi %add3A_196, %sub3A : i32
    %jit3A_198 = arith.constant 256 : i32
    %div3A = arith.divsi %sub3A_197, %jit3A_198 : i32
    %sign3A = arith.constant 0 : i32
    %sign3A_199 = arith.cmpi sgt, %sub3A_197, %sign3A : i32
    %sign3A_200 = arith.extui %sign3A_199 : i1 to i32
    %sign3A_201 = arith.constant 0 : i32
    %sign3A_202 = arith.cmpi slt, %sub3A_197, %sign3A_201 : i32
    %sign3A_203 = arith.extui %sign3A_202 : i1 to i32
    %sign3A_204 = arith.subi %sign3A_200, %sign3A_203 : i32
    %sign3A_205 = arith.constant 0 : i32
    %sign3A_206 = arith.cmpi sgt, %jit3A_198, %sign3A_205 : i32
    %sign3A_207 = arith.extui %sign3A_206 : i1 to i32
    %sign3A_208 = arith.constant 0 : i32
    %sign3A_209 = arith.cmpi slt, %jit3A_198, %sign3A_208 : i32
    %sign3A_210 = arith.extui %sign3A_209 : i1 to i32
    %sign3A_211 = arith.subi %sign3A_207, %sign3A_210 : i32
    %ne3A = arith.cmpi ne, %sign3A_204, %sign3A_211 : i32
    %rem3A = arith.remsi %sub3A_197, %jit3A_198 : i32
    %ne3A_212 = arith.constant 0 : i32
    %ne3A_213 = arith.cmpi ne, %rem3A, %ne3A_212 : i32
    %and3A = arith.andi %ne3A, %ne3A_213 : i1
    %sub3A_214 = arith.constant 1 : i32
    %sub3A_215 = arith.subi %div3A, %sub3A_214 : i32
    %select_n3A_216 = arith.select %and3A, %sub3A_215, %div3A : i32
    %mul3A_217 = arith.constant 256 : i32
    %mul3A_218 = arith.muli %select_n3A_216, %mul3A_217 : i32
    %add3A_219 = arith.constant 10000 : i32
    %add3A_220 = vector.broadcast %add3A_219 : i32 to vector<16xi32>
    %add3A_221 = arith.addi %add3A_220, %iota3A : vector<16xi32>
    %add3A_222 = arith.constant 0 : i32
    %add3A_223 = arith.addi %reduce_sum3A_194, %add3A_222 : i32
    %add3A_224 = vector.broadcast %add3A_223 : i32 to vector<16xi32>
    %add3A_225 = arith.addi %add3A_224, %iota3A : vector<16xi32>
    %lt3A = vector.broadcast %mul3A_218 : i32 to vector<16xi32>
    %lt3A_226 = arith.cmpi slt, %add3A_225, %lt3A : vector<16xi32>
    tpu.vector_store_idx %arg17[%add3A_225], %add3A_221 masked %lt3A_226 : memref<10240xi32, #tpu.memory_space<vmem>>[vector<16xi32>], vector<16xi32>, vector<16xi1>
    %add3A_227 = arith.constant 16 : i32
    %add3A_228 = arith.addi %reduce_sum3A_194, %add3A_227 : i32
    %add3A_229 = vector.broadcast %add3A_228 : i32 to vector<16xi32>
    %add3A_230 = arith.addi %add3A_229, %iota3A : vector<16xi32>
    %lt3A_231 = vector.broadcast %mul3A_218 : i32 to vector<16xi32>
    %lt3A_232 = arith.cmpi slt, %add3A_230, %lt3A_231 : vector<16xi32>
    tpu.vector_store_idx %arg17[%add3A_230], %add3A_221 masked %lt3A_232 : memref<10240xi32, #tpu.memory_space<vmem>>[vector<16xi32>], vector<16xi32>, vector<16xi1>
    %add3A_233 = arith.constant 32 : i32
    %add3A_234 = arith.addi %reduce_sum3A_194, %add3A_233 : i32
    %add3A_235 = vector.broadcast %add3A_234 : i32 to vector<16xi32>
    %add3A_236 = arith.addi %add3A_235, %iota3A : vector<16xi32>
    %lt3A_237 = vector.broadcast %mul3A_218 : i32 to vector<16xi32>
    %lt3A_238 = arith.cmpi slt, %add3A_236, %lt3A_237 : vector<16xi32>
    tpu.vector_store_idx %arg17[%add3A_236], %add3A_221 masked %lt3A_238 : memref<10240xi32, #tpu.memory_space<vmem>>[vector<16xi32>], vector<16xi32>, vector<16xi1>
    %add3A_239 = arith.constant 48 : i32
    %add3A_240 = arith.addi %reduce_sum3A_194, %add3A_239 : i32
    %add3A_241 = vector.broadcast %add3A_240 : i32 to vector<16xi32>
    %add3A_242 = arith.addi %add3A_241, %iota3A : vector<16xi32>
    %lt3A_243 = vector.broadcast %mul3A_218 : i32 to vector<16xi32>
    %lt3A_244 = arith.cmpi slt, %add3A_242, %lt3A_243 : vector<16xi32>
    tpu.vector_store_idx %arg17[%add3A_242], %add3A_221 masked %lt3A_244 : memref<10240xi32, #tpu.memory_space<vmem>>[vector<16xi32>], vector<16xi32>, vector<16xi1>
    %add3A_245 = arith.constant 64 : i32
    %add3A_246 = arith.addi %reduce_sum3A_194, %add3A_245 : i32
    %add3A_247 = vector.broadcast %add3A_246 : i32 to vector<16xi32>
    %add3A_248 = arith.addi %add3A_247, %iota3A : vector<16xi32>
    %lt3A_249 = vector.broadcast %mul3A_218 : i32 to vector<16xi32>
    %lt3A_250 = arith.cmpi slt, %add3A_248, %lt3A_249 : vector<16xi32>
    tpu.vector_store_idx %arg17[%add3A_248], %add3A_221 masked %lt3A_250 : memref<10240xi32, #tpu.memory_space<vmem>>[vector<16xi32>], vector<16xi32>, vector<16xi1>
    %add3A_251 = arith.constant 80 : i32
    %add3A_252 = arith.addi %reduce_sum3A_194, %add3A_251 : i32
    %add3A_253 = vector.broadcast %add3A_252 : i32 to vector<16xi32>
    %add3A_254 = arith.addi %add3A_253, %iota3A : vector<16xi32>
    %lt3A_255 = vector.broadcast %mul3A_218 : i32 to vector<16xi32>
    %lt3A_256 = arith.cmpi slt, %add3A_254, %lt3A_255 : vector<16xi32>
    tpu.vector_store_idx %arg17[%add3A_254], %add3A_221 masked %lt3A_256 : memref<10240xi32, #tpu.memory_space<vmem>>[vector<16xi32>], vector<16xi32>, vector<16xi1>
    %add3A_257 = arith.constant 96 : i32
    %add3A_258 = arith.addi %reduce_sum3A_194, %add3A_257 : i32
    %add3A_259 = vector.broadcast %add3A_258 : i32 to vector<16xi32>
    %add3A_260 = arith.addi %add3A_259, %iota3A : vector<16xi32>
    %lt3A_261 = vector.broadcast %mul3A_218 : i32 to vector<16xi32>
    %lt3A_262 = arith.cmpi slt, %add3A_260, %lt3A_261 : vector<16xi32>
    tpu.vector_store_idx %arg17[%add3A_260], %add3A_221 masked %lt3A_262 : memref<10240xi32, #tpu.memory_space<vmem>>[vector<16xi32>], vector<16xi32>, vector<16xi1>
    %add3A_263 = arith.constant 112 : i32
    %add3A_264 = arith.addi %reduce_sum3A_194, %add3A_263 : i32
    %add3A_265 = vector.broadcast %add3A_264 : i32 to vector<16xi32>
    %add3A_266 = arith.addi %add3A_265, %iota3A : vector<16xi32>
    %lt3A_267 = vector.broadcast %mul3A_218 : i32 to vector<16xi32>
    %lt3A_268 = arith.cmpi slt, %add3A_266, %lt3A_267 : vector<16xi32>
    tpu.vector_store_idx %arg17[%add3A_266], %add3A_221 masked %lt3A_268 : memref<10240xi32, #tpu.memory_space<vmem>>[vector<16xi32>], vector<16xi32>, vector<16xi1>
    %add3A_269 = arith.constant 128 : i32
    %add3A_270 = arith.addi %reduce_sum3A_194, %add3A_269 : i32
    %add3A_271 = vector.broadcast %add3A_270 : i32 to vector<16xi32>
    %add3A_272 = arith.addi %add3A_271, %iota3A : vector<16xi32>
    %lt3A_273 = vector.broadcast %mul3A_218 : i32 to vector<16xi32>
    %lt3A_274 = arith.cmpi slt, %add3A_272, %lt3A_273 : vector<16xi32>
    tpu.vector_store_idx %arg17[%add3A_272], %add3A_221 masked %lt3A_274 : memref<10240xi32, #tpu.memory_space<vmem>>[vector<16xi32>], vector<16xi32>, vector<16xi1>
    %add3A_275 = arith.constant 144 : i32
    %add3A_276 = arith.addi %reduce_sum3A_194, %add3A_275 : i32
    %add3A_277 = vector.broadcast %add3A_276 : i32 to vector<16xi32>
    %add3A_278 = arith.addi %add3A_277, %iota3A : vector<16xi32>
    %lt3A_279 = vector.broadcast %mul3A_218 : i32 to vector<16xi32>
    %lt3A_280 = arith.cmpi slt, %add3A_278, %lt3A_279 : vector<16xi32>
    tpu.vector_store_idx %arg17[%add3A_278], %add3A_221 masked %lt3A_280 : memref<10240xi32, #tpu.memory_space<vmem>>[vector<16xi32>], vector<16xi32>, vector<16xi1>
    %add3A_281 = arith.constant 160 : i32
    %add3A_282 = arith.addi %reduce_sum3A_194, %add3A_281 : i32
    %add3A_283 = vector.broadcast %add3A_282 : i32 to vector<16xi32>
    %add3A_284 = arith.addi %add3A_283, %iota3A : vector<16xi32>
    %lt3A_285 = vector.broadcast %mul3A_218 : i32 to vector<16xi32>
    %lt3A_286 = arith.cmpi slt, %add3A_284, %lt3A_285 : vector<16xi32>
    tpu.vector_store_idx %arg17[%add3A_284], %add3A_221 masked %lt3A_286 : memref<10240xi32, #tpu.memory_space<vmem>>[vector<16xi32>], vector<16xi32>, vector<16xi1>
    %add3A_287 = arith.constant 176 : i32
    %add3A_288 = arith.addi %reduce_sum3A_194, %add3A_287 : i32
    %add3A_289 = vector.broadcast %add3A_288 : i32 to vector<16xi32>
    %add3A_290 = arith.addi %add3A_289, %iota3A : vector<16xi32>
    %lt3A_291 = vector.broadcast %mul3A_218 : i32 to vector<16xi32>
    %lt3A_292 = arith.cmpi slt, %add3A_290, %lt3A_291 : vector<16xi32>
    tpu.vector_store_idx %arg17[%add3A_290], %add3A_221 masked %lt3A_292 : memref<10240xi32, #tpu.memory_space<vmem>>[vector<16xi32>], vector<16xi32>, vector<16xi1>
    %add3A_293 = arith.constant 192 : i32
    %add3A_294 = arith.addi %reduce_sum3A_194, %add3A_293 : i32
    %add3A_295 = vector.broadcast %add3A_294 : i32 to vector<16xi32>
    %add3A_296 = arith.addi %add3A_295, %iota3A : vector<16xi32>
    %lt3A_297 = vector.broadcast %mul3A_218 : i32 to vector<16xi32>
    %lt3A_298 = arith.cmpi slt, %add3A_296, %lt3A_297 : vector<16xi32>
    tpu.vector_store_idx %arg17[%add3A_296], %add3A_221 masked %lt3A_298 : memref<10240xi32, #tpu.memory_space<vmem>>[vector<16xi32>], vector<16xi32>, vector<16xi1>
    %add3A_299 = arith.constant 208 : i32
    %add3A_300 = arith.addi %reduce_sum3A_194, %add3A_299 : i32
    %add3A_301 = vector.broadcast %add3A_300 : i32 to vector<16xi32>
    %add3A_302 = arith.addi %add3A_301, %iota3A : vector<16xi32>
    %lt3A_303 = vector.broadcast %mul3A_218 : i32 to vector<16xi32>
    %lt3A_304 = arith.cmpi slt, %add3A_302, %lt3A_303 : vector<16xi32>
    tpu.vector_store_idx %arg17[%add3A_302], %add3A_221 masked %lt3A_304 : memref<10240xi32, #tpu.memory_space<vmem>>[vector<16xi32>], vector<16xi32>, vector<16xi1>
    %add3A_305 = arith.constant 224 : i32
    %add3A_306 = arith.addi %reduce_sum3A_194, %add3A_305 : i32
    %add3A_307 = vector.broadcast %add3A_306 : i32 to vector<16xi32>
    %add3A_308 = arith.addi %add3A_307, %iota3A : vector<16xi32>
    %lt3A_309 = vector.broadcast %mul3A_218 : i32 to vector<16xi32>
    %lt3A_310 = arith.cmpi slt, %add3A_308, %lt3A_309 : vector<16xi32>
    tpu.vector_store_idx %arg17[%add3A_308], %add3A_221 masked %lt3A_310 : memref<10240xi32, #tpu.memory_space<vmem>>[vector<16xi32>], vector<16xi32>, vector<16xi1>
    %add3A_311 = arith.constant 240 : i32
    %add3A_312 = arith.addi %reduce_sum3A_194, %add3A_311 : i32
    %add3A_313 = vector.broadcast %add3A_312 : i32 to vector<16xi32>
    %add3A_314 = arith.addi %add3A_313, %iota3A : vector<16xi32>
    %lt3A_315 = vector.broadcast %mul3A_218 : i32 to vector<16xi32>
    %lt3A_316 = arith.cmpi slt, %add3A_314, %lt3A_315 : vector<16xi32>
    tpu.vector_store_idx %arg17[%add3A_314], %add3A_221 masked %lt3A_316 : memref<10240xi32, #tpu.memory_space<vmem>>[vector<16xi32>], vector<16xi32>, vector<16xi1>
    %mul3A_317 = arith.constant 10240 : i32
    %mul3A_318 = arith.muli %add3A, %mul3A_317 : i32
    "tpu.region"() ({
      %run_scoped3A = tpu.sem_alloc : memref<!tpu.dma_semaphore, #tpu.memory_space<semaphore_mem>>
      %dma_start3A = tpu.memref_slice %arg7[%mul3A_318] : memref<327680xi32, #tpu.memory_space<hbm>> -> memref<10240xi32, #tpu.memory_space<hbm>>
      %dma_start3A_343 = tpu.memref_slice %arg7[%mul3A_318] : memref<327680xi32, #tpu.memory_space<hbm>> -> memref<10240xi32, #tpu.memory_space<hbm>>
      tpu.enqueue_dma source(%arg16 : memref<10240xi32, #tpu.memory_space<vmem>>) target(%dma_start3A_343 : memref<10240xi32, #tpu.memory_space<hbm>>) target_semaphore(%run_scoped3A : memref<!tpu.dma_semaphore, #tpu.memory_space<semaphore_mem>>)
      %dma_wait3A = tpu.memref_slice %arg7[%mul3A_318] : memref<327680xi32, #tpu.memory_space<hbm>> -> memref<10240xi32, #tpu.memory_space<hbm>>
      %dma_wait3A_344 = tpu.memref_slice %arg7[%mul3A_318] : memref<327680xi32, #tpu.memory_space<hbm>> -> memref<10240xi32, #tpu.memory_space<hbm>>
      tpu.wait_dma2 semaphore(%run_scoped3A : memref<!tpu.dma_semaphore, #tpu.memory_space<semaphore_mem>>) src(%arg16 : memref<10240xi32, #tpu.memory_space<vmem>>) dst(%dma_wait3A_344 : memref<10240xi32, #tpu.memory_space<hbm>>)
      tpu.yield
    }) : () -> ()
    %mul3A_319 = arith.constant 10240 : i32
    %mul3A_320 = arith.muli %add3A, %mul3A_319 : i32
    "tpu.region"() ({
      %run_scoped3A = tpu.sem_alloc : memref<!tpu.dma_semaphore, #tpu.memory_space<semaphore_mem>>
      %dma_start3A = tpu.memref_slice %arg8[%mul3A_320] : memref<327680xi32, #tpu.memory_space<hbm>> -> memref<10240xi32, #tpu.memory_space<hbm>>
      %dma_start3A_343 = tpu.memref_slice %arg8[%mul3A_320] : memref<327680xi32, #tpu.memory_space<hbm>> -> memref<10240xi32, #tpu.memory_space<hbm>>
      tpu.enqueue_dma source(%arg17 : memref<10240xi32, #tpu.memory_space<vmem>>) target(%dma_start3A_343 : memref<10240xi32, #tpu.memory_space<hbm>>) target_semaphore(%run_scoped3A : memref<!tpu.dma_semaphore, #tpu.memory_space<semaphore_mem>>)
      %dma_wait3A = tpu.memref_slice %arg8[%mul3A_320] : memref<327680xi32, #tpu.memory_space<hbm>> -> memref<10240xi32, #tpu.memory_space<hbm>>
      %dma_wait3A_344 = tpu.memref_slice %arg8[%mul3A_320] : memref<327680xi32, #tpu.memory_space<hbm>> -> memref<10240xi32, #tpu.memory_space<hbm>>
      tpu.wait_dma2 semaphore(%run_scoped3A : memref<!tpu.dma_semaphore, #tpu.memory_space<semaphore_mem>>) src(%arg17 : memref<10240xi32, #tpu.memory_space<vmem>>) dst(%dma_wait3A_344 : memref<10240xi32, #tpu.memory_space<hbm>>)
      tpu.yield
    }) : () -> ()
    %while3A = arith.constant 0 : i32
    %while3A_321 = arith.constant 0 : i32
    %while3A_322 = arith.subi %select_n3A_216, %while3A_321 : i32
    %while3A_323 = arith.addi %while3A_321, %while3A_322 : i32
    %while3A_324 = arith.constant 1 : i32
    %while3A_325 = arith.divsi %while3A_322, %while3A_324 : i32
    %while3A_326 = arith.muli %while3A_325, %while3A_324 : i32
    %while3A_327 = arith.addi %while3A_321, %while3A_326 : i32
    %while3A_328 = arith.constant 1 : i32
    scf.for %while3A_343 = %while3A_321 to %while3A_327 step %while3A_328  : i32 {
      %mul3A_344 = arith.constant 256 : i32
      %mul3A_345 = arith.muli %while3A_343, %mul3A_344 : i32
      %add3A_346 = arith.constant 0 : i32
      %add3A_347 = arith.addi %mul3A_345, %add3A_346 : i32
      %get3A = arith.index_cast %add3A_347 : i32 to index
      %get3A_348 = tpu.vector_load %arg17[%get3A] {strides = array<i32>} : memref<10240xi32, #tpu.memory_space<vmem>>, vector<16xi32>,
      %swap3A_349 = arith.constant 0 : index
      %swap3A_350 = tpu.vector_load %arg15[%swap3A_349] {strides = array<i32>} : memref<256xi32, #tpu.memory_space<vmem>>, vector<16xi32>,
      tpu.vector_store %arg15[%swap3A_349], %get3A_348 {strides = array<i32>} : memref<256xi32, #tpu.memory_space<vmem>>, vector<16xi32>,
      %mul3A_351 = arith.constant 256 : i32
      %mul3A_352 = arith.muli %while3A_343, %mul3A_351 : i32
      %add3A_353 = arith.constant 16 : i32
      %add3A_354 = arith.addi %mul3A_352, %add3A_353 : i32
      %get3A_355 = arith.index_cast %add3A_354 : i32 to index
      %get3A_356 = tpu.vector_load %arg17[%get3A_355] {strides = array<i32>} : memref<10240xi32, #tpu.memory_space<vmem>>, vector<16xi32>,
      %swap3A_357 = arith.constant 16 : index
      %swap3A_358 = tpu.vector_load %arg15[%swap3A_357] {strides = array<i32>} : memref<256xi32, #tpu.memory_space<vmem>>, vector<16xi32>,
      tpu.vector_store %arg15[%swap3A_357], %get3A_356 {strides = array<i32>} : memref<256xi32, #tpu.memory_space<vmem>>, vector<16xi32>,
      %mul3A_359 = arith.constant 256 : i32
      %mul3A_360 = arith.muli %while3A_343, %mul3A_359 : i32
      %add3A_361 = arith.constant 32 : i32
      %add3A_362 = arith.addi %mul3A_360, %add3A_361 : i32
      %get3A_363 = arith.index_cast %add3A_362 : i32 to index
      %get3A_364 = tpu.vector_load %arg17[%get3A_363] {strides = array<i32>} : memref<10240xi32, #tpu.memory_space<vmem>>, vector<16xi32>,
      %swap3A_365 = arith.constant 32 : index
      %swap3A_366 = tpu.vector_load %arg15[%swap3A_365] {strides = array<i32>} : memref<256xi32, #tpu.memory_space<vmem>>, vector<16xi32>,
      tpu.vector_store %arg15[%swap3A_365], %get3A_364 {strides = array<i32>} : memref<256xi32, #tpu.memory_space<vmem>>, vector<16xi32>,
      %mul3A_367 = arith.constant 256 : i32
      %mul3A_368 = arith.muli %while3A_343, %mul3A_367 : i32
      %add3A_369 = arith.constant 48 : i32
      %add3A_370 = arith.addi %mul3A_368, %add3A_369 : i32
      %get3A_371 = arith.index_cast %add3A_370 : i32 to index
      %get3A_372 = tpu.vector_load %arg17[%get3A_371] {strides = array<i32>} : memref<10240xi32, #tpu.memory_space<vmem>>, vector<16xi32>,
      %swap3A_373 = arith.constant 48 : index
      %swap3A_374 = tpu.vector_load %arg15[%swap3A_373] {strides = array<i32>} : memref<256xi32, #tpu.memory_space<vmem>>, vector<16xi32>,
      tpu.vector_store %arg15[%swap3A_373], %get3A_372 {strides = array<i32>} : memref<256xi32, #tpu.memory_space<vmem>>, vector<16xi32>,
      %mul3A_375 = arith.constant 256 : i32
      %mul3A_376 = arith.muli %while3A_343, %mul3A_375 : i32
      %add3A_377 = arith.constant 64 : i32
      %add3A_378 = arith.addi %mul3A_376, %add3A_377 : i32
      %get3A_379 = arith.index_cast %add3A_378 : i32 to index
      %get3A_380 = tpu.vector_load %arg17[%get3A_379] {strides = array<i32>} : memref<10240xi32, #tpu.memory_space<vmem>>, vector<16xi32>,
      %swap3A_381 = arith.constant 64 : index
      %swap3A_382 = tpu.vector_load %arg15[%swap3A_381] {strides = array<i32>} : memref<256xi32, #tpu.memory_space<vmem>>, vector<16xi32>,
      tpu.vector_store %arg15[%swap3A_381], %get3A_380 {strides = array<i32>} : memref<256xi32, #tpu.memory_space<vmem>>, vector<16xi32>,
      %mul3A_383 = arith.constant 256 : i32
      %mul3A_384 = arith.muli %while3A_343, %mul3A_383 : i32
      %add3A_385 = arith.constant 80 : i32
      %add3A_386 = arith.addi %mul3A_384, %add3A_385 : i32
      %get3A_387 = arith.index_cast %add3A_386 : i32 to index
      %get3A_388 = tpu.vector_load %arg17[%get3A_387] {strides = array<i32>} : memref<10240xi32, #tpu.memory_space<vmem>>, vector<16xi32>,
      %swap3A_389 = arith.constant 80 : index
      %swap3A_390 = tpu.vector_load %arg15[%swap3A_389] {strides = array<i32>} : memref<256xi32, #tpu.memory_space<vmem>>, vector<16xi32>,
      tpu.vector_store %arg15[%swap3A_389], %get3A_388 {strides = array<i32>} : memref<256xi32, #tpu.memory_space<vmem>>, vector<16xi32>,
      %mul3A_391 = arith.constant 256 : i32
      %mul3A_392 = arith.muli %while3A_343, %mul3A_391 : i32
      %add3A_393 = arith.constant 96 : i32
      %add3A_394 = arith.addi %mul3A_392, %add3A_393 : i32
      %get3A_395 = arith.index_cast %add3A_394 : i32 to index
      %get3A_396 = tpu.vector_load %arg17[%get3A_395] {strides = array<i32>} : memref<10240xi32, #tpu.memory_space<vmem>>, vector<16xi32>,
      %swap3A_397 = arith.constant 96 : index
      %swap3A_398 = tpu.vector_load %arg15[%swap3A_397] {strides = array<i32>} : memref<256xi32, #tpu.memory_space<vmem>>, vector<16xi32>,
      tpu.vector_store %arg15[%swap3A_397], %get3A_396 {strides = array<i32>} : memref<256xi32, #tpu.memory_space<vmem>>, vector<16xi32>,
      %mul3A_399 = arith.constant 256 : i32
      %mul3A_400 = arith.muli %while3A_343, %mul3A_399 : i32
      %add3A_401 = arith.constant 112 : i32
      %add3A_402 = arith.addi %mul3A_400, %add3A_401 : i32
      %get3A_403 = arith.index_cast %add3A_402 : i32 to index
      %get3A_404 = tpu.vector_load %arg17[%get3A_403] {strides = array<i32>} : memref<10240xi32, #tpu.memory_space<vmem>>, vector<16xi32>,
      %swap3A_405 = arith.constant 112 : index
      %swap3A_406 = tpu.vector_load %arg15[%swap3A_405] {strides = array<i32>} : memref<256xi32, #tpu.memory_space<vmem>>, vector<16xi32>,
      tpu.vector_store %arg15[%swap3A_405], %get3A_404 {strides = array<i32>} : memref<256xi32, #tpu.memory_space<vmem>>, vector<16xi32>,
      %mul3A_407 = arith.constant 256 : i32
      %mul3A_408 = arith.muli %while3A_343, %mul3A_407 : i32
      %add3A_409 = arith.constant 128 : i32
      %add3A_410 = arith.addi %mul3A_408, %add3A_409 : i32
      %get3A_411 = arith.index_cast %add3A_410 : i32 to index
      %get3A_412 = tpu.vector_load %arg17[%get3A_411] {strides = array<i32>} : memref<10240xi32, #tpu.memory_space<vmem>>, vector<16xi32>,
      %swap3A_413 = arith.constant 128 : index
      %swap3A_414 = tpu.vector_load %arg15[%swap3A_413] {strides = array<i32>} : memref<256xi32, #tpu.memory_space<vmem>>, vector<16xi32>,
      tpu.vector_store %arg15[%swap3A_413], %get3A_412 {strides = array<i32>} : memref<256xi32, #tpu.memory_space<vmem>>, vector<16xi32>,
      %mul3A_415 = arith.constant 256 : i32
      %mul3A_416 = arith.muli %while3A_343, %mul3A_415 : i32
      %add3A_417 = arith.constant 144 : i32
      %add3A_418 = arith.addi %mul3A_416, %add3A_417 : i32
      %get3A_419 = arith.index_cast %add3A_418 : i32 to index
      %get3A_420 = tpu.vector_load %arg17[%get3A_419] {strides = array<i32>} : memref<10240xi32, #tpu.memory_space<vmem>>, vector<16xi32>,
      %swap3A_421 = arith.constant 144 : index
      %swap3A_422 = tpu.vector_load %arg15[%swap3A_421] {strides = array<i32>} : memref<256xi32, #tpu.memory_space<vmem>>, vector<16xi32>,
      tpu.vector_store %arg15[%swap3A_421], %get3A_420 {strides = array<i32>} : memref<256xi32, #tpu.memory_space<vmem>>, vector<16xi32>,
      %mul3A_423 = arith.constant 256 : i32
      %mul3A_424 = arith.muli %while3A_343, %mul3A_423 : i32
      %add3A_425 = arith.constant 160 : i32
      %add3A_426 = arith.addi %mul3A_424, %add3A_425 : i32
      %get3A_427 = arith.index_cast %add3A_426 : i32 to index
      %get3A_428 = tpu.vector_load %arg17[%get3A_427] {strides = array<i32>} : memref<10240xi32, #tpu.memory_space<vmem>>, vector<16xi32>,
      %swap3A_429 = arith.constant 160 : index
      %swap3A_430 = tpu.vector_load %arg15[%swap3A_429] {strides = array<i32>} : memref<256xi32, #tpu.memory_space<vmem>>, vector<16xi32>,
      tpu.vector_store %arg15[%swap3A_429], %get3A_428 {strides = array<i32>} : memref<256xi32, #tpu.memory_space<vmem>>, vector<16xi32>,
      %mul3A_431 = arith.constant 256 : i32
      %mul3A_432 = arith.muli %while3A_343, %mul3A_431 : i32
      %add3A_433 = arith.constant 176 : i32
      %add3A_434 = arith.addi %mul3A_432, %add3A_433 : i32
      %get3A_435 = arith.index_cast %add3A_434 : i32 to index
      %get3A_436 = tpu.vector_load %arg17[%get3A_435] {strides = array<i32>} : memref<10240xi32, #tpu.memory_space<vmem>>, vector<16xi32>,
      %swap3A_437 = arith.constant 176 : index
      %swap3A_438 = tpu.vector_load %arg15[%swap3A_437] {strides = array<i32>} : memref<256xi32, #tpu.memory_space<vmem>>, vector<16xi32>,
      tpu.vector_store %arg15[%swap3A_437], %get3A_436 {strides = array<i32>} : memref<256xi32, #tpu.memory_space<vmem>>, vector<16xi32>,
      %mul3A_439 = arith.constant 256 : i32
      %mul3A_440 = arith.muli %while3A_343, %mul3A_439 : i32
      %add3A_441 = arith.constant 192 : i32
      %add3A_442 = arith.addi %mul3A_440, %add3A_441 : i32
      %get3A_443 = arith.index_cast %add3A_442 : i32 to index
      %get3A_444 = tpu.vector_load %arg17[%get3A_443] {strides = array<i32>} : memref<10240xi32, #tpu.memory_space<vmem>>, vector<16xi32>,
      %swap3A_445 = arith.constant 192 : index
      %swap3A_446 = tpu.vector_load %arg15[%swap3A_445] {strides = array<i32>} : memref<256xi32, #tpu.memory_space<vmem>>, vector<16xi32>,
      tpu.vector_store %arg15[%swap3A_445], %get3A_444 {strides = array<i32>} : memref<256xi32, #tpu.memory_space<vmem>>, vector<16xi32>,
      %mul3A_447 = arith.constant 256 : i32
      %mul3A_448 = arith.muli %while3A_343, %mul3A_447 : i32
      %add3A_449 = arith.constant 208 : i32
      %add3A_450 = arith.addi %mul3A_448, %add3A_449 : i32
      %get3A_451 = arith.index_cast %add3A_450 : i32 to index
      %get3A_452 = tpu.vector_load %arg17[%get3A_451] {strides = array<i32>} : memref<10240xi32, #tpu.memory_space<vmem>>, vector<16xi32>,
      %swap3A_453 = arith.constant 208 : index
      %swap3A_454 = tpu.vector_load %arg15[%swap3A_453] {strides = array<i32>} : memref<256xi32, #tpu.memory_space<vmem>>, vector<16xi32>,
      tpu.vector_store %arg15[%swap3A_453], %get3A_452 {strides = array<i32>} : memref<256xi32, #tpu.memory_space<vmem>>, vector<16xi32>,
      %mul3A_455 = arith.constant 256 : i32
      %mul3A_456 = arith.muli %while3A_343, %mul3A_455 : i32
      %add3A_457 = arith.constant 224 : i32
      %add3A_458 = arith.addi %mul3A_456, %add3A_457 : i32
      %get3A_459 = arith.index_cast %add3A_458 : i32 to index
      %get3A_460 = tpu.vector_load %arg17[%get3A_459] {strides = array<i32>} : memref<10240xi32, #tpu.memory_space<vmem>>, vector<16xi32>,
      %swap3A_461 = arith.constant 224 : index
      %swap3A_462 = tpu.vector_load %arg15[%swap3A_461] {strides = array<i32>} : memref<256xi32, #tpu.memory_space<vmem>>, vector<16xi32>,
      tpu.vector_store %arg15[%swap3A_461], %get3A_460 {strides = array<i32>} : memref<256xi32, #tpu.memory_space<vmem>>, vector<16xi32>,
      %mul3A_463 = arith.constant 256 : i32
      %mul3A_464 = arith.muli %while3A_343, %mul3A_463 : i32
      %add3A_465 = arith.constant 240 : i32
      %add3A_466 = arith.addi %mul3A_464, %add3A_465 : i32
      %get3A_467 = arith.index_cast %add3A_466 : i32 to index
      %get3A_468 = tpu.vector_load %arg17[%get3A_467] {strides = array<i32>} : memref<10240xi32, #tpu.memory_space<vmem>>, vector<16xi32>,
      %swap3A_469 = arith.constant 240 : index
      %swap3A_470 = tpu.vector_load %arg15[%swap3A_469] {strides = array<i32>} : memref<256xi32, #tpu.memory_space<vmem>>, vector<16xi32>,
      tpu.vector_store %arg15[%swap3A_469], %get3A_468 {strides = array<i32>} : memref<256xi32, #tpu.memory_space<vmem>>, vector<16xi32>,
      "tpu.region"() ({
        %run_scoped3A = tpu.sem_alloc : memref<!tpu.dma_semaphore, #tpu.memory_space<semaphore_mem>>
        %dma_start3A = arith.constant 0 : i32
        %dma_start3A_471 = tpu.memref_slice %arg21[%dma_start3A] : memref<10240xf32, #tpu.memory_space<vmem_shared>> -> memref<10240xf32, #tpu.memory_space<vmem_shared>>
        tpu.enqueue_indirect_dma source(%arg14 : memref<256xf32, #tpu.memory_space<vmem>>) target(%dma_start3A_471 : memref<10240xf32, #tpu.memory_space<vmem_shared>>) offsets(%arg15 : memref<256xi32, #tpu.memory_space<vmem>>) semaphore(%run_scoped3A : memref<!tpu.dma_semaphore, #tpu.memory_space<semaphore_mem>>) {add = true}
        %dma_wait3A = arith.constant 0 : i32
        %dma_wait3A_472 = tpu.memref_slice %arg21[%dma_wait3A] : memref<10240xf32, #tpu.memory_space<vmem_shared>> -> memref<10240xf32, #tpu.memory_space<vmem_shared>>
        tpu.wait_indirect_dma semaphore(%run_scoped3A : memref<!tpu.dma_semaphore, #tpu.memory_space<semaphore_mem>>) src(%arg14 : memref<256xf32, #tpu.memory_space<vmem>>) dst(%dma_wait3A_472 : memref<10240xf32, #tpu.memory_space<vmem_shared>>)
        tpu.yield
      }) : () -> ()
    }
    %while3A_329 = arith.constant 1 : i32
    scf.for %while3A_343 = %while3A_327 to %while3A_323 step %while3A_329  : i32 {
      %mul3A_344 = arith.constant 256 : i32
      %mul3A_345 = arith.muli %while3A_343, %mul3A_344 : i32
      %add3A_346 = arith.constant 0 : i32
      %add3A_347 = arith.addi %mul3A_345, %add3A_346 : i32
      %get3A = arith.index_cast %add3A_347 : i32 to index
      %get3A_348 = tpu.vector_load %arg17[%get3A] {strides = array<i32>} : memref<10240xi32, #tpu.memory_space<vmem>>, vector<16xi32>,
      %swap3A_349 = arith.constant 0 : index
      %swap3A_350 = tpu.vector_load %arg15[%swap3A_349] {strides = array<i32>} : memref<256xi32, #tpu.memory_space<vmem>>, vector<16xi32>,
      tpu.vector_store %arg15[%swap3A_349], %get3A_348 {strides = array<i32>} : memref<256xi32, #tpu.memory_space<vmem>>, vector<16xi32>,
      %mul3A_351 = arith.constant 256 : i32
      %mul3A_352 = arith.muli %while3A_343, %mul3A_351 : i32
      %add3A_353 = arith.constant 16 : i32
      %add3A_354 = arith.addi %mul3A_352, %add3A_353 : i32
      %get3A_355 = arith.index_cast %add3A_354 : i32 to index
      %get3A_356 = tpu.vector_load %arg17[%get3A_355] {strides = array<i32>} : memref<10240xi32, #tpu.memory_space<vmem>>, vector<16xi32>,
      %swap3A_357 = arith.constant 16 : index
      %swap3A_358 = tpu.vector_load %arg15[%swap3A_357] {strides = array<i32>} : memref<256xi32, #tpu.memory_space<vmem>>, vector<16xi32>,
      tpu.vector_store %arg15[%swap3A_357], %get3A_356 {strides = array<i32>} : memref<256xi32, #tpu.memory_space<vmem>>, vector<16xi32>,
      %mul3A_359 = arith.constant 256 : i32
      %mul3A_360 = arith.muli %while3A_343, %mul3A_359 : i32
      %add3A_361 = arith.constant 32 : i32
      %add3A_362 = arith.addi %mul3A_360, %add3A_361 : i32
      %get3A_363 = arith.index_cast %add3A_362 : i32 to index
      %get3A_364 = tpu.vector_load %arg17[%get3A_363] {strides = array<i32>} : memref<10240xi32, #tpu.memory_space<vmem>>, vector<16xi32>,
      %swap3A_365 = arith.constant 32 : index
      %swap3A_366 = tpu.vector_load %arg15[%swap3A_365] {strides = array<i32>} : memref<256xi32, #tpu.memory_space<vmem>>, vector<16xi32>,
      tpu.vector_store %arg15[%swap3A_365], %get3A_364 {strides = array<i32>} : memref<256xi32, #tpu.memory_space<vmem>>, vector<16xi32>,
      %mul3A_367 = arith.constant 256 : i32
      %mul3A_368 = arith.muli %while3A_343, %mul3A_367 : i32
      %add3A_369 = arith.constant 48 : i32
      %add3A_370 = arith.addi %mul3A_368, %add3A_369 : i32
      %get3A_371 = arith.index_cast %add3A_370 : i32 to index
      %get3A_372 = tpu.vector_load %arg17[%get3A_371] {strides = array<i32>} : memref<10240xi32, #tpu.memory_space<vmem>>, vector<16xi32>,
      %swap3A_373 = arith.constant 48 : index
      %swap3A_374 = tpu.vector_load %arg15[%swap3A_373] {strides = array<i32>} : memref<256xi32, #tpu.memory_space<vmem>>, vector<16xi32>,
      tpu.vector_store %arg15[%swap3A_373], %get3A_372 {strides = array<i32>} : memref<256xi32, #tpu.memory_space<vmem>>, vector<16xi32>,
      %mul3A_375 = arith.constant 256 : i32
      %mul3A_376 = arith.muli %while3A_343, %mul3A_375 : i32
      %add3A_377 = arith.constant 64 : i32
      %add3A_378 = arith.addi %mul3A_376, %add3A_377 : i32
      %get3A_379 = arith.index_cast %add3A_378 : i32 to index
      %get3A_380 = tpu.vector_load %arg17[%get3A_379] {strides = array<i32>} : memref<10240xi32, #tpu.memory_space<vmem>>, vector<16xi32>,
      %swap3A_381 = arith.constant 64 : index
      %swap3A_382 = tpu.vector_load %arg15[%swap3A_381] {strides = array<i32>} : memref<256xi32, #tpu.memory_space<vmem>>, vector<16xi32>,
      tpu.vector_store %arg15[%swap3A_381], %get3A_380 {strides = array<i32>} : memref<256xi32, #tpu.memory_space<vmem>>, vector<16xi32>,
      %mul3A_383 = arith.constant 256 : i32
      %mul3A_384 = arith.muli %while3A_343, %mul3A_383 : i32
      %add3A_385 = arith.constant 80 : i32
      %add3A_386 = arith.addi %mul3A_384, %add3A_385 : i32
      %get3A_387 = arith.index_cast %add3A_386 : i32 to index
      %get3A_388 = tpu.vector_load %arg17[%get3A_387] {strides = array<i32>} : memref<10240xi32, #tpu.memory_space<vmem>>, vector<16xi32>,
      %swap3A_389 = arith.constant 80 : index
      %swap3A_390 = tpu.vector_load %arg15[%swap3A_389] {strides = array<i32>} : memref<256xi32, #tpu.memory_space<vmem>>, vector<16xi32>,
      tpu.vector_store %arg15[%swap3A_389], %get3A_388 {strides = array<i32>} : memref<256xi32, #tpu.memory_space<vmem>>, vector<16xi32>,
      %mul3A_391 = arith.constant 256 : i32
      %mul3A_392 = arith.muli %while3A_343, %mul3A_391 : i32
      %add3A_393 = arith.constant 96 : i32
      %add3A_394 = arith.addi %mul3A_392, %add3A_393 : i32
      %get3A_395 = arith.index_cast %add3A_394 : i32 to index
      %get3A_396 = tpu.vector_load %arg17[%get3A_395] {strides = array<i32>} : memref<10240xi32, #tpu.memory_space<vmem>>, vector<16xi32>,
      %swap3A_397 = arith.constant 96 : index
      %swap3A_398 = tpu.vector_load %arg15[%swap3A_397] {strides = array<i32>} : memref<256xi32, #tpu.memory_space<vmem>>, vector<16xi32>,
      tpu.vector_store %arg15[%swap3A_397], %get3A_396 {strides = array<i32>} : memref<256xi32, #tpu.memory_space<vmem>>, vector<16xi32>,
      %mul3A_399 = arith.constant 256 : i32
      %mul3A_400 = arith.muli %while3A_343, %mul3A_399 : i32
      %add3A_401 = arith.constant 112 : i32
      %add3A_402 = arith.addi %mul3A_400, %add3A_401 : i32
      %get3A_403 = arith.index_cast %add3A_402 : i32 to index
      %get3A_404 = tpu.vector_load %arg17[%get3A_403] {strides = array<i32>} : memref<10240xi32, #tpu.memory_space<vmem>>, vector<16xi32>,
      %swap3A_405 = arith.constant 112 : index
      %swap3A_406 = tpu.vector_load %arg15[%swap3A_405] {strides = array<i32>} : memref<256xi32, #tpu.memory_space<vmem>>, vector<16xi32>,
      tpu.vector_store %arg15[%swap3A_405], %get3A_404 {strides = array<i32>} : memref<256xi32, #tpu.memory_space<vmem>>, vector<16xi32>,
      %mul3A_407 = arith.constant 256 : i32
      %mul3A_408 = arith.muli %while3A_343, %mul3A_407 : i32
      %add3A_409 = arith.constant 128 : i32
      %add3A_410 = arith.addi %mul3A_408, %add3A_409 : i32
      %get3A_411 = arith.index_cast %add3A_410 : i32 to index
      %get3A_412 = tpu.vector_load %arg17[%get3A_411] {strides = array<i32>} : memref<10240xi32, #tpu.memory_space<vmem>>, vector<16xi32>,
      %swap3A_413 = arith.constant 128 : index
      %swap3A_414 = tpu.vector_load %arg15[%swap3A_413] {strides = array<i32>} : memref<256xi32, #tpu.memory_space<vmem>>, vector<16xi32>,
      tpu.vector_store %arg15[%swap3A_413], %get3A_412 {strides = array<i32>} : memref<256xi32, #tpu.memory_space<vmem>>, vector<16xi32>,
      %mul3A_415 = arith.constant 256 : i32
      %mul3A_416 = arith.muli %while3A_343, %mul3A_415 : i32
      %add3A_417 = arith.constant 144 : i32
      %add3A_418 = arith.addi %mul3A_416, %add3A_417 : i32
      %get3A_419 = arith.index_cast %add3A_418 : i32 to index
      %get3A_420 = tpu.vector_load %arg17[%get3A_419] {strides = array<i32>} : memref<10240xi32, #tpu.memory_space<vmem>>, vector<16xi32>,
      %swap3A_421 = arith.constant 144 : index
      %swap3A_422 = tpu.vector_load %arg15[%swap3A_421] {strides = array<i32>} : memref<256xi32, #tpu.memory_space<vmem>>, vector<16xi32>,
      tpu.vector_store %arg15[%swap3A_421], %get3A_420 {strides = array<i32>} : memref<256xi32, #tpu.memory_space<vmem>>, vector<16xi32>,
      %mul3A_423 = arith.constant 256 : i32
      %mul3A_424 = arith.muli %while3A_343, %mul3A_423 : i32
      %add3A_425 = arith.constant 160 : i32
      %add3A_426 = arith.addi %mul3A_424, %add3A_425 : i32
      %get3A_427 = arith.index_cast %add3A_426 : i32 to index
      %get3A_428 = tpu.vector_load %arg17[%get3A_427] {strides = array<i32>} : memref<10240xi32, #tpu.memory_space<vmem>>, vector<16xi32>,
      %swap3A_429 = arith.constant 160 : index
      %swap3A_430 = tpu.vector_load %arg15[%swap3A_429] {strides = array<i32>} : memref<256xi32, #tpu.memory_space<vmem>>, vector<16xi32>,
      tpu.vector_store %arg15[%swap3A_429], %get3A_428 {strides = array<i32>} : memref<256xi32, #tpu.memory_space<vmem>>, vector<16xi32>,
      %mul3A_431 = arith.constant 256 : i32
      %mul3A_432 = arith.muli %while3A_343, %mul3A_431 : i32
      %add3A_433 = arith.constant 176 : i32
      %add3A_434 = arith.addi %mul3A_432, %add3A_433 : i32
      %get3A_435 = arith.index_cast %add3A_434 : i32 to index
      %get3A_436 = tpu.vector_load %arg17[%get3A_435] {strides = array<i32>} : memref<10240xi32, #tpu.memory_space<vmem>>, vector<16xi32>,
      %swap3A_437 = arith.constant 176 : index
      %swap3A_438 = tpu.vector_load %arg15[%swap3A_437] {strides = array<i32>} : memref<256xi32, #tpu.memory_space<vmem>>, vector<16xi32>,
      tpu.vector_store %arg15[%swap3A_437], %get3A_436 {strides = array<i32>} : memref<256xi32, #tpu.memory_space<vmem>>, vector<16xi32>,
      %mul3A_439 = arith.constant 256 : i32
      %mul3A_440 = arith.muli %while3A_343, %mul3A_439 : i32
      %add3A_441 = arith.constant 192 : i32
      %add3A_442 = arith.addi %mul3A_440, %add3A_441 : i32
      %get3A_443 = arith.index_cast %add3A_442 : i32 to index
      %get3A_444 = tpu.vector_load %arg17[%get3A_443] {strides = array<i32>} : memref<10240xi32, #tpu.memory_space<vmem>>, vector<16xi32>,
      %swap3A_445 = arith.constant 192 : index
      %swap3A_446 = tpu.vector_load %arg15[%swap3A_445] {strides = array<i32>} : memref<256xi32, #tpu.memory_space<vmem>>, vector<16xi32>,
      tpu.vector_store %arg15[%swap3A_445], %get3A_444 {strides = array<i32>} : memref<256xi32, #tpu.memory_space<vmem>>, vector<16xi32>,
      %mul3A_447 = arith.constant 256 : i32
      %mul3A_448 = arith.muli %while3A_343, %mul3A_447 : i32
      %add3A_449 = arith.constant 208 : i32
      %add3A_450 = arith.addi %mul3A_448, %add3A_449 : i32
      %get3A_451 = arith.index_cast %add3A_450 : i32 to index
      %get3A_452 = tpu.vector_load %arg17[%get3A_451] {strides = array<i32>} : memref<10240xi32, #tpu.memory_space<vmem>>, vector<16xi32>,
      %swap3A_453 = arith.constant 208 : index
      %swap3A_454 = tpu.vector_load %arg15[%swap3A_453] {strides = array<i32>} : memref<256xi32, #tpu.memory_space<vmem>>, vector<16xi32>,
      tpu.vector_store %arg15[%swap3A_453], %get3A_452 {strides = array<i32>} : memref<256xi32, #tpu.memory_space<vmem>>, vector<16xi32>,
      %mul3A_455 = arith.constant 256 : i32
      %mul3A_456 = arith.muli %while3A_343, %mul3A_455 : i32
      %add3A_457 = arith.constant 224 : i32
      %add3A_458 = arith.addi %mul3A_456, %add3A_457 : i32
      %get3A_459 = arith.index_cast %add3A_458 : i32 to index
      %get3A_460 = tpu.vector_load %arg17[%get3A_459] {strides = array<i32>} : memref<10240xi32, #tpu.memory_space<vmem>>, vector<16xi32>,
      %swap3A_461 = arith.constant 224 : index
      %swap3A_462 = tpu.vector_load %arg15[%swap3A_461] {strides = array<i32>} : memref<256xi32, #tpu.memory_space<vmem>>, vector<16xi32>,
      tpu.vector_store %arg15[%swap3A_461], %get3A_460 {strides = array<i32>} : memref<256xi32, #tpu.memory_space<vmem>>, vector<16xi32>,
      %mul3A_463 = arith.constant 256 : i32
      %mul3A_464 = arith.muli %while3A_343, %mul3A_463 : i32
      %add3A_465 = arith.constant 240 : i32
      %add3A_466 = arith.addi %mul3A_464, %add3A_465 : i32
      %get3A_467 = arith.index_cast %add3A_466 : i32 to index
      %get3A_468 = tpu.vector_load %arg17[%get3A_467] {strides = array<i32>} : memref<10240xi32, #tpu.memory_space<vmem>>, vector<16xi32>,
      %swap3A_469 = arith.constant 240 : index
      %swap3A_470 = tpu.vector_load %arg15[%swap3A_469] {strides = array<i32>} : memref<256xi32, #tpu.memory_space<vmem>>, vector<16xi32>,
      tpu.vector_store %arg15[%swap3A_469], %get3A_468 {strides = array<i32>} : memref<256xi32, #tpu.memory_space<vmem>>, vector<16xi32>,
      "tpu.region"() ({
        %run_scoped3A = tpu.sem_alloc : memref<!tpu.dma_semaphore, #tpu.memory_space<semaphore_mem>>
        %dma_start3A = arith.constant 0 : i32
        %dma_start3A_471 = tpu.memref_slice %arg21[%dma_start3A] : memref<10240xf32, #tpu.memory_space<vmem_shared>> -> memref<10240xf32, #tpu.memory_space<vmem_shared>>
        tpu.enqueue_indirect_dma source(%arg14 : memref<256xf32, #tpu.memory_space<vmem>>) target(%dma_start3A_471 : memref<10240xf32, #tpu.memory_space<vmem_shared>>) offsets(%arg15 : memref<256xi32, #tpu.memory_space<vmem>>) semaphore(%run_scoped3A : memref<!tpu.dma_semaphore, #tpu.memory_space<semaphore_mem>>) {add = true}
        %dma_wait3A = arith.constant 0 : i32
        %dma_wait3A_472 = tpu.memref_slice %arg21[%dma_wait3A] : memref<10240xf32, #tpu.memory_space<vmem_shared>> -> memref<10240xf32, #tpu.memory_space<vmem_shared>>
        tpu.wait_indirect_dma semaphore(%run_scoped3A : memref<!tpu.dma_semaphore, #tpu.memory_space<semaphore_mem>>) src(%arg14 : memref<256xf32, #tpu.memory_space<vmem>>) dst(%dma_wait3A_472 : memref<10240xf32, #tpu.memory_space<vmem_shared>>)
        tpu.yield
      }) : () -> ()
    }
    "tpu.region"() ({
      %run_scoped3A = tpu.sem_alloc : memref<!tpu.dma_semaphore, #tpu.memory_space<semaphore_mem>>
      %dma_start3A = arith.constant 0 : i32
      %dma_start3A_343 = tpu.memref_slice %arg22[%dma_start3A] : memref<128xf32, #tpu.memory_space<vmem_shared>> -> memref<128xf32, #tpu.memory_space<vmem_shared>>
      tpu.enqueue_indirect_dma source(%arg20 : memref<128xf32, #tpu.memory_space<vmem>>) target(%dma_start3A_343 : memref<128xf32, #tpu.memory_space<vmem_shared>>) offsets(%arg19 : memref<128xi32, #tpu.memory_space<vmem>>) semaphore(%run_scoped3A : memref<!tpu.dma_semaphore, #tpu.memory_space<semaphore_mem>>) {add = true}
      %dma_wait3A = arith.constant 0 : i32
      %dma_wait3A_344 = tpu.memref_slice %arg22[%dma_wait3A] : memref<128xf32, #tpu.memory_space<vmem_shared>> -> memref<128xf32, #tpu.memory_space<vmem_shared>>
      tpu.wait_indirect_dma semaphore(%run_scoped3A : memref<!tpu.dma_semaphore, #tpu.memory_space<semaphore_mem>>) src(%arg20 : memref<128xf32, #tpu.memory_space<vmem>>) dst(%dma_wait3A_344 : memref<128xf32, #tpu.memory_space<vmem_shared>>)
      tpu.yield
    }) : () -> ()
    %barrier3A_330 = arith.constant 0 : index
    tpu.barrier barrier_id(%barrier3A_330)
    %mul3A_331 = arith.constant 640 : i32
    %mul3A_332 = arith.muli %arg1, %mul3A_331 : i32
    %mul3A_333 = arith.constant 10240 : i32
    %mul3A_334 = arith.muli %arg0, %mul3A_333 : i32
    %mul3A_335 = arith.constant 640 : i32
    %mul3A_336 = arith.muli %arg1, %mul3A_335 : i32
    %add3A_337 = arith.addi %mul3A_334, %mul3A_336 : i32
    "tpu.region"() ({
      %run_scoped3A = tpu.sem_alloc : memref<!tpu.dma_semaphore, #tpu.memory_space<semaphore_mem>>
      %dma_start3A = tpu.memref_slice %arg5[%add3A_337] : memref<20480xf32, #tpu.memory_space<hbm>> -> memref<640xf32, #tpu.memory_space<hbm>>
      %dma_start3A_343 = tpu.memref_slice %arg21[%mul3A_332] : memref<10240xf32, #tpu.memory_space<vmem_shared>> -> memref<640xf32, #tpu.memory_space<vmem_shared>>
      tpu.enqueue_dma source(%dma_start3A_343 : memref<640xf32, #tpu.memory_space<vmem_shared>>) target(%dma_start3A : memref<640xf32, #tpu.memory_space<hbm>>) target_semaphore(%run_scoped3A : memref<!tpu.dma_semaphore, #tpu.memory_space<semaphore_mem>>)
      %dma_wait3A = tpu.memref_slice %arg5[%add3A_337] : memref<20480xf32, #tpu.memory_space<hbm>> -> memref<640xf32, #tpu.memory_space<hbm>>
      %dma_wait3A_344 = tpu.memref_slice %arg21[%mul3A_332] : memref<10240xf32, #tpu.memory_space<vmem_shared>> -> memref<640xf32, #tpu.memory_space<vmem_shared>>
      tpu.wait_dma2 semaphore(%run_scoped3A : memref<!tpu.dma_semaphore, #tpu.memory_space<semaphore_mem>>) src(%dma_wait3A_344 : memref<640xf32, #tpu.memory_space<vmem_shared>>) dst(%dma_wait3A : memref<640xf32, #tpu.memory_space<hbm>>)
      tpu.yield
    }) : () -> ()
    %eq3A_338 = arith.constant 0 : i32
    %eq3A_339 = arith.cmpi eq, %arg1, %eq3A_338 : i32
    %convert_element_type3A_340 = arith.extui %eq3A_339 : i1 to i32
    %cond3A_341 = arith.constant 0 : i32
    %cond3A_342 = arith.cmpi ne, %convert_element_type3A_340, %cond3A_341 : i32
    scf.if %cond3A_342 {
      %mul3A_343 = arith.constant 128 : i32
      %mul3A_344 = arith.muli %arg0, %mul3A_343 : i32
      "tpu.region"() ({
        %run_scoped3A = tpu.sem_alloc : memref<!tpu.dma_semaphore, #tpu.memory_space<semaphore_mem>>
        %dma_start3A = tpu.memref_slice %arg6[%mul3A_344] : memref<256xf32, #tpu.memory_space<hbm>> -> memref<128xf32, #tpu.memory_space<hbm>>
        tpu.enqueue_dma source(%arg22 : memref<128xf32, #tpu.memory_space<vmem_shared>>) target(%dma_start3A : memref<128xf32, #tpu.memory_space<hbm>>) target_semaphore(%run_scoped3A : memref<!tpu.dma_semaphore, #tpu.memory_space<semaphore_mem>>)
        %dma_wait3A = tpu.memref_slice %arg6[%mul3A_344] : memref<256xf32, #tpu.memory_space<hbm>> -> memref<128xf32, #tpu.memory_space<hbm>>
        tpu.wait_dma2 semaphore(%run_scoped3A : memref<!tpu.dma_semaphore, #tpu.memory_space<semaphore_mem>>) src(%arg22 : memref<128xf32, #tpu.memory_space<vmem_shared>>) dst(%dma_wait3A : memref<128xf32, #tpu.memory_space<hbm>>)
        tpu.yield
      }) : () -> ()
    } else {
    }
    return
  }
}

module attributes {stable_mosaic.version = 14 : i64} {
  func.func @_mm1_kernel(%arg0: i32, %arg1: memref<400x128xf32, #tpu.memory_space<vmem>>, %arg2: memref<128x128xf32, #tpu.memory_space<vmem>>, %arg3: memref<400x128xf32, #tpu.memory_space<vmem>>) attributes {dimension_semantics = [#tpu.dimension_semantics<arbitrary>], iteration_bounds = array<i64: 25>, scalar_prefetch = 0 : i64, scratch_operands = 0 : i64, tpu.core_type = #tpu.core_type<tc>, window_params = [{transform_indices = @transform_0, window_bounds = array<i64: 400, 128>}, {pipeline_mode = #tpu.pipeline_mode<synchronous>, transform_indices = @transform_1, window_bounds = array<i64: 128, 128>}, {transform_indices = @transform_2, window_bounds = array<i64: 400, 128>}]} {
    %get3A = arith.constant 0 : index
    %get3A_0 = arith.constant 0 : index
    %get3A_1 = vector.load %arg1[%get3A, %get3A_0] : memref<400x128xf32, #tpu.memory_space<vmem>>, vector<400x128xf32>
    %get3A_2 = arith.constant 0 : index
    %get3A_3 = arith.constant 0 : index
    %get3A_4 = vector.load %arg2[%get3A_2, %get3A_3] : memref<128x128xf32, #tpu.memory_space<vmem>>, vector<128x128xf32>
    %dot_general3A = arith.constant dense<0.000000e+00> : vector<400x128xf32>
    %dot_general3A_5 = tpu.matmul %get3A_1, %get3A_4, %dot_general3A {dimension_numbers = #tpu.dot_dimension_numbers<[1], [0], [0], [1], [0, 0, 1, 1], [], []>, transpose_lhs_hint = false} : vector<400x128xf32>, vector<128x128xf32>, vector<400x128xf32> -> vector<400x128xf32>
    %swap3A = arith.constant 0 : index
    %swap3A_6 = arith.constant 0 : index
    %swap3A_7 = vector.load %arg3[%swap3A, %swap3A_6] : memref<400x128xf32, #tpu.memory_space<vmem>>, vector<400x128xf32>
    tpu.vector_store %arg3[%swap3A, %swap3A_6], %dot_general3A_5 {strides = array<i32>} : memref<400x128xf32, #tpu.memory_space<vmem>>, vector<400x128xf32>,
    return
  }
  func.func @transform_0(%arg0: i32) -> (i32, i32) {
    %c0_i32 = arith.constant 0 : i32
    %c0_i32_0 = arith.constant 0 : i32
    return %arg0, %c0_i32 : i32, i32
  }
  func.func @transform_1(%arg0: i32) -> (i32, i32) {
    %c0_i32 = arith.constant 0 : i32
    %c0_i32_0 = arith.constant 0 : i32
    %c0_i32_1 = arith.constant 0 : i32
    return %c0_i32, %c0_i32_0 : i32, i32
  }
  func.func @transform_2(%arg0: i32) -> (i32, i32) {
    %c0_i32 = arith.constant 0 : i32
    %c0_i32_0 = arith.constant 0 : i32
    return %arg0, %c0_i32 : i32, i32
  }
}

module attributes {stable_mosaic.version = 14 : i64} {
  func.func @_mm2_kernel(%arg0: i32, %arg1: memref<400x128xf32, #tpu.memory_space<vmem>>, %arg2: memref<2x400x1xf32, #tpu.memory_space<vmem>>, %arg3: memref<2x128xf32, #tpu.memory_space<vmem>>, %arg4: memref<400x128xf32, #tpu.memory_space<vmem>>, %arg5: memref<400x1xf32, #tpu.memory_space<vmem>>, %arg6: memref<1x128xf32, #tpu.memory_space<vmem>>) attributes {dimension_semantics = [#tpu.dimension_semantics<arbitrary>], iteration_bounds = array<i64: 25>, scalar_prefetch = 0 : i64, scratch_operands = 0 : i64, tpu.core_type = #tpu.core_type<tc>, window_params = [{transform_indices = @transform_0, window_bounds = array<i64: 400, 128>}, {transform_indices = @transform_1, window_bounds = array<i64: 2, 400, 1>}, {pipeline_mode = #tpu.pipeline_mode<synchronous>, transform_indices = @transform_2, window_bounds = array<i64: 2, 128>}, {transform_indices = @transform_3, window_bounds = array<i64: 400, 128>}, {transform_indices = @transform_4, window_bounds = array<i64: 400, 1>}, {pipeline_mode = #tpu.pipeline_mode<synchronous>, transform_indices = @transform_5, window_bounds = array<i64: 1, 128>}]} {
    %get3A = arith.constant 0 : index
    %get3A_0 = arith.constant 0 : index
    %get3A_1 = arith.constant 0 : index
    %get3A_2 = vector.load %arg2[%get3A, %get3A_0, %get3A_1] : memref<2x400x1xf32, #tpu.memory_space<vmem>>, vector<1x400x1xf32>
    %get3A_3 = vector.shape_cast %get3A_2 : vector<1x400x1xf32> to vector<400x1xf32>
    %get3A_4 = arith.constant 1 : index
    %get3A_5 = arith.constant 0 : index
    %get3A_6 = arith.constant 0 : index
    %get3A_7 = vector.load %arg2[%get3A_4, %get3A_5, %get3A_6] : memref<2x400x1xf32, #tpu.memory_space<vmem>>, vector<1x400x1xf32>
    %get3A_8 = vector.shape_cast %get3A_7 : vector<1x400x1xf32> to vector<400x1xf32>
    %add3A = arith.addf %get3A_3, %get3A_8 : vector<400x1xf32>
    %add3A_9 = arith.constant 1.000000e+00 : f32
    %add3A_10 = vector.broadcast %add3A_9 : f32 to vector<400x1xf32>
    %add3A_11 = arith.addf %add3A, %add3A_10 : vector<400x1xf32>
    %rsqrt3A = math.rsqrt %add3A_11 : vector<400x1xf32>
    %get3A_12 = arith.constant 0 : index
    %get3A_13 = arith.constant 0 : index
    %get3A_14 = vector.load %arg1[%get3A_12, %get3A_13] : memref<400x128xf32, #tpu.memory_space<vmem>>, vector<400x128xf32>
    %mul3A = vector.broadcast %rsqrt3A : vector<400x1xf32> to vector<400x128xf32>
    %mul3A_15 = arith.mulf %mul3A, %get3A_14 : vector<400x128xf32>
    %swap3A = arith.constant 0 : index
    %swap3A_16 = arith.constant 0 : index
    %swap3A_17 = vector.load %arg4[%swap3A, %swap3A_16] : memref<400x128xf32, #tpu.memory_space<vmem>>, vector<400x128xf32>
    tpu.vector_store %arg4[%swap3A, %swap3A_16], %mul3A_15 {strides = array<i32>} : memref<400x128xf32, #tpu.memory_space<vmem>>, vector<400x128xf32>,
    %swap3A_18 = arith.constant 0 : index
    %swap3A_19 = arith.constant 0 : index
    %swap3A_20 = vector.load %arg5[%swap3A_18, %swap3A_19] : memref<400x1xf32, #tpu.memory_space<vmem>>, vector<400x1xf32>
    tpu.vector_store %arg5[%swap3A_18, %swap3A_19], %rsqrt3A {strides = array<i32>} : memref<400x1xf32, #tpu.memory_space<vmem>>, vector<400x1xf32>,
    %get3A_21 = arith.constant 0 : index
    %get3A_22 = arith.constant 0 : index
    %get3A_23 = vector.load %arg3[%get3A_21, %get3A_22] : memref<2x128xf32, #tpu.memory_space<vmem>>, vector<1x128xf32>
    %get3A_24 = arith.constant 1 : index
    %get3A_25 = arith.constant 0 : index
    %get3A_26 = vector.load %arg3[%get3A_24, %get3A_25] : memref<2x128xf32, #tpu.memory_space<vmem>>, vector<1x128xf32>
    %add3A_27 = arith.addf %get3A_23, %get3A_26 : vector<1x128xf32>
    %swap3A_28 = arith.constant 0 : index
    %swap3A_29 = arith.constant 0 : index
    %swap3A_30 = vector.load %arg6[%swap3A_28, %swap3A_29] : memref<1x128xf32, #tpu.memory_space<vmem>>, vector<1x128xf32>
    tpu.vector_store %arg6[%swap3A_28, %swap3A_29], %add3A_27 {strides = array<i32>} : memref<1x128xf32, #tpu.memory_space<vmem>>, vector<1x128xf32>,
    return
  }
  func.func @transform_0(%arg0: i32) -> (i32, i32) {
    %c0_i32 = arith.constant 0 : i32
    %c0_i32_0 = arith.constant 0 : i32
    return %arg0, %c0_i32 : i32, i32
  }
  func.func @transform_1(%arg0: i32) -> (i32, i32, i32) {
    %c0_i32 = arith.constant 0 : i32
    %c0_i32_0 = arith.constant 0 : i32
    %c0_i32_1 = arith.constant 0 : i32
    return %c0_i32, %arg0, %c0_i32_0 : i32, i32, i32
  }
  func.func @transform_2(%arg0: i32) -> (i32, i32) {
    %c0_i32 = arith.constant 0 : i32
    %c0_i32_0 = arith.constant 0 : i32
    %c0_i32_1 = arith.constant 0 : i32
    return %c0_i32, %c0_i32_0 : i32, i32
  }
  func.func @transform_3(%arg0: i32) -> (i32, i32) {
    %c0_i32 = arith.constant 0 : i32
    %c0_i32_0 = arith.constant 0 : i32
    return %arg0, %c0_i32 : i32, i32
  }
  func.func @transform_4(%arg0: i32) -> (i32, i32) {
    %c0_i32 = arith.constant 0 : i32
    %c0_i32_0 = arith.constant 0 : i32
    return %arg0, %c0_i32 : i32, i32
  }
  func.func @transform_5(%arg0: i32) -> (i32, i32) {
    %c0_i32 = arith.constant 0 : i32
    %c0_i32_0 = arith.constant 0 : i32
    %c0_i32_1 = arith.constant 0 : i32
    return %c0_i32, %c0_i32_0 : i32, i32
  }
}

module attributes {stable_mosaic.version = 14 : i64} {
  func.func @_comb_kernel(%arg0: i32, %arg1: memref<400x128xf32, #tpu.memory_space<vmem>>, %arg2: memref<400x128xf32, #tpu.memory_space<vmem>>, %arg3: memref<400x128xf32, #tpu.memory_space<vmem>>, %arg4: memref<400x1xf32, #tpu.memory_space<vmem>>, %arg5: memref<400x1xi32, #tpu.memory_space<vmem>>, %arg6: memref<1x128xf32, #tpu.memory_space<vmem>>, %arg7: memref<400x128xf32, #tpu.memory_space<vmem>>, %arg8: memref<1x128xf32, #tpu.memory_space<vmem>>, %arg9: memref<400x128xf32, #tpu.memory_space<vmem>>) attributes {dimension_semantics = [#tpu.dimension_semantics<arbitrary>], iteration_bounds = array<i64: 25>, scalar_prefetch = 0 : i64, scratch_operands = 0 : i64, tpu.core_type = #tpu.core_type<tc>, window_params = [{transform_indices = @transform_0, window_bounds = array<i64: 400, 128>}, {transform_indices = @transform_1, window_bounds = array<i64: 400, 128>}, {transform_indices = @transform_2, window_bounds = array<i64: 400, 128>}, {transform_indices = @transform_3, window_bounds = array<i64: 400, 1>}, {transform_indices = @transform_4, window_bounds = array<i64: 400, 1>}, {pipeline_mode = #tpu.pipeline_mode<synchronous>, transform_indices = @transform_5, window_bounds = array<i64: 1, 128>}, {transform_indices = @transform_6, window_bounds = array<i64: 400, 128>}, {pipeline_mode = #tpu.pipeline_mode<synchronous>, transform_indices = @transform_7, window_bounds = array<i64: 1, 128>}, {transform_indices = @transform_8, window_bounds = array<i64: 400, 128>}]} {
    %get3A = arith.constant 0 : index
    %get3A_0 = arith.constant 0 : index
    %get3A_1 = vector.load %arg1[%get3A, %get3A_0] : memref<400x128xf32, #tpu.memory_space<vmem>>, vector<400x128xf32>
    %get3A_2 = arith.constant 0 : index
    %get3A_3 = arith.constant 0 : index
    %get3A_4 = vector.load %arg2[%get3A_2, %get3A_3] : memref<400x128xf32, #tpu.memory_space<vmem>>, vector<400x128xf32>
    %add3A = arith.addf %get3A_1, %get3A_4 : vector<400x128xf32>
    %get3A_5 = arith.constant 0 : index
    %get3A_6 = arith.constant 0 : index
    %get3A_7 = vector.load %arg3[%get3A_5, %get3A_6] : memref<400x128xf32, #tpu.memory_space<vmem>>, vector<400x128xf32>
    %add3A_8 = arith.addf %add3A, %get3A_7 : vector<400x128xf32>
    %get3A_9 = arith.constant 0 : index
    %get3A_10 = arith.constant 0 : index
    %get3A_11 = vector.load %arg4[%get3A_9, %get3A_10] : memref<400x1xf32, #tpu.memory_space<vmem>>, vector<400x1xf32>
    %mul3A = vector.broadcast %get3A_11 : vector<400x1xf32> to vector<400x128xf32>
    %mul3A_12 = arith.mulf %mul3A, %add3A_8 : vector<400x128xf32>
    %get3A_13 = arith.constant 0 : index
    %get3A_14 = arith.constant 0 : index
    %get3A_15 = vector.load %arg8[%get3A_13, %get3A_14] : memref<1x128xf32, #tpu.memory_space<vmem>>, vector<1x128xf32>
    %add3A_16 = vector.broadcast %get3A_15 : vector<1x128xf32> to vector<400x128xf32>
    %add3A_17 = arith.addf %mul3A_12, %add3A_16 : vector<400x128xf32>
    %iota3A = tpu.iota {dimensions = array<i32: 1>} : vector<400x128xi32>
    %get3A_18 = arith.constant 0 : index
    %get3A_19 = arith.constant 0 : index
    %get3A_20 = vector.load %arg5[%get3A_18, %get3A_19] : memref<400x1xi32, #tpu.memory_space<vmem>>, vector<400x1xi32>
    %eq3A = vector.broadcast %get3A_20 : vector<400x1xi32> to vector<400x128xi32>
    %eq3A_21 = arith.cmpi eq, %eq3A, %iota3A : vector<400x128xi32>
    %get3A_22 = arith.constant 0 : index
    %get3A_23 = arith.constant 0 : index
    %get3A_24 = vector.load %arg6[%get3A_22, %get3A_23] : memref<1x128xf32, #tpu.memory_space<vmem>>, vector<1x128xf32>
    %gt3A = arith.constant 0.000000e+00 : f32
    %gt3A_25 = vector.broadcast %gt3A : f32 to vector<1x128xf32>
    %gt3A_26 = arith.cmpf ogt, %get3A_24, %gt3A_25 : vector<1x128xf32>
    %and3A = vector.broadcast %gt3A_26 : vector<1x128xi1> to vector<400x128xi1>
    %and3A_27 = arith.andi %eq3A_21, %and3A : vector<400x128xi1>
    %reduce_or3A = arith.constant 1.000000e+00 : f32
    %reduce_or3A_28 = arith.constant 0.000000e+00 : f32
    %reduce_or3A_29 = vector.broadcast %reduce_or3A : f32 to vector<400x128xf32>
    %reduce_or3A_30 = vector.broadcast %reduce_or3A_28 : f32 to vector<400x128xf32>
    %reduce_or3A_31 = arith.select %and3A_27, %reduce_or3A_29, %reduce_or3A_30 : vector<400x128xi1>, vector<400x128xf32>
    %reduce_or3A_32 = arith.constant dense<0xFF800000> : vector<400xf32>
    %reduce_or3A_33 = vector.multi_reduction <maximumf>, %reduce_or3A_31, %reduce_or3A_32 [1] : vector<400x128xf32> to vector<400xf32>
    %reduce_or3A_34 = arith.constant 0.000000e+00 : f32
    %reduce_or3A_35 = vector.broadcast %reduce_or3A_34 : f32 to vector<400xf32>
    %reduce_or3A_36 = arith.cmpf ogt, %reduce_or3A_33, %reduce_or3A_35 : vector<400xf32>
    %broadcast_in_dim3A = vector.shape_cast %reduce_or3A_36 : vector<400xi1> to vector<400x1xi1>
    %get3A_37 = arith.constant 0 : index
    %get3A_38 = arith.constant 0 : index
    %get3A_39 = vector.load %arg7[%get3A_37, %get3A_38] : memref<400x128xf32, #tpu.memory_space<vmem>>, vector<400x128xf32>
    %broadcast_in_dim3A_40 = vector.shape_cast %broadcast_in_dim3A : vector<400x1xi1> to vector<400x1xi1>
    %broadcast_in_dim3A_41 = vector.broadcast %broadcast_in_dim3A_40 : vector<400x1xi1> to vector<400x128xi1>
    %select_n3A = arith.select %broadcast_in_dim3A_41, %add3A_17, %get3A_39 : vector<400x128xi1>, vector<400x128xf32>
    %swap3A = arith.constant 0 : index
    %swap3A_42 = arith.constant 0 : index
    %swap3A_43 = vector.load %arg9[%swap3A, %swap3A_42] : memref<400x128xf32, #tpu.memory_space<vmem>>, vector<400x128xf32>
    tpu.vector_store %arg9[%swap3A, %swap3A_42], %select_n3A {strides = array<i32>} : memref<400x128xf32, #tpu.memory_space<vmem>>, vector<400x128xf32>,
    return
  }
  func.func @transform_0(%arg0: i32) -> (i32, i32) {
    %c0_i32 = arith.constant 0 : i32
    %c0_i32_0 = arith.constant 0 : i32
    return %arg0, %c0_i32 : i32, i32
  }
  func.func @transform_1(%arg0: i32) -> (i32, i32) {
    %c0_i32 = arith.constant 0 : i32
    %c0_i32_0 = arith.constant 0 : i32
    return %arg0, %c0_i32 : i32, i32
  }
  func.func @transform_2(%arg0: i32) -> (i32, i32) {
    %c0_i32 = arith.constant 0 : i32
    %c0_i32_0 = arith.constant 0 : i32
    return %arg0, %c0_i32 : i32, i32
  }
  func.func @transform_3(%arg0: i32) -> (i32, i32) {
    %c0_i32 = arith.constant 0 : i32
    %c0_i32_0 = arith.constant 0 : i32
    return %arg0, %c0_i32 : i32, i32
  }
  func.func @transform_4(%arg0: i32) -> (i32, i32) {
    %c0_i32 = arith.constant 0 : i32
    %c0_i32_0 = arith.constant 0 : i32
    return %arg0, %c0_i32 : i32, i32
  }
  func.func @transform_5(%arg0: i32) -> (i32, i32) {
    %c0_i32 = arith.constant 0 : i32
    %c0_i32_0 = arith.constant 0 : i32
    %c0_i32_1 = arith.constant 0 : i32
    return %c0_i32, %c0_i32_0 : i32, i32
  }
  func.func @transform_6(%arg0: i32) -> (i32, i32) {
    %c0_i32 = arith.constant 0 : i32
    %c0_i32_0 = arith.constant 0 : i32
    return %arg0, %c0_i32 : i32, i32
  }
  func.func @transform_7(%arg0: i32) -> (i32, i32) {
    %c0_i32 = arith.constant 0 : i32
    %c0_i32_0 = arith.constant 0 : i32
    %c0_i32_1 = arith.constant 0 : i32
    return %c0_i32, %c0_i32_0 : i32, i32
  }
  func.func @transform_8(%arg0: i32) -> (i32, i32) {
    %c0_i32 = arith.constant 0 : i32
    %c0_i32_0 = arith.constant 0 : i32
    return %arg0, %c0_i32 : i32, i32
  }
}

</mosaic_0001>

<sc_bundles>
// kernel: kernel.10.cloned.1.call-start
scs
__scs_entry_jumppad:
0x0: {  	(pc) =	sbr.rel $0x88, $3  }
0x1: {  	(tag) =	ssettag $0x0;
	lr =	simm.s32 $0x1  }
0x2: {  	[smem:$0x3F9C] =	sst lr;
	_ =	strace $0xD0000000  }
0x3: {  	_ = 	snop  }
0x4: {  	_ = 	snop  }
0x5: {  	_ = 	snop  }
0x6: {  	_ = 	snop  }
0x7: {  	_ = 	snop  }
__scs_overlays_trampoline_lowered:
0x8: {  	[smem:$0x3FAB] =	sst s0  }
0x9: {  	[smem:$0x3FAC] =	sst s1  }
0xa: {  	[smem:$0x3FAD] =	sst s2  }
0xb: {  	[smem:$0x3FAE] =	sst s3  }
0xc: {  	[smem:$0x3FAF] =	sst s4  }
0xd: {  	[smem:$0x3FB0] =	sst s5  }
0xe: {  	[smem:$0x3FB1] =	sst s6  }
0xf: {  	[smem:$0x3FB2] =	sst s7  }
0x10: {  	[smem:$0x3FB3] =	sst s8  }
0x11: {  	[smem:$0x3FB4] =	sst s9;
	s0 =	simm.s32 @!p0 $0x0  }
0x12: {  	s1 =	sld [smem:$0x3F9A];
	s0 =	simm.s32 @p0 $0x1  }
0x13: {  	[smem:$0x3FB5] =	sst s0;
	s0 =	simm.s32 @!p1 $0x0  }
0x14: {  	s2 =	sld [smem:$0x3F99];
	s0 =	simm.s32 @p1 $0x1  }
0x15: {  	[smem:$0x3FB6] =	sst s0;
	s0 =	simm.s32 @!p2 $0x0  }
0x16: {  	s3 =	sld [smem:$0x3FDB];
	s0 =	simm.s32 @p2 $0x1  }
0x17: {  	s4 =	simm.s32 $0x1BF5;
	[smem:$0x3FB8] =	sst s0  }
0x18: {  	s0 =	sld [smem:$0x3F9B];
	_ =	swait.ge [sflag:s4], $0x0  }
0x19: {  	s7 =	sld [smem:$0x3F9C]  }
0x1a: {  	s8 =	sadd.s32 $0xFFFFE003, lr  }
0x1b: {  	s9 =	sadd.s32 $0xFFFFFEF7, lr;
	s5 =	simm.s32 $0xFFFFFFFF;
	p2 =	slt.u32 s8, $0xFFFFF086  }
0x1c: {  	p1 =	slt.u32 s9, $0xF7A;
	s5 =	simm.s32 @!p2 $0x0  }
0x1d: {  	s5 =	simm.s32 @p1 $0x1;
	p0 =	seq.s32 s7, s2  }
0x1e: {  	s7 =	smul.u32 @!p0 $0xF7A, s2;
	p2 =	seq.s32 @!p0 s5, $0x0  }
0x1f: {  	s9 =	smul.u32 $0xF7A, s1;
	s8 =	simm.s32 @!p0 $0x1BF5;
	p2 =	por !p2, p0  }
0x20: {  	[sflag:s8] =	ssyncset.s32 @!p0 $0xFFFFF086;
	s6 =	sadd.s32 @!p0 s3, s7;
	s7 =	simm.s32 @!p0 $0x108  }
0x21: {  	s3 =	sadd.s32 s3, s9;
	s6 =	sadd.s32 @!p0 $0x88, s6;
	s7 =	simm.s32 @p2 $0x1082  }
0x22: {  	[simem:s7], [sflag:s8] =	dma.local @!p0 [hbm:s6], $0xF7A  }
0x23: {  	s9 =	sor.u32 $0xD0000000, s2;
	s6 =	simm.s32 $0x108;
	_ =	swait.ge @!p0 [sflag:s8], $0x0  }
0x24: {  	s3 =	sadd.s32 $0x88, s3;
	s6 =	simm.s32 @!p1 $0x1082;
	[sflag:s4] =	ssyncset.s32 $0xFFFFF086  }
0x25: {  	[simem:s6], [sflag:s4] =	dma.local [hbm:s3], $0xF7A  }
0x26: {  	[smem:$0x3F9C] =	sst s1;
	(tag) =	ssettag s2;
	_ =	strace s9  }
0x27: {  	s1 =	sld [smem:$0x3FAC]  }
0x28: {  	s2 =	sld [smem:$0x3FAD]  }
0x29: {  	s4 =	sld [smem:$0x3FAF]  }
0x2a: {  	p0 =	seq.s32 s5, $0x0;
	s5 =	sld [smem:$0x3FB0]  }
0x2b: {  	s6 =	sld [smem:$0x3FB1]  }
0x2c: {  	s7 =	sld [smem:$0x3FB2]  }
0x2d: {  	s3 =	simm.s32 $0x108;
	s8 =	sld [smem:$0x3FB3]  }
0x2e: {  	s3 =	simm.s32 @!p0 $0x1082;
	s9 =	sld [smem:$0x3FB4]  }
0x2f: {  	lr =	sadd.s32 s0, s3;
	s0 =	sld [smem:$0x3FAB]  }
0x30: {  	s3 =	sld [smem:$0x3FAE]  }
0x31: {  	[smem:$0x3FB7] =	sst s10  }
0x32: {  	s10 =	sld [smem:$0x3FB5];
	_ =	sdelay $0x3  }
0x33: {  	p0 =	seq.s32 s10, $0x1;
	s10 =	sld [smem:$0x3FB7];
	_ =	sdelay $0x3  }
0x34: {  	[smem:$0x3FB7] =	sst s10  }
0x35: {  	s10 =	sld [smem:$0x3FB6];
	_ =	sdelay $0x3  }
0x36: {  	p1 =	seq.s32 s10, $0x1;
	s10 =	sld [smem:$0x3FB7];
	_ =	sdelay $0x3  }
0x37: {  	[smem:$0x3FB7] =	sst s10  }
0x38: {  	s10 =	sld [smem:$0x3FB8]  }
0x39: {  	_ = 	snop;
	(pc) =	sbr.ind lr, $3  }
0x3a: {  	_ = 	snop  }
0x3b: {  	_ = 	snop  }
0x3c: {  	p2 =	seq.s32 s10, $0x1;
	s10 =	sld [smem:$0x3FB7]  }
0x3d: {  	_ =	shalt  }
0x3e: {  	_ =	shalt  }
0x3f: {  	_ =	shalt  }
0x40: {  	_ =	shalt  }
0x41: {  	_ =	shalt  }
0x42: {  	_ =	shalt  }
0x43: {  	_ =	shalt  }
0x44: {  	_ =	shalt  }
0x45: {  	_ =	shalt  }
0x46: {  	_ =	shalt  }
0x47: {  	_ =	shalt  }
0x48: {  	_ =	shalt  }
0x49: {  	_ =	shalt  }
0x4a: {  	_ =	shalt  }
0x4b: {  	_ =	shalt  }
0x4c: {  	_ =	shalt  }
0x4d: {  	_ =	shalt  }
0x4e: {  	_ =	shalt  }
0x4f: {  	_ =	shalt  }
0x50: {  	_ =	shalt  }
0x51: {  	_ =	shalt  }
0x52: {  	_ =	shalt  }
0x53: {  	_ =	shalt  }
0x54: {  	_ =	shalt  }
0x55: {  	_ =	shalt  }
0x56: {  	_ =	shalt  }
0x57: {  	_ =	shalt  }
0x58: {  	_ =	shalt  }
0x59: {  	_ =	shalt  }
0x5a: {  	_ =	shalt  }
0x5b: {  	_ =	shalt  }
0x5c: {  	_ =	shalt  }
0x5d: {  	_ =	shalt  }
0x5e: {  	_ =	shalt  }
0x5f: {  	_ =	shalt  }
0x60: {  	_ =	shalt  }
0x61: {  	_ =	shalt  }
0x62: {  	_ =	shalt  }
0x63: {  	_ =	shalt  }
0x64: {  	_ =	shalt  }
0x65: {  	_ =	shalt  }
0x66: {  	_ =	shalt  }
0x67: {  	_ =	shalt  }
0x68: {  	_ =	shalt  }
0x69: {  	_ =	shalt  }
0x6a: {  	_ =	shalt  }
0x6b: {  	_ =	shalt  }
0x6c: {  	_ =	shalt  }
0x6d: {  	_ =	shalt  }
0x6e: {  	_ =	shalt  }
0x6f: {  	_ =	shalt  }
0x70: {  	_ =	shalt  }
0x71: {  	_ =	shalt  }
0x72: {  	_ =	shalt  }
0x73: {  	_ =	shalt  }
0x74: {  	_ =	shalt  }
0x75: {  	_ =	shalt  }
0x76: {  	_ =	shalt  }
0x77: {  	_ =	shalt  }
0x78: {  	_ =	shalt  }
0x79: {  	_ =	shalt  }
0x7a: {  	_ =	shalt  }
0x7b: {  	_ =	shalt  }
0x7c: {  	_ =	shalt  }
0x7d: {  	_ =	shalt  }
0x7e: {  	_ =	shalt  }
0x7f: {  	_ =	shalt  }
0x80: {  	_ =	shalt  }
0x81: {  	_ =	shalt  }
0x82: {  	_ =	shalt  }
0x83: {  	_ =	shalt  }
0x84: {  	_ =	shalt  }
0x85: {  	_ =	shalt  }
0x86: {  	_ =	shalt  }
0x87: {  	_ =	shalt  }
.Lfunc_end0:
.L_simem_size_0:
called_computation.1_lowered:
.L_overlay_start_0:
0x88: {  	s2 =	sld [smem:$0x3FD9]  }
0x89: {  	s3 =	sld [smem:$0x3FFE];
	_ =	sdelay $0x1  }
0x8a: {  	s1 =	srdreg.scid  }
0x8b: {  	s0 =	sand.u32 $0x1, s1  }
0x8c: {  	s17 =	sshll.u32 s0, $0xA;
	s2 =	sadd.s32 s3, s2  }
0x8d: {  	s2 =	sadd.s32 s2, s17  }
0x8e: {  	[smem:$0x3FC3] =	sst s2  }
0x8f: {  	_ = 	snop  }
0x90: {  	s2 =	sld [smem:$0x3FD0];
	(tm) =	ssettm $0x1  }
0x91: {  	s18 =	sld [smem:$0x3FFB];
	_ =	sdelay $0x3  }
0x92: {  	_ =	strace s18  }
0x93: {  	s3 =	sld [smem:$0x3FFC];
	_ =	sdelay $0x3  }
0x94: {  	_ =	strace s3  }
0x95: {  	s3 =	sld [smem:$0x3FFD];
	_ =	sdelay $0x3  }
0x96: {  	_ =	strace s3  }
0x97: {  	_ =	strace $0x8FFFFFFF  }
0x98: {  	s19 =	sld [smem:$0x3FDB];
	_ =	sdelay $0x1  }
0x99: {  	s4 =	simm.s32 $_scs_section_size  }
0x9a: {  	s5 =	simm.s32 $_size__tile_overlayer_lowered;
	s6 =	simm.s32 $_tile_overlayer_lowered  }
0x9b: {  	s22 =	simm.s32 $0x1BFF;
	s21 =	sshll.u32 s6, $0x1;
	s3 =	sadd.s32 s4, s19  }
0x9c: {  	s7 =	simm.s32 $0x0;
	s20 =	sshll.u32 s5, $0x1;
	s5 =	sadd.s32 s21, s3  }
0x9d: {  	[timem:s7], [sflag:s22] =	dma.local [hbm:s5], s20  }
0x9e: {  	_ =	swait.ge [sflag:s22], s20  }
0x9f: {  	s4 =	ssub.s32 $0x0, s20;
	[sflag:s22] =	ssyncset.done $0x0  }
0xa0: {  	[sflag:s22] =	ssyncadd.s32 s4;
	_ =	sdelay $0x1  }
0xa1: {  	s23 =	simm.s32 $0x1B8B  }
0xa2: {  	_ =	swait.ge [sflag:s23], $0x1  }
0xa3: {  	[sflag:s23] =	ssyncset.done $0x0  }
0xa4: {  	s25 =	simm.s32 $0x1B8E;
	s24 =	sld [smem:$0x3FFE];
	[sflag:s23] =	ssyncadd.s32 $0xFFFFFFFF  }
0xa5: {  	s26 =	simm.s32 $execute0_lowered;
	[smem:$0x3FD2] =	sst s25  }
0xa6: {  	s5 =	sshll.u32 s26, $0x1;
	_ =	strace $0x80000049;
	[dreg:$0x1] =	wrdreg $0xFFFFFFFF  }
0xa7: {  	s28 =	simm.s32 $_size_execute0_lowered;
	s3 =	sadd.s32 s3, s5;
	[dreg:$0x0] =	wrdreg $0x0  }
0xa8: {  	s5 =	sshll.u32 s28, $0x1;
	[dreg:$0x2] =	wrdreg s3  }
0xa9: {  	[dreg:$0x3] =	wrdreg s5  }
0xaa: {  	[dreg:$0x4] =	wrdreg $0xC0  }
0xab: {  	_ =	task [dreg:s7], $0x5FFFF  }
0xac: {  	[dreg:$0x1] =	wrdreg $0xFFFFFFFF  }
0xad: {  	[dreg:$0x0] =	wrdreg $0x60  }
0xae: {  	[dreg:$0x2] =	wrdreg s2  }
0xaf: {  	[dreg:$0x3] =	wrdreg s24  }
0xb0: {  	[dreg:$0x4] =	wrdreg $0x82800  }
0xb1: {  	[dreg:$0x5] =	wrdreg $0x9  }
0xb2: {  	_ =	task.clear_ibuf [dreg:s7], $0x6FFFF;
	_ =	strace $0x90000049  }
0xb3: {  	s29 =	simm.s32 $0x9;
	_ =	strace $0x8000004B  }
0xb4: {  	_ =	swait.ge [sflag:s29], $0x1  }
0xb5: {  	[sflag:s29] =	ssyncadd.s32 $0xFFFFFFFF  }
0xb6: {  	_ =	strace $0x9000004B  }
0xb7: {  	_ =	sfence  }
0xb8: {  	s30 =	sld [smem:$0x0];
	_ =	sdelay $0x2  }
0xb9: {  	s31 =	sshll.u32 s1, $0xD;
	s1 =	sshrl.u32 s1, $0x2  }
0xba: {  	s3 =	sand.u32 $0x4000, s31;
	s1 =	sadd.s32 s1, s30  }
0xbb: {  	s0 =	sor.u32 s3, s0;
	s1 =	sshll.u32 s1, $0x11  }
0xbc: {  	s0 =	sor.u32 s1, s0  }
0xbd: {  	s0 =	sadd.s32 $0x8F2B, s0  }
0xbe: {  	[sflag:s0] =	ssyncadd.remote.s32 $0x1  }
0xbf: {  	_ =	sfence.sel $0xFFFF  }
0xc0: {  	[dreg:$0x0] =	wrdreg $0xFFFFFFFF;
	(pc) =	sbr.abs _section_cstart, $3  }
0xc1: {  	[dreg:$0x1] =	wrdreg $0xFFFFFFFF  }
0xc2: {  	_ =	task.clear_ibuf [dreg:s7], $0x2FFFF;
	_ =	strace $0x9FFFFFFF  }
0xc3: {  	(tm) =	ssettm $0x7FFFFFFF  }
tec
execute0_lowered:
.L_overlay_start_1:
0x0: {  	(tag) =	ssettag $0x1  }
0x1: {  	s0 =	stileid.u32  }
0x2: {  	s1 =	rddreg [dreg:$0x0];
	s4 =	smul.u32 $0x5000, s0  }
0x3: {  	s2 =	srdreg.scid;
	s15 =	smul.u32 $0x2800, s0  }
0x4: {  	s5 =	rddreg [dreg:$0x1];
	s18 =	smul.u32 $0x50000, s0  }
0x5: {  	s3 =	simm.s32 $0x0;
	[dreg:$0x6] =	wrdreg s1;
	s21 =	smul.u32 $0x26E, s0  }
0x6: {  	s7 =	sand.u32 $0x1, s2;
	s2 =	rddreg [dreg:$0x2];
	s14 =	smul.u32 $0x8E, s0  }
0x7: {  	[smem:$0x7FF] =	sst s3;
	s8 =	sshll.u32 s0, $0x5;
	s6 =	smul.u32 $0x2800, s7  }
0x8: {  	s9 =	sshll.u32 s7, $0x4;
	s10 =	smul.u32 $0x28000, s7;
	_ =	strace $0x8000004A  }
0x9: {  	s20 =	ssub.s32 $0x2, s7;
	s12 =	smul.u32 $0x137, s7;
	s16 =	sor.u32 s9, s8  }
0xa: {  	s22 =	sshrl.u32 s20, $0x1;
	s4 =	sadd.s32 s6, s4;
	s8 =	sadd.s32 s16, s5  }
0xb: {  	s17 =	sadd.s32 s15, s10;
	s13 =	ssub.s32 s20, s22;
	s10 =	sadd.s32 s12, s21  }
0xc: {  	v1 =	vimm.s32 $0xECA86420;
	v0 =	vimm.f32 $0.0e+00;
	vm0 =	vcmask $0xB08;
	s15 =	smul.u32 $0x47, s7;
	s25 =	sadd.s32 $0x20C00, s8;
	[dreg:$0x4] =	wrdreg s10  }
0xd: {  	vm1 =	vcmask $0x1310;
	vm2 =	vcmask $0x1B18;
	vm3 =	vcmask $0x300;
	s19 =	sadd.s32 s17, s5;
	s28 =	smax.u32 s13, $0x1;
	[dreg:$0xa] =	wrdreg s25  }
0xe: {  	vm4 =	vcmask $0x2320;
	vm5 =	vcmask $0x2B28;
	vm6 =	vcmask $0x3330;
	s6 =	sshrl.u32 s18, $0x2;
	s26 =	sadd.s32 $0x20E00, s19;
	[dreg:$0xc] =	wrdreg s28  }
0xf: {  	vm7 =	vcmask $0x3B38;
	v2 =	vunpack.c.l.s4.s8 v1;
	v1 =	vlaneseq.u32;
	s4 =	sshrl.u32 s4, $0x3;
	s29 =	sadd.s32 s15, s14;
	[dreg:$0xb] =	wrdreg s26  }
0x10: {  	vm8 =	vmmov $0xff;
	v3 =	vmul.u32 $0x2, v1;
	v4 =	vor.u32 $0x10, v1;
	s11 =	sadd.s32 s4, s5;
	s4 =	sadd.s32 s6, s2;
	[dreg:$0x5] =	wrdreg s29  }
.Ltmp0:
0x11: {  	v5 =	vor.u32 $0x20, v1;
	v6 =	vor.u32 $0x30, v1;
	v7 =	vor.u32 $0x40, v1;
	s23 =	sadd.s32 $0x8000, s4;
	[dreg:$0x7] =	wrdreg s4;
	(pc) =	sbr.rel .LBB2_1-.Ltmp0, $4  }
0x12: {  	v8 =	vor.u32 $0x50, v1;
	v9 =	vor.u32 $0x60, v1;
	v10 =	vor.u32 $0x70, v1;
	s12 =	simm.s32 $0x200;
	s24 =	sadd.s32 $0x10000, s4;
	[dreg:$0x8] =	wrdreg s23  }
0x13: {  	v11 =	vor.u32 $0x80, v1;
	v12 =	vor.u32 $0x90, v1;
	v13 =	vor.u32 $0xA0, v1;
	s16 =	simm.s32 $0x100;
	s30 =	sadd.s32 $0x16C00, s11;
	[dreg:$0x9] =	wrdreg s24  }
0x14: {  	v14 =	vor.u32 $0xB0, v1;
	v15 =	vor.u32 $0xC0, v1;
	v16 =	vor.u32 $0xD0, v1;
	s13 =	simm.s32 $0x2;
	s31 =	sadd.s32 $0xCC00, s11;
	[dreg:$0xd] =	wrdreg s30  }
0x15: {  	v17 =	vor.u32 $0xE0, v1;
	v18 =	vor.u32 $0xF0, v1;
	v2 =	vunpack.c.0.s8.s32 v2;
	s17 =	simm.s32 $0x0;
	s15 =	simm.s32 $0x1;
	[dreg:$0xe] =	wrdreg s31  }
.LBB2_6:
0x16: {  	s0 =	stileid.u32;
	[bflag:$0x0] =	sbarrier.arrive $0xFFFF  }
0x17: {  	s0 =	sshll.u32 s0, $0x6;
	s4 =	rddreg [dreg:$0x7]  }
0x18: {  	s5 =	rddreg [dreg:$0xb];
	s0 =	sor.u32 $0x1C02, s0;
	s1 =	sshrl.u32 s4, $0x3  }
0x19: {  	[hbm:s5], [sflag:s0] =	dma.local [spmem:s1], $0x2800  }
0x1a: {  	_ =	swait.ge [sflag:s13], $0x2800  }
0x1b: {  	s17 =	sadd.s32 $0x1, s17;
	s31 =	rddreg [dreg:$0xc]  }
0x1c: {  	p0 =	sne.s32 s17, s31  }
.Ltmp1:
0x1d: {  	_ = 	snop;
	(pc) =	sbr.rel @!p0 .LBB2_7-.Ltmp1, $3  }
0x1e: {  	_ =	sdelay $0x1  }
0x1f: {  	[sflag:s13] =	ssyncset.done $0x0  }
0x20: {  	[sflag:s13] =	ssyncadd.s32 $0xFFFFD800  }
.LBB2_1:
0x21: {  	s18 =	simm.s32 $0x0;
	s19 =	simm.s32 $0x200  }
.LBB2_2:
0x22: {  	p0 =	sne.s32 s19, $0x1FE00;
	[tilespmem:s18+$0x270] =	vst v0  }
0x23: {  	[tilespmem:s18+$0x200] =	vst v0  }
0x24: {  	[tilespmem:s18+$0x210] =	vst v0  }
.Ltmp2:
0x25: {  	[tilespmem:s18+$0x220] =	vst v0;
	(pc) =	sbr.rel @p0 .LBB2_2-.Ltmp2, $4  }
0x26: {  	[tilespmem:s18+$0x230] =	vst v0  }
0x27: {  	[tilespmem:s18+$0x240] =	vst v0  }
0x28: {  	[tilespmem:s18+$0x250] =	vst v0  }
0x29: {  	[tilespmem:s18+$0x260] =	vst v0;
	s18 =	sshra.s32 s19, $0x2;
	s19 =	sadd.s32 $0x200, s19  }
0x2a: {  	[tilespmem:s18+$0x270] =	vst v0  }
0x2b: {  	[tilespmem:s18+$0x200] =	vst v0  }
0x2c: {  	[tilespmem:s18+$0x210] =	vst v0  }
0x2d: {  	[tilespmem:s18+$0x220] =	vst v0  }
0x2e: {  	[tilespmem:s18+$0x230] =	vst v0  }
0x2f: {  	[tilespmem:s18+$0x240] =	vst v0  }
0x30: {  	[tilespmem:s18+$0x250] =	vst v0  }
0x31: {  	[tilespmem:s18+$0x260] =	vst v0  }
0x32: {  	[spmem:s4] =	stream.linear.scatter [tilespmem:s12], [sflag:$0x2], $0x8000, $0x38;
	[tilespmem:$0x1C280] =	vst v63  }
0x33: {  	_ =	swait.ge [sflag:s13], $0x8000  }
0x34: {  	[sflag:s13] =	ssyncset.done $0x0  }
0x35: {  	s0 =	rddreg [dreg:$0x8];
	[sflag:s13] =	ssyncadd.s32 $0xFFFF8000  }
0x36: {  	[spmem:s0] =	stream.linear.scatter [tilespmem:s12], [sflag:$0x2], $0x8000, $0x38;
	[tilespmem:$0x1C280] =	vst v63  }
0x37: {  	_ =	swait.ge [sflag:s13], $0x8000  }
0x38: {  	[sflag:s13] =	ssyncset.done $0x0  }
0x39: {  	s28 =	rddreg [dreg:$0x9];
	[sflag:s13] =	ssyncadd.s32 $0xFFFF8000  }
0x3a: {  	[spmem:s28] =	stream.linear.scatter [tilespmem:s12], [sflag:$0x2], $0x4000, $0x38;
	[tilespmem:$0x1C280] =	vst v63  }
0x3b: {  	_ =	swait.ge [sflag:s13], $0x4000  }
0x3c: {  	[sflag:s13] =	ssyncset.done $0x0  }
0x3d: {  	[sflag:s13] =	ssyncadd.s32 $0xFFFFC000  }
0x3e: {  	[bflag:$0x0] =	sbarrier.arrive $0xFFFF  }
0x3f: {  	s1 =	simm.s32 $0x8200;
	s29 =	rddreg [dreg:$0xa]  }
0x40: {  	[tilespmem:s1], [sflag:$0x2] =	stream.linear.gather [hbm4b:s29+s3], $0x80, $0x38;
	[tilespmem:$0x1C280] =	vst v63  }
0x41: {  	_ =	swait.ge [sflag:s13], $0x80  }
0x42: {  	[sflag:s13] =	ssyncset.done $0x0  }
0x43: {  	[sflag:s13] =	ssyncadd.s32 $0xFFFFFF80  }
0x44: {  	v19 =	vld [tilespmem:$0x8200];
	_ =	sdelay $0x4  }
0x45: {  	(xrf0) =	vadd.scan.msk.s32 $0xffff, v19;
	_ =	sdelay $0x5  }
0x46: {  	v19, _, _ =	vpop (xrf0)  }
0x47: {  	(v2sf) =	vpush v19, $0xF;
	_ =	sdelay $0xe  }
0x48: {  	s30 =	spop (v2sf)  }
0x49: {  	s18 =	sadd.s32 $0xFF, s30  }
0x4a: {  	s19 =	sand.u32 $0xFF, s18  }
0x4b: {  	s31 =	sshra.s32 s18, $0x1F;
	p1 =	slt.s32 s18, $0x1;
	p0 =	sne.s32 s19, $0x0  }
0x4c: {  	s19 =	sshrl.u32 s31, $0x18;
	p0 =	por !p1, !p0  }
0x4d: {  	s18 =	sadd.s32 s19, s18;
	s19 =	simm.s32 $0x1;
	p0 =	por !p0, !p0  }
0x4e: {  	s18 =	sshra.s32 s18, $0x8;
	s19 =	simm.s32 @!p0 $0x0  }
0x4f: {  	s18 =	ssub.s32 s18, s19  }
0x50: {  	p0 =	slt.s32 s18, $0x1  }
.Ltmp3:
0x51: {  	_ = 	snop;
	(pc) =	sbr.rel @p0 .LBB2_6-.Ltmp3, $1  }
0x52: {  	_ =	sdelay $0x3  }
0x53: {  	s20 =	rddreg [dreg:$0xe]  }
0x54: {  	v19 =	vbroadcast v19, $0xF;
	s19 =	simm.s32 $0xF0;
	s21 =	rddreg [dreg:$0xd]  }
.LBB2_5:
0x55: {  	[tilespmem:s3], [sflag:$0x2] =	stream.linear.gather [hbm4b:s20+s3], $0x100, $0x38;
	[tilespmem:$0x1C280] =	vst v63  }
0x56: {  	_ =	swait.ge [sflag:s13], $0x100  }
0x57: {  	[sflag:s13] =	ssyncset.done $0x0  }
0x58: {  	[sflag:s13] =	ssyncadd.s32 $0xFFFFFF00  }
0x59: {  	[tilespmem:s16], [sflag:$0x2] =	stream.linear.gather [hbm4b:s21+s3], $0x100, $0x38;
	[tilespmem:$0x1C280] =	vst v63  }
0x5a: {  	_ =	swait.ge [sflag:s13], $0x100  }
0x5b: {  	s22 =	sadd.s32 $0xFFFFFF10, s19;
	s23 =	rddreg [dreg:$0x5]  }
0x5c: {  	s23 =	sadd.s32 s23, s22  }
0x5d: {  	v20 =	vadd.s32 s23, v1  }
0x5e: {  	(v2sf) =	vpush v20, $0xD;
	_ =	sdelay $0x1  }
0x5f: {  	(v2sf) =	vpush v20, $0xC;
	_ =	sdelay $0x1  }
0x60: {  	(v2sf) =	vpush v20, $0xE;
	_ =	sdelay $0x1  }
0x61: {  	(v2sf) =	vpush v20, $0xF;
	_ =	sdelay $0x1  }
0x62: {  	(v2sf) =	vpush v20, $0x9;
	_ =	sdelay $0x1  }
0x63: {  	(v2sf) =	vpush v20, $0x8;
	_ =	sdelay $0x1  }
0x64: {  	(v2sf) =	vpush v20, $0xA  }
0x65: {  	(v2sf) =	vpush v20, $0xB  }
0x66: {  	(v2sf) =	vpush v20, $0x1  }
0x67: {  	(v2sf) =	vpush v20, $0x0;
	s8 =	spop (v2sf)  }
0x68: {  	(v2sf) =	vpush v20, $0x2;
	s24 =	smulhi.u32 $0x88888889, s8;
	s25 =	sshra.s32 s8, $0x1F  }
0x69: {  	s26 =	spop (v2sf);
	s25 =	smul.u32 $0x88888889, s25  }
0x6a: {  	s30 =	smulhi.u32 $0x88888889, s26;
	s31 =	sshra.s32 s26, $0x1F  }
0x6b: {  	s28 =	spop (v2sf);
	s31 =	smul.u32 $0x88888889, s31  }
0x6c: {  	s14 =	smulhi.u32 $0x88888889, s28;
	s0 =	sshra.s32 s28, $0x1F  }
0x6d: {  	s29 =	spop (v2sf);
	s0 =	smul.u32 $0x88888889, s0  }
0x6e: {  	s23 =	ssub.s32 s24, s8;
	s24 =	smulhi.u32 $0x88888889, s29;
	s5 =	sshra.s32 s29, $0x1F  }
0x6f: {  	(v2sf) =	vpush v20, $0x3;
	s1 =	spop (v2sf);
	s23 =	sadd.s32 s25, s23;
	s5 =	smul.u32 $0x88888889, s5  }
0x70: {  	(v2sf) =	vpush v20, $0x4;
	s26 =	ssub.s32 s30, s26;
	s7 =	smulhi.u32 $0x88888889, s1;
	s9 =	sshra.s32 s1, $0x1F  }
0x71: {  	(v2sf) =	vpush v20, $0x5;
	s10 =	spop (v2sf);
	s14 =	ssub.s32 s14, s28;
	s28 =	smul.u32 $0x88888889, s9  }
0x72: {  	s26 =	sadd.s32 s31, s26;
	s30 =	smulhi.u32 $0x88888889, s10;
	s9 =	sshra.s32 s10, $0x1F  }
0x73: {  	(v2sf) =	vpush v20, $0x6;
	s11 =	spop (v2sf);
	s25 =	sadd.s32 s0, s14;
	s0 =	smul.u32 $0x88888889, s9  }
0x74: {  	s24 =	ssub.s32 s24, s29;
	s6 =	spop (v2sf);
	s14 =	smulhi.u32 $0x88888889, s11  }
0x75: {  	s31 =	sshra.s32 s11, $0x1F;
	s24 =	sadd.s32 s5, s24;
	s8 =	spop (v2sf)  }
0x76: {  	s1 =	ssub.s32 s7, s1;
	s5 =	smul.u32 $0x88888889, s31;
	s4 =	spop (v2sf)  }
0x77: {  	s7 =	smulhi.u32 $0x88888889, s6;
	s9 =	sshra.s32 s6, $0x1F;
	s29 =	spop (v2sf);
	(v2sf) =	vpush v20, $0x7  }
0x78: {  	s1 =	sadd.s32 s28, s1;
	s10 =	ssub.s32 s30, s10;
	s9 =	smul.u32 $0x88888889, s9  }
0x79: {  	s28 =	smulhi.u32 $0x88888889, s8;
	s30 =	sshra.s32 s8, $0x1F;
	s14 =	ssub.s32 s14, s11  }
0x7a: {  	s0 =	sadd.s32 s0, s10;
	s11 =	smul.u32 $0x88888889, s30;
	s5 =	sadd.s32 s5, s14  }
0x7b: {  	s10 =	smulhi.u32 $0x88888889, s4;
	s14 =	sshra.s32 s4, $0x1F;
	s6 =	ssub.s32 s7, s6  }
0x7c: {  	s7 =	smul.u32 $0x88888889, s14;
	s8 =	ssub.s32 s28, s8;
	s6 =	sadd.s32 s9, s6  }
0x7d: {  	s8 =	sadd.s32 s11, s8;
	s14 =	smulhi.u32 $0x88888889, s29;
	s28 =	sshra.s32 s29, $0x1F  }
0x7e: {  	s4 =	ssub.s32 s10, s4;
	s31 =	spop (v2sf);
	s9 =	smul.u32 $0x88888889, s28  }
0x7f: {  	s30 =	spop (v2sf);
	s10 =	smulhi.u32 $0x88888889, s31;
	s11 =	sshra.s32 s31, $0x1F  }
0x80: {  	s4 =	sadd.s32 s7, s4;
	s28 =	spop (v2sf);
	s7 =	smul.u32 $0x88888889, s11  }
0x81: {  	s11 =	ssub.s32 s14, s29;
	s14 =	smulhi.u32 $0x88888889, s30;
	s29 =	sshra.s32 s30, $0x1F  }
0x82: {  	s9 =	sadd.s32 s9, s11;
	s11 =	spop (v2sf);
	s29 =	smul.u32 $0x88888889, s29  }
0x83: {  	v21 =	vmov s4;
	s4 =	ssub.s32 s10, s31;
	s10 =	smulhi.u32 $0x88888889, s28;
	s31 =	sshra.s32 s28, $0x1F  }
0x84: {  	v21 =	vnsel vm3, $0x0, v21;
	s4 =	sadd.s32 s7, s4;
	s7 =	rddreg [dreg:$0x4];
	s31 =	smul.u32 $0x88888889, s31  }
0x85: {  	v21 =	vsel vm0, s8, v21;
	s8 =	ssub.s32 s14, s30;
	s14 =	smulhi.u32 $0x88888889, s11;
	s30 =	sshra.s32 s11, $0x1F  }
0x86: {  	v22 =	vmov s26;
	v23 =	vmov s0;
	v21 =	vsel vm1, s9, v21;
	s8 =	sadd.s32 s29, s8;
	s9 =	smul.u32 $0x88888889, s30;
	s26 =	spop (v2sf)  }
0x87: {  	v22 =	vsel vm0, s23, v22;
	v23 =	vsel vm0, s1, v23;
	v21 =	vsel vm2, s4, v21;
	s28 =	ssub.s32 s10, s28;
	s29 =	smulhi.u32 $0x88888889, s26;
	s30 =	sshra.s32 s26, $0x1F  }
0x88: {  	v22 =	vsel vm1, s25, v22;
	v23 =	vsel vm1, s5, v23;
	v21 =	vsel vm4, s8, v21;
	s5 =	sadd.s32 s31, s28;
	s14 =	ssub.s32 s14, s11;
	s23 =	smul.u32 $0x88888889, s30  }
0x89: {  	v22 =	vsel vm2, s24, v22;
	v23 =	vsel vm2, s6, v23;
	s28 =	sadd.s32 s7, s22;
	v21 =	vsel vm5, s5, v21;
	s25 =	sadd.s32 s9, s14;
	s26 =	ssub.s32 s29, s26  }
0x8a: {  	v22 =	vcombine.low v23, v22;
	s31 =	sshra.s32 s28, $0x1F;
	v21 =	vsel vm6, s25, v21;
	s29 =	sadd.s32 s23, s26  }
0x8b: {  	s5 =	smul.u32 $0x6B9CCB75, s31;
	v21 =	vsel vm7, s29, v21  }
0x8c: {  	v22 =	vperm.xlane v22, v2;
	s30 =	smulhi.u32 $0x6B9CCB75, s28;
	v21 =	vperm.xlane v21, v3;
	_ =	sdelay $0x1  }
0x8d: {  	s0 =	sadd.s32 s5, s30;
	v21 =	vsel vm8, v21, v22  }
0x8e: {  	s1 =	sshrl.u32 s0, $0x1F;
	s0 =	sshra.s32 s0, $0xC;
	v21 =	vadd.s32 v20, v21  }
0x8f: {  	[sflag:s13] =	ssyncset.done $0x0;
	s0 =	sadd.s32 s1, s0;
	v43 =	vshrl.u32 v21, $0x1F;
	v21 =	vshra.s32 v21, $0x7  }
0x90: {  	[sflag:s13] =	ssyncadd.s32 $0xFFFFFF00;
	s0 =	smul.u32 $0x2610, s0;
	v21 =	vadd.s32 v43, v21  }
0x91: {  	v44 =	vld [tilespmem:$0x0];
	v21 =	vmul.u32 $0xF0, v21  }
0x92: {  	v45 =	vld [tilespmem:$0x100];
	s23 =	ssub.s32 s28, s0  }
0x93: {  	v46 =	vld [tilespmem:$0x10];
	p0 =	slt.s32 s23, $0x0;
	s0 =	sadd.s32 $0x2610, s23;
	v20 =	vsub.s32 v20, v21  }
0x94: {  	v25 =	vor.u32 s22, v1;
	v26 =	vld [tilespmem:$0x110];
	s23 =	smov.u32 @p0 s0;
	vm9 =	vlt.s32 v20, $0x0;
	v24 =	vadd.s32 $0xF0, v20  }
0x95: {  	v47 =	vld [tilespmem:$0x20];
	s6 =	sadd.s32 $0xFFFFFF20, s19;
	v27 =	vadd.s32 s23, v1;
	v20 =	vsel vm9, v24, v20;
	vm9 =	vlt.s32 v25, v19  }
0x96: {  	v49 =	vld [tilespmem:$0x120];
	v48 =	vor.u32 s6, v1;
	v20 =	vadd.s32 $0x2710, v20;
	v22 =	vsel vm9, v44, v27  }
0x97: {  	v52 =	vld [tilespmem:$0x30];
	s7 =	sadd.s32 $0xFFFFFF30, s19;
	v51 =	vadd.s32 s23, v4;
	[tilespmem:$0x0] =	vst v22;
	v50 =	vsel vm9, v45, v20;
	vm9 =	vlt.s32 v48, v19  }
0x98: {  	v54 =	vld [tilespmem:$0x130];
	v53 =	vor.u32 s7, v1;
	[tilespmem:$0x100] =	vst v50;
	v21 =	vsel vm9, v46, v51  }
0x99: {  	v57 =	vld [tilespmem:$0x40];
	s8 =	sadd.s32 $0xFFFFFF40, s19;
	v56 =	vadd.s32 s23, v5;
	v55 =	vsel vm9, v26, v20;
	vm9 =	vlt.s32 v53, v19;
	[tilespmem:$0x10] =	vst v21  }
0x9a: {  	v60 =	vld [tilespmem:$0x140];
	v59 =	vor.u32 s8, v1;
	[tilespmem:$0x110] =	vst v55;
	v58 =	vsel vm9, v47, v56  }
0x9b: {  	v63 =	vld [tilespmem:$0x50];
	s9 =	sadd.s32 $0xFFFFFF50, s19;
	v62 =	vadd.s32 s23, v6;
	v61 =	vsel vm9, v49, v20;
	vm9 =	vlt.s32 v59, v19;
	[tilespmem:$0x20] =	vst v58  }
0x9c: {  	v30 =	vld [tilespmem:$0x150];
	v29 =	vor.u32 s9, v1;
	[tilespmem:$0x120] =	vst v61;
	v28 =	vsel vm9, v52, v62  }
0x9d: {  	v33 =	vld [tilespmem:$0x60];
	s10 =	sadd.s32 $0xFFFFFF60, s19;
	v32 =	vadd.s32 s23, v7;
	v31 =	vsel vm9, v54, v20;
	vm9 =	vlt.s32 v29, v19;
	[tilespmem:$0x30] =	vst v28  }
0x9e: {  	v36 =	vld [tilespmem:$0x160];
	v35 =	vor.u32 s10, v1;
	[tilespmem:$0x130] =	vst v31;
	v34 =	vsel vm9, v57, v32  }
0x9f: {  	v39 =	vld [tilespmem:$0x70];
	s11 =	sadd.s32 $0xFFFFFF70, s19;
	v38 =	vadd.s32 s23, v8;
	v37 =	vsel vm9, v60, v20;
	vm9 =	vlt.s32 v35, v19;
	[tilespmem:$0x40] =	vst v34  }
0xa0: {  	v42 =	vld [tilespmem:$0x170];
	v41 =	vor.u32 s11, v1;
	[tilespmem:$0x140] =	vst v37;
	v40 =	vsel vm9, v63, v38  }
0xa1: {  	s14 =	sadd.s32 $0xFFFFFF80, s19;
	v44 =	vadd.s32 s23, v9;
	v45 =	vld [tilespmem:$0x80];
	v43 =	vsel vm9, v30, v20;
	vm9 =	vlt.s32 v41, v19;
	[tilespmem:$0x50] =	vst v40  }
0xa2: {  	v48 =	vld [tilespmem:$0x180];
	v47 =	vor.u32 s14, v1;
	[tilespmem:$0x150] =	vst v43;
	v46 =	vsel vm9, v33, v44  }
0xa3: {  	s22 =	sadd.s32 $0xFFFFFF90, s19;
	v50 =	vadd.s32 s23, v10;
	v51 =	vld [tilespmem:$0x90];
	v49 =	vsel vm9, v36, v20;
	vm9 =	vlt.s32 v47, v19;
	[tilespmem:$0x60] =	vst v46  }
0xa4: {  	v53 =	vor.u32 s22, v1;
	v54 =	vld [tilespmem:$0x190];
	[tilespmem:$0x160] =	vst v49;
	v52 =	vsel vm9, v39, v50  }
0xa5: {  	s24 =	sadd.s32 $0xFFFFFFA0, s19;
	v56 =	vadd.s32 s23, v11;
	v57 =	vld [tilespmem:$0xA0];
	v55 =	vsel vm9, v42, v20;
	vm9 =	vlt.s32 v53, v19;
	[tilespmem:$0x70] =	vst v52  }
0xa6: {  	v59 =	vor.u32 s24, v1;
	v60 =	vld [tilespmem:$0x1A0];
	[tilespmem:$0x170] =	vst v55;
	v58 =	vsel vm9, v45, v56  }
0xa7: {  	s25 =	sadd.s32 $0xFFFFFFB0, s19;
	v62 =	vadd.s32 s23, v12;
	v63 =	vld [tilespmem:$0xB0];
	v61 =	vsel vm9, v48, v20;
	vm9 =	vlt.s32 v59, v19;
	[tilespmem:$0x80] =	vst v58  }
0xa8: {  	v31 =	vor.u32 s25, v1;
	v32 =	vld [tilespmem:$0x1B0];
	[tilespmem:$0x180] =	vst v61;
	v30 =	vsel vm9, v51, v62  }
0xa9: {  	s26 =	sadd.s32 $0xFFFFFFC0, s19;
	v35 =	vld [tilespmem:$0xC0];
	v34 =	vadd.s32 s23, v13;
	v33 =	vsel vm9, v54, v20;
	vm9 =	vlt.s32 v31, v19;
	[tilespmem:$0x90] =	vst v30  }
0xaa: {  	v37 =	vor.u32 s26, v1;
	v38 =	vld [tilespmem:$0x1C0];
	[tilespmem:$0x190] =	vst v33;
	v36 =	vsel vm9, v57, v34  }
0xab: {  	s28 =	sadd.s32 $0xFFFFFFD0, s19;
	v41 =	vld [tilespmem:$0xD0];
	v40 =	vadd.s32 s23, v14;
	v39 =	vsel vm9, v60, v20;
	vm9 =	vlt.s32 v37, v19;
	[tilespmem:$0xA0] =	vst v36  }
0xac: {  	v43 =	vor.u32 s28, v1;
	v44 =	vld [tilespmem:$0x1D0];
	[tilespmem:$0x1A0] =	vst v39;
	v42 =	vsel vm9, v63, v40  }
0xad: {  	s29 =	sadd.s32 $0xFFFFFFE0, s19;
	v47 =	vld [tilespmem:$0xE0];
	v46 =	vadd.s32 s23, v15;
	v45 =	vsel vm9, v32, v20;
	vm9 =	vlt.s32 v43, v19;
	[tilespmem:$0xB0] =	vst v42  }
0xae: {  	v49 =	vor.u32 s29, v1;
	v50 =	vld [tilespmem:$0x1E0];
	[tilespmem:$0x1B0] =	vst v45;
	v48 =	vsel vm9, v35, v46  }
0xaf: {  	s30 =	sadd.s32 $0xFFFFFFF0, s19;
	v53 =	vld [tilespmem:$0xF0];
	v52 =	vadd.s32 s23, v16;
	v51 =	vsel vm9, v38, v20;
	vm9 =	vlt.s32 v49, v19;
	[tilespmem:$0xC0] =	vst v48  }
0xb0: {  	v55 =	vor.u32 s30, v1;
	v56 =	vld [tilespmem:$0x1F0];
	[tilespmem:$0x1C0] =	vst v51;
	v54 =	vsel vm9, v41, v52  }
0xb1: {  	v58 =	vadd.s32 s23, v17;
	v57 =	vsel vm9, v44, v20;
	vm9 =	vlt.s32 v55, v19;
	[tilespmem:$0xD0] =	vst v54  }
0xb2: {  	v60 =	vor.u32 s19, v1;
	[tilespmem:$0x1D0] =	vst v57;
	v59 =	vsel vm9, v47, v58  }
0xb3: {  	v62 =	vadd.s32 s23, v18;
	v61 =	vsel vm9, v50, v20;
	vm9 =	vlt.s32 v60, v19;
	[tilespmem:$0xE0] =	vst v59  }
0xb4: {  	[tilespmem:$0x1E0] =	vst v61;
	v63 =	vsel vm9, v53, v62  }
0xb5: {  	v20 =	vsel vm9, v56, v20;
	[tilespmem:$0xF0] =	vst v63  }
0xb6: {  	s31 =	rddreg [dreg:$0x6];
	[tilespmem:$0x1F0] =	vst v20  }
0xb7: {  	[tilespmem:s12], [sflag:$0x1] =	stream.indirect.gather [hbm4b:s31+s16], $0x80, s3, s16, $0xb8;
	[tilespmem:$0x1C280] =	vst v63  }
0xb8: {  	_ =	swait.ge [sflag:s15], $0x8000  }
0xb9: {  	p0 =	sne.s32 s18, $0x1;
	[sflag:s15] =	ssyncset.done $0x0  }
.Ltmp4:
0xba: {  	[sflag:s15] =	ssyncadd.s32 $0xFFFF8000;
	(pc) =	sbr.rel @p0 .LBB2_5-.Ltmp4, $4  }
0xbb: {  	[spmem:s2] =	stream.indirect.scatter.add.f32 [tilespmem:s12], [sflag:$0x2], $0x80, s16, s16, $0xb8;
	[tilespmem:$0x1C280] =	vst v63  }
0xbc: {  	_ =	swait.ge [sflag:s13], $0x8000  }
0xbd: {  	s20 =	sadd.s32 $0x20, s20;
	s21 =	sadd.s32 $0x20, s21;
	[sflag:s13] =	ssyncset.done $0x0  }
0xbe: {  	s18 =	sadd.s32 $0xFFFFFFFF, s18;
	s19 =	sadd.s32 $0x100, s19;
	[sflag:s13] =	ssyncadd.s32 $0xFFFF8000  }
.Ltmp5:
0xbf: {  	_ = 	snop;
	(pc) =	sbr.rel .LBB2_6-.Ltmp5, $1  }
0xc0: {  	_ =	sdelay $0x3  }
.LBB2_7:
0xc1: {  	_ =	sfence.sel $0x180000  }
0xc2: {  	[bflag:$0x0] =	sbarrier.arrive $0xFFFF  }
0xc3: {  	_ =	strace $0x9000004A  }
0xc4: {  	s0 =	stileid.u32;
	[bflag:$0x2] =	sbarrier.arrive $0xFFFF  }
0xc5: {  	p0 =	sne.s32 s0, $0x0;
	s0 =	rddreg [dreg:$0x3]  }
0xc6: {  	s0 =	sadd.s32 @!p0 $0x100000, s0  }
0xc7: {  	[sflag:s0] =	ssyncadd.tile.s32 @!p0 $0x1;
	_ =	shalt  }
.Lfunc_end2:
_tile_overlayer_lowered:
.L_overlay_start_2:
0xc8: {  	(tag) =	ssettag $0x2  }
0xc9: {  	s0 =	rddreg [dreg:$0x0];
	s2 =	stileid.u32  }
0xca: {  	s1 =	rddreg [dreg:$0x1];
	p0 =	sne.s32 s2, $0x0  }
0xcb: {  	s3 =	rddreg [dreg:$0x2];
	[bflag:$0x3] =	sbarrier.arrive $0xFFFF;
	s2 =	simm.s32 @!p0 $0x1C02  }
0xcc: {  	[timem:s3], [sflag:s2] =	dma.local @!p0 [hbm:s0], s1  }
0xcd: {  	s0 =	simm.s32 @!p0 $0x2  }
0xce: {  	_ =	swait.ge @!p0 [sflag:s0], s1  }
0xcf: {  	s1 =	ssub.s32 @!p0 $0x0, s1;
	[sflag:s0] =	ssyncset.done @!p0 $0x0  }
0xd0: {  	[sflag:s0] =	ssyncadd.s32 @!p0 s1  }
0xd1: {  	[bflag:$0x3] =	sbarrier.arrive $0xFFFF  }
0xd2: {  	_ =	shalt  }

// kernel: kernel.7.cloned.1.call-start
scs
__scs_entry_jumppad:
0x0: {  	(pc) =	sbr.rel $0x88, $3  }
0x1: {  	(tag) =	ssettag $0x0;
	lr =	simm.s32 $0x1  }
0x2: {  	[smem:$0x3F9C] =	sst lr;
	_ =	strace $0xD0000000  }
0x3: {  	_ = 	snop  }
0x4: {  	_ = 	snop  }
0x5: {  	_ = 	snop  }
0x6: {  	_ = 	snop  }
0x7: {  	_ = 	snop  }
__scs_overlays_trampoline_lowered:
0x8: {  	[smem:$0x3FAB] =	sst s0  }
0x9: {  	[smem:$0x3FAC] =	sst s1  }
0xa: {  	[smem:$0x3FAD] =	sst s2  }
0xb: {  	[smem:$0x3FAE] =	sst s3  }
0xc: {  	[smem:$0x3FAF] =	sst s4  }
0xd: {  	[smem:$0x3FB0] =	sst s5  }
0xe: {  	[smem:$0x3FB1] =	sst s6  }
0xf: {  	[smem:$0x3FB2] =	sst s7  }
0x10: {  	[smem:$0x3FB3] =	sst s8  }
0x11: {  	[smem:$0x3FB4] =	sst s9;
	s0 =	simm.s32 @!p0 $0x0  }
0x12: {  	s1 =	sld [smem:$0x3F9A];
	s0 =	simm.s32 @p0 $0x1  }
0x13: {  	[smem:$0x3FB5] =	sst s0;
	s0 =	simm.s32 @!p1 $0x0  }
0x14: {  	s2 =	sld [smem:$0x3F99];
	s0 =	simm.s32 @p1 $0x1  }
0x15: {  	[smem:$0x3FB6] =	sst s0;
	s0 =	simm.s32 @!p2 $0x0  }
0x16: {  	s3 =	sld [smem:$0x3FDB];
	s0 =	simm.s32 @p2 $0x1  }
0x17: {  	s4 =	simm.s32 $0x1BF5;
	[smem:$0x3FB8] =	sst s0  }
0x18: {  	s0 =	sld [smem:$0x3F9B];
	_ =	swait.ge [sflag:s4], $0x0  }
0x19: {  	s7 =	sld [smem:$0x3F9C]  }
0x1a: {  	s8 =	sadd.s32 $0xFFFFE003, lr  }
0x1b: {  	s9 =	sadd.s32 $0xFFFFFEF7, lr;
	s5 =	simm.s32 $0xFFFFFFFF;
	p2 =	slt.u32 s8, $0xFFFFF086  }
0x1c: {  	p1 =	slt.u32 s9, $0xF7A;
	s5 =	simm.s32 @!p2 $0x0  }
0x1d: {  	s5 =	simm.s32 @p1 $0x1;
	p0 =	seq.s32 s7, s2  }
0x1e: {  	s7 =	smul.u32 @!p0 $0xF7A, s2;
	p2 =	seq.s32 @!p0 s5, $0x0  }
0x1f: {  	s9 =	smul.u32 $0xF7A, s1;
	s8 =	simm.s32 @!p0 $0x1BF5;
	p2 =	por !p2, p0  }
0x20: {  	[sflag:s8] =	ssyncset.s32 @!p0 $0xFFFFF086;
	s6 =	sadd.s32 @!p0 s3, s7;
	s7 =	simm.s32 @!p0 $0x108  }
0x21: {  	s3 =	sadd.s32 s3, s9;
	s6 =	sadd.s32 @!p0 $0x88, s6;
	s7 =	simm.s32 @p2 $0x1082  }
0x22: {  	[simem:s7], [sflag:s8] =	dma.local @!p0 [hbm:s6], $0xF7A  }
0x23: {  	s9 =	sor.u32 $0xD0000000, s2;
	s6 =	simm.s32 $0x108;
	_ =	swait.ge @!p0 [sflag:s8], $0x0  }
0x24: {  	s3 =	sadd.s32 $0x88, s3;
	s6 =	simm.s32 @!p1 $0x1082;
	[sflag:s4] =	ssyncset.s32 $0xFFFFF086  }
0x25: {  	[simem:s6], [sflag:s4] =	dma.local [hbm:s3], $0xF7A  }
0x26: {  	[smem:$0x3F9C] =	sst s1;
	(tag) =	ssettag s2;
	_ =	strace s9  }
0x27: {  	s1 =	sld [smem:$0x3FAC]  }
0x28: {  	s2 =	sld [smem:$0x3FAD]  }
0x29: {  	s4 =	sld [smem:$0x3FAF]  }
0x2a: {  	p0 =	seq.s32 s5, $0x0;
	s5 =	sld [smem:$0x3FB0]  }
0x2b: {  	s6 =	sld [smem:$0x3FB1]  }
0x2c: {  	s7 =	sld [smem:$0x3FB2]  }
0x2d: {  	s3 =	simm.s32 $0x108;
	s8 =	sld [smem:$0x3FB3]  }
0x2e: {  	s3 =	simm.s32 @!p0 $0x1082;
	s9 =	sld [smem:$0x3FB4]  }
0x2f: {  	lr =	sadd.s32 s0, s3;
	s0 =	sld [smem:$0x3FAB]  }
0x30: {  	s3 =	sld [smem:$0x3FAE]  }
0x31: {  	[smem:$0x3FB7] =	sst s10  }
0x32: {  	s10 =	sld [smem:$0x3FB5];
	_ =	sdelay $0x3  }
0x33: {  	p0 =	seq.s32 s10, $0x1;
	s10 =	sld [smem:$0x3FB7];
	_ =	sdelay $0x3  }
0x34: {  	[smem:$0x3FB7] =	sst s10  }
0x35: {  	s10 =	sld [smem:$0x3FB6];
	_ =	sdelay $0x3  }
0x36: {  	p1 =	seq.s32 s10, $0x1;
	s10 =	sld [smem:$0x3FB7];
	_ =	sdelay $0x3  }
0x37: {  	[smem:$0x3FB7] =	sst s10  }
0x38: {  	s10 =	sld [smem:$0x3FB8]  }
0x39: {  	_ = 	snop;
	(pc) =	sbr.ind lr, $3  }
0x3a: {  	_ = 	snop  }
0x3b: {  	_ = 	snop  }
0x3c: {  	p2 =	seq.s32 s10, $0x1;
	s10 =	sld [smem:$0x3FB7]  }
0x3d: {  	_ =	shalt  }
0x3e: {  	_ =	shalt  }
0x3f: {  	_ =	shalt  }
0x40: {  	_ =	shalt  }
0x41: {  	_ =	shalt  }
0x42: {  	_ =	shalt  }
0x43: {  	_ =	shalt  }
0x44: {  	_ =	shalt  }
0x45: {  	_ =	shalt  }
0x46: {  	_ =	shalt  }
0x47: {  	_ =	shalt  }
0x48: {  	_ =	shalt  }
0x49: {  	_ =	shalt  }
0x4a: {  	_ =	shalt  }
0x4b: {  	_ =	shalt  }
0x4c: {  	_ =	shalt  }
0x4d: {  	_ =	shalt  }
0x4e: {  	_ =	shalt  }
0x4f: {  	_ =	shalt  }
0x50: {  	_ =	shalt  }
0x51: {  	_ =	shalt  }
0x52: {  	_ =	shalt  }
0x53: {  	_ =	shalt  }
0x54: {  	_ =	shalt  }
0x55: {  	_ =	shalt  }
0x56: {  	_ =	shalt  }
0x57: {  	_ =	shalt  }
0x58: {  	_ =	shalt  }
0x59: {  	_ =	shalt  }
0x5a: {  	_ =	shalt  }
0x5b: {  	_ =	shalt  }
0x5c: {  	_ =	shalt  }
0x5d: {  	_ =	shalt  }
0x5e: {  	_ =	shalt  }
0x5f: {  	_ =	shalt  }
0x60: {  	_ =	shalt  }
0x61: {  	_ =	shalt  }
0x62: {  	_ =	shalt  }
0x63: {  	_ =	shalt  }
0x64: {  	_ =	shalt  }
0x65: {  	_ =	shalt  }
0x66: {  	_ =	shalt  }
0x67: {  	_ =	shalt  }
0x68: {  	_ =	shalt  }
0x69: {  	_ =	shalt  }
0x6a: {  	_ =	shalt  }
0x6b: {  	_ =	shalt  }
0x6c: {  	_ =	shalt  }
0x6d: {  	_ =	shalt  }
0x6e: {  	_ =	shalt  }
0x6f: {  	_ =	shalt  }
0x70: {  	_ =	shalt  }
0x71: {  	_ =	shalt  }
0x72: {  	_ =	shalt  }
0x73: {  	_ =	shalt  }
0x74: {  	_ =	shalt  }
0x75: {  	_ =	shalt  }
0x76: {  	_ =	shalt  }
0x77: {  	_ =	shalt  }
0x78: {  	_ =	shalt  }
0x79: {  	_ =	shalt  }
0x7a: {  	_ =	shalt  }
0x7b: {  	_ =	shalt  }
0x7c: {  	_ =	shalt  }
0x7d: {  	_ =	shalt  }
0x7e: {  	_ =	shalt  }
0x7f: {  	_ =	shalt  }
0x80: {  	_ =	shalt  }
0x81: {  	_ =	shalt  }
0x82: {  	_ =	shalt  }
0x83: {  	_ =	shalt  }
0x84: {  	_ =	shalt  }
0x85: {  	_ =	shalt  }
0x86: {  	_ =	shalt  }
0x87: {  	_ =	shalt  }
.Lfunc_end0:
.L_simem_size_0:
called_computation_lowered:
.L_overlay_start_0:
0x88: {  	s2 =	sld [smem:$0x3FD9]  }
0x89: {  	s3 =	sld [smem:$0x3FFE];
	_ =	sdelay $0x1  }
0x8a: {  	s1 =	srdreg.scid  }
0x8b: {  	s0 =	sand.u32 $0x1, s1  }
0x8c: {  	s17 =	sshll.u32 s0, $0xA;
	s2 =	sadd.s32 s3, s2  }
0x8d: {  	s2 =	sadd.s32 s2, s17  }
0x8e: {  	[smem:$0x3FC3] =	sst s2  }
0x8f: {  	_ = 	snop  }
0x90: {  	s2 =	sld [smem:$0x3FC7]  }
0x91: {  	s18 =	sld [smem:$0x3FD0];
	(tm) =	ssettm $0x1  }
0x92: {  	s4 =	sld [smem:$0x3FFB];
	_ =	sdelay $0x3  }
0x93: {  	_ =	strace s4  }
0x94: {  	s4 =	sld [smem:$0x3FFC];
	_ =	sdelay $0x3  }
0x95: {  	_ =	strace s4  }
0x96: {  	s4 =	sld [smem:$0x3FFD];
	_ =	sdelay $0x3  }
0x97: {  	_ =	strace s4  }
0x98: {  	_ =	strace $0x8FFFFFFF  }
0x99: {  	s19 =	sld [smem:$0x3FDB];
	_ =	sdelay $0x1  }
0x9a: {  	s5 =	simm.s32 $_scs_section_size  }
0x9b: {  	s6 =	simm.s32 $_size__tile_overlayer_lowered;
	s7 =	simm.s32 $_tile_overlayer_lowered  }
0x9c: {  	s22 =	simm.s32 $0x1BFF;
	s21 =	sshll.u32 s7, $0x1;
	s4 =	sadd.s32 s5, s19  }
0x9d: {  	s8 =	simm.s32 $0x0;
	s20 =	sshll.u32 s6, $0x1;
	s6 =	sadd.s32 s21, s4  }
0x9e: {  	[timem:s8], [sflag:s22] =	dma.local [hbm:s6], s20  }
0x9f: {  	_ =	swait.ge [sflag:s22], s20  }
0xa0: {  	s5 =	ssub.s32 $0x0, s20;
	[sflag:s22] =	ssyncset.done $0x0  }
0xa1: {  	[sflag:s22] =	ssyncadd.s32 s5;
	_ =	sdelay $0x1  }
0xa2: {  	s23 =	simm.s32 $0x1B8B  }
0xa3: {  	_ =	swait.ge [sflag:s23], $0x1  }
0xa4: {  	[sflag:s23] =	ssyncset.done $0x0  }
0xa5: {  	s25 =	simm.s32 $0x1B8E;
	s24 =	sld [smem:$0x3FFE];
	[sflag:s23] =	ssyncadd.s32 $0xFFFFFFFF  }
0xa6: {  	s26 =	simm.s32 $execute0_lowered;
	[smem:$0x3FD2] =	sst s25  }
0xa7: {  	s6 =	sshll.u32 s26, $0x1;
	_ =	strace $0x80000046;
	[dreg:$0x1] =	wrdreg $0xFFFFFFFF  }
0xa8: {  	s28 =	simm.s32 $_size_execute0_lowered;
	s4 =	sadd.s32 s4, s6;
	[dreg:$0x0] =	wrdreg $0x0  }
0xa9: {  	s6 =	sshll.u32 s28, $0x1;
	[dreg:$0x2] =	wrdreg s4  }
0xaa: {  	[dreg:$0x3] =	wrdreg s6  }
0xab: {  	[dreg:$0x4] =	wrdreg $0xC0  }
0xac: {  	_ =	task [dreg:s8], $0x5FFFF  }
0xad: {  	[dreg:$0x1] =	wrdreg $0xFFFFFFFF  }
0xae: {  	[dreg:$0x0] =	wrdreg $0x60  }
0xaf: {  	[dreg:$0x2] =	wrdreg s24  }
0xb0: {  	[dreg:$0x3] =	wrdreg s18  }
0xb1: {  	[dreg:$0x4] =	wrdreg s2  }
0xb2: {  	[dreg:$0x5] =	wrdreg $0xCC800  }
0xb3: {  	[dreg:$0x6] =	wrdreg $0xCF000  }
0xb4: {  	[dreg:$0x7] =	wrdreg $0x9  }
0xb5: {  	_ =	task.clear_ibuf [dreg:s8], $0x8FFFF;
	_ =	strace $0x90000046  }
0xb6: {  	s29 =	simm.s32 $0x9;
	_ =	strace $0x80000048  }
0xb7: {  	_ =	swait.ge [sflag:s29], $0x1  }
0xb8: {  	[sflag:s29] =	ssyncadd.s32 $0xFFFFFFFF  }
0xb9: {  	_ =	strace $0x90000048  }
0xba: {  	_ =	sfence  }
0xbb: {  	s30 =	sld [smem:$0x0];
	_ =	sdelay $0x2  }
0xbc: {  	s31 =	sshll.u32 s1, $0xD;
	s1 =	sshrl.u32 s1, $0x2  }
0xbd: {  	s3 =	sand.u32 $0x4000, s31;
	s1 =	sadd.s32 s1, s30  }
0xbe: {  	s0 =	sor.u32 s3, s0;
	s1 =	sshll.u32 s1, $0x11  }
0xbf: {  	s0 =	sor.u32 s1, s0  }
0xc0: {  	s0 =	sadd.s32 $0x8F2B, s0  }
0xc1: {  	[sflag:s0] =	ssyncadd.remote.s32 $0x1  }
0xc2: {  	_ =	sfence.sel $0xFFFF  }
0xc3: {  	[dreg:$0x0] =	wrdreg $0xFFFFFFFF;
	(pc) =	sbr.abs _section_cstart, $3  }
0xc4: {  	[dreg:$0x1] =	wrdreg $0xFFFFFFFF  }
0xc5: {  	_ =	task.clear_ibuf [dreg:s8], $0x2FFFF;
	_ =	strace $0x9FFFFFFF  }
0xc6: {  	(tm) =	ssettm $0x7FFFFFFF  }
0xc7: {  	_ =	shalt  }
tec
execute0_lowered:
.L_overlay_start_1:
0x0: {  	(tag) =	ssettag $0x1  }
0x1: {  	s6 =	rddreg [dreg:$0x0]  }
0x2: {  	s7 =	rddreg [dreg:$0x1];
	s3 =	srdreg.scid  }
0x3: {  	s1 =	stileid.u32;
	s2 =	rddreg [dreg:$0x3]  }
0x4: {  	s4 =	rddreg [dreg:$0x4];
	s18 =	simm.s32 $0x7680;
	s19 =	simm.s32 $0xCC00  }
0x5: {  	s20 =	simm.s32 $0x7B00;
	s21 =	simm.s32 $0xA300;
	s22 =	simm.s32 $0xCB00  }
0x6: {  	s23 =	simm.s32 $0x100;
	s24 =	simm.s32 $0x7A00;
	s25 =	simm.s32 $0x7900  }
0x7: {  	s28 =	simm.s32 $0xCB80;
	s29 =	simm.s32 $0x0;
	s8 =	sand.u32 $0x1, s3  }
0x8: {  	s9 =	smul.u32 $0x280, s1;
	s5 =	sshll.u32 s1, $0x1;
	p0 =	sne.s32 s1, $0x0  }
0x9: {  	s10 =	smul.u32 $0x2800, s8;
	s11 =	sor.u32 s8, s5;
	s5 =	simm.s32 $0x0  }
0xa: {  	s26 =	sshll.u32 s8, $0x4;
	s8 =	ssub.s32 $0x2, s8;
	s12 =	smul.u32 $0x4E2, s11  }
0xb: {  	[smem:$0x7FF] =	sst s5;
	s15 =	smul.u32 $0x500, s11;
	s16 =	sadd.s32 s26, s6  }
0xc: {  	s30 =	sshll.u32 s11, $0x4;
	s31 =	sshrl.u32 s8, $0x1;
	s26 =	simm.s32 $0x80  }
0xd: {  	s10 =	sadd.s32 s9, s10;
	_ =	strace $0x80000047;
	s17 =	ssub.s32 s8, s31  }
0xe: {  	s8 =	sadd.s32 s9, s2;
	s10 =	sshrl.u32 s10, $0x3;
	s13 =	sadd.s32 s12, s6  }
.Ltmp0:
0xf: {  	v0 =	vlaneseq.u32;
	s15 =	sadd.s32 s15, s6;
	s7 =	sadd.s32 s7, s12;
	(pc) =	sbr.rel .LBB2_1-.Ltmp0, $4  }
0x10: {  	v1 =	vimm.f32 $0.0e+00;
	v2 =	vimm.f32 $1.000000000e+00;
	v10 =	vimm.s32 $0x0;
	s14 =	sadd.s32 s10, s6;
	s10 =	sadd.s32 s30, s6;
	s6 =	sadd.s32 $0x2200, s13  }
0x11: {  	vm0 =	vmmov $0x1;
	v3 =	vor.u32 $0x10, v0;
	v4 =	vor.u32 $0x20, v0;
	s11 =	sadd.s32 $0x16C00, s15;
	s13 =	sadd.s32 $0xCA00, s16;
	s16 =	simm.s32 $0x2780  }
0x12: {  	v5 =	vor.u32 $0x30, v0;
	v6 =	vor.u32 $0x40, v0;
	v7 =	vor.u32 $0x50, v0;
	s9 =	sadd.s32 $0x20C00, s10;
	s10 =	sadd.s32 $0xCC00, s15;
	s12 =	sadd.s32 $0xC000, s14  }
0x13: {  	v8 =	vor.u32 $0x60, v0;
	v9 =	vor.u32 $0x70, v0;
	v11 =	vor.u32 $0x2710, v0;
	s14 =	smax.u32 s17, $0x1;
	s15 =	simm.s32 $0x1;
	s17 =	simm.s32 $0x4F00  }
.LBB2_6:
0x14: {  	[sflag:s15] =	ssyncadd.s32 $0xFFFFFF00  }
.LBB2_7:
0x15: {  	[spmem:s4] =	stream.indirect.scatter.add.f32 [tilespmem:s19], [sflag:$0x1], $0x1, s28, s26, $0xb8;
	[tilespmem:$0xCF08] =	vst v63  }
0x16: {  	_ =	swait.ge [sflag:s15], $0x80  }
0x17: {  	[sflag:s15] =	ssyncset.done $0x0  }
0x18: {  	s0 =	sshll.u32 s1, $0x6;
	[sflag:s15] =	ssyncadd.s32 $0xFFFFFF80  }
0x19: {  	s3 =	sshrl.u32 s8, $0x3;
	s0 =	sor.u32 $0x1C01, s0;
	[bflag:$0x0] =	sbarrier.arrive $0xFFFF  }
0x1a: {  	[hbm:s12], [sflag:s0] =	dma.local [spmem:s3], $0x50  }
0x1b: {  	_ =	swait.ge [sflag:s15], $0x50  }
0x1c: {  	s29 =	sadd.s32 $0x1, s29;
	[sflag:s15] =	ssyncset.done $0x0  }
0x1d: {  	p1 =	sne.s32 s29, s14;
	s3 =	sshrl.u32 @!p0 s4, $0x3;
	[sflag:s15] =	ssyncadd.s32 $0xFFFFFFB0  }
0x1e: {  	[hbm:s13], [sflag:s0] =	dma.local @!p0 [spmem:s3], $0x10  }
.Ltmp1:
0x1f: {  	_ = 	snop;
	(pc) =	sbr.rel @!p1 .LBB2_8-.Ltmp1, $4  }
0x20: {  	s0 =	simm.s32 @!p0 $0x1  }
0x21: {  	_ =	swait.ge @!p0 [sflag:s0], $0x10  }
0x22: {  	[sflag:s0] =	ssyncset.done @!p0 $0x0  }
0x23: {  	[sflag:s0] =	ssyncadd.s32 @!p0 $0xFFFFFFF0  }
.LBB2_1:
0x24: {  	s0 =	rddreg [dreg:$0x2]  }
0x25: {  	[tilespmem:s5], [sflag:$0x1] =	stream.linear.gather [hbm4b:s0+s5], $0x2780, $0x38;
	[tilespmem:$0xCF08] =	vst v63  }
0x26: {  	_ =	swait.ge [sflag:s15], $0x2780  }
0x27: {  	[sflag:s15] =	ssyncset.done $0x0  }
0x28: {  	[sflag:s15] =	ssyncadd.s32 $0xFFFFD880  }
0x29: {  	[tilespmem:s16], [sflag:$0x1] =	stream.linear.gather [hbm4b:s6+s5], $0x2710, $0x38;
	[tilespmem:$0xCF08] =	vst v63  }
0x2a: {  	_ =	swait.ge [sflag:s15], $0x2710  }
0x2b: {  	[sflag:s15] =	ssyncset.done $0x0  }
0x2c: {  	[sflag:s15] =	ssyncadd.s32 $0xFFFFD8F0  }
0x2d: {  	[tilespmem:s17], [sflag:$0x1] =	stream.linear.gather [hbm4b:s7+s5], $0x2710, $0x38;
	[tilespmem:$0xCF08] =	vst v63  }
0x2e: {  	_ =	swait.ge [sflag:s15], $0x2710  }
0x2f: {  	[sflag:s15] =	ssyncset.done $0x0  }
0x30: {  	[sflag:s15] =	ssyncadd.s32 $0xFFFFD8F0  }
0x31: {  	[tilespmem:$0x7680] =	vst v1  }
0x32: {  	[tilespmem:$0x7690] =	vst v1  }
0x33: {  	[tilespmem:$0x76A0] =	vst v1  }
0x34: {  	[tilespmem:$0x76B0] =	vst v1  }
0x35: {  	[tilespmem:$0x76C0] =	vst v1  }
0x36: {  	[tilespmem:$0x76D0] =	vst v1  }
0x37: {  	[tilespmem:$0x76E0] =	vst v1  }
0x38: {  	[tilespmem:$0x76F0] =	vst v1  }
0x39: {  	[tilespmem:$0x7700] =	vst v1  }
0x3a: {  	[tilespmem:$0x7710] =	vst v1  }
0x3b: {  	[tilespmem:$0x7720] =	vst v1  }
0x3c: {  	[tilespmem:$0x7730] =	vst v1  }
0x3d: {  	[tilespmem:$0x7740] =	vst v1  }
0x3e: {  	[tilespmem:$0x7750] =	vst v1  }
0x3f: {  	[tilespmem:$0x7760] =	vst v1  }
0x40: {  	[tilespmem:$0x7770] =	vst v1  }
0x41: {  	[tilespmem:$0x7780] =	vst v1  }
0x42: {  	[tilespmem:$0x7790] =	vst v1  }
0x43: {  	[tilespmem:$0x77A0] =	vst v1  }
0x44: {  	[tilespmem:$0x77B0] =	vst v1  }
0x45: {  	[tilespmem:$0x77C0] =	vst v1  }
0x46: {  	[tilespmem:$0x77D0] =	vst v1  }
0x47: {  	[tilespmem:$0x77E0] =	vst v1  }
0x48: {  	[tilespmem:$0x77F0] =	vst v1  }
0x49: {  	[tilespmem:$0x7800] =	vst v1  }
0x4a: {  	[tilespmem:$0x7810] =	vst v1  }
0x4b: {  	[tilespmem:$0x7820] =	vst v1  }
0x4c: {  	[tilespmem:$0x7830] =	vst v1  }
0x4d: {  	[tilespmem:$0x7840] =	vst v1  }
0x4e: {  	[tilespmem:$0x7850] =	vst v1  }
0x4f: {  	[tilespmem:$0x7860] =	vst v1  }
0x50: {  	[tilespmem:$0x7870] =	vst v1  }
0x51: {  	[tilespmem:$0x7880] =	vst v1  }
0x52: {  	[tilespmem:$0x7890] =	vst v1  }
0x53: {  	[tilespmem:$0x78A0] =	vst v1  }
0x54: {  	[tilespmem:$0x78B0] =	vst v1  }
0x55: {  	[tilespmem:$0x78C0] =	vst v1  }
0x56: {  	[tilespmem:$0x78D0] =	vst v1  }
0x57: {  	[tilespmem:$0x78E0] =	vst v1  }
0x58: {  	[tilespmem:$0x78F0] =	vst v1  }
0x59: {  	[tilespmem:$0x7900] =	vst v2  }
0x5a: {  	[tilespmem:$0x7910] =	vst v2  }
0x5b: {  	[tilespmem:$0x7920] =	vst v2  }
0x5c: {  	[tilespmem:$0x7930] =	vst v2  }
0x5d: {  	[tilespmem:$0x7940] =	vst v2  }
0x5e: {  	[tilespmem:$0x7950] =	vst v2  }
0x5f: {  	[tilespmem:$0x7960] =	vst v2  }
0x60: {  	[tilespmem:$0x7970] =	vst v2  }
0x61: {  	[tilespmem:$0x7980] =	vst v2  }
0x62: {  	[tilespmem:$0x7990] =	vst v2  }
0x63: {  	[tilespmem:$0x79A0] =	vst v2  }
0x64: {  	[tilespmem:$0x79B0] =	vst v2  }
0x65: {  	[tilespmem:$0x79C0] =	vst v2  }
0x66: {  	[tilespmem:$0x79D0] =	vst v2  }
0x67: {  	[tilespmem:$0x79E0] =	vst v2  }
0x68: {  	[tilespmem:$0x79F0] =	vst v2  }
0x69: {  	[tilespmem:$0xCC00] =	vst v1  }
0x6a: {  	[tilespmem:$0xCB80] =	vst v0  }
0x6b: {  	[tilespmem:$0xCC10] =	vst v1  }
0x6c: {  	[tilespmem:$0xCB90] =	vst v3  }
0x6d: {  	[tilespmem:$0xCC20] =	vst v1  }
0x6e: {  	[tilespmem:$0xCBA0] =	vst v4  }
0x6f: {  	[tilespmem:$0xCC30] =	vst v1  }
0x70: {  	[tilespmem:$0xCBB0] =	vst v5  }
0x71: {  	[tilespmem:$0xCC40] =	vst v1  }
0x72: {  	[tilespmem:$0xCBC0] =	vst v6  }
0x73: {  	[tilespmem:$0xCC50] =	vst v1  }
0x74: {  	[tilespmem:$0xCBD0] =	vst v7  }
0x75: {  	[tilespmem:$0xCC60] =	vst v1  }
0x76: {  	[tilespmem:$0xCBE0] =	vst v8  }
0x77: {  	[tilespmem:$0xCC70] =	vst v1  }
0x78: {  	[tilespmem:$0xCBF0] =	vst v9  }
0x79: {  	[spmem:s8] =	stream.linear.scatter [tilespmem:s18], [sflag:$0x1], $0x280, $0x38;
	[tilespmem:$0xCF08] =	vst v63  }
0x7a: {  	_ =	swait.ge [sflag:s15], $0x280  }
0x7b: {  	[sflag:s15] =	ssyncset.done $0x0  }
0x7c: {  	s30 =	simm.s32 @!p0 $0xCC00;
	[sflag:s15] =	ssyncadd.s32 $0xFFFFFD80  }
0x7d: {  	[spmem:s4] =	stream.linear.scatter @!p0 [tilespmem:s30], [sflag:$0x1], $0x80, $0x38;
	[tilespmem:$0xCF08] =	vst v63  }
0x7e: {  	s30 =	simm.s32 @!p0 $0x1  }
0x7f: {  	_ =	swait.ge @!p0 [sflag:s30], $0x80  }
0x80: {  	[sflag:s30] =	ssyncset.done @!p0 $0x0  }
0x81: {  	[sflag:s30] =	ssyncadd.s32 @!p0 $0xFFFFFF80  }
0x82: {  	v12 =	vimm.s32 $0x0;
	s30 =	simm.s32 $0x0;
	[bflag:$0x0] =	sbarrier.arrive $0xFFFF  }
.LBB2_2:
0x83: {  	s31 =	sshra.s32 s30, $0x2  }
0x84: {  	v13 =	vld [tilespmem:s31+$0x2780]  }
0x85: {  	v14 =	vld [tilespmem:s31+$0x4F00];
	_ =	sdelay $0x6  }
0x86: {  	v15 =	vld.idx.msk [tilespmem:v13+s5+$0x0], $0xffff  }
0x87: {  	v16 =	vld.idx.msk [tilespmem:v14+s5+$0x0], $0xffff;
	_ =	sdelay $0x4  }
0x88: {  	vm1 =	veq.s32 v15, v16  }
0x89: {  	v16 =	vsel vm1, $0x1, v10  }
0x8a: {  	(xrf0) =	vadd.scan.msk.s32 $0xffff, v16;
	_ =	sdelay $0x5  }
0x8b: {  	v16, _, _ =	vpop (xrf0)  }
0x8c: {  	v16 =	vadd.s32 v16, v12  }
0x8d: {  	v16 =	vadd.s32 $0xFFFFFFFF, v16;
	_ =	sdelay $0x3  }
0x8e: {  	[tilespmem:v15+s19+$0x0] =	vst.idx.msk vm1, v2  }
0x8f: {  	[tilespmem:v16+s20+$0x0] =	vst.idx.msk vm1, v13  }
0x90: {  	[tilespmem:v16+s21+$0x0] =	vst.idx.msk vm1, v14  }
0x91: {  	v13 =	vld [tilespmem:s31+$0x2790]  }
0x92: {  	v14 =	vld [tilespmem:s31+$0x4F10];
	_ =	sdelay $0x6  }
0x93: {  	v15 =	vld.idx.msk [tilespmem:v13+s5+$0x0], $0xffff  }
0x94: {  	v16 =	vld.idx.msk [tilespmem:v14+s5+$0x0], $0xffff;
	_ =	sdelay $0x4  }
0x95: {  	vm2 =	veq.s32 v15, v16  }
0x96: {  	v16 =	vsel vm2, $0x1, v10  }
0x97: {  	(xrf0) =	vadd.scan.msk.s32 $0xffff, v16;
	_ =	sdelay $0x3  }
0x98: {  	v56 =	vmpcnt.ones.xlane vm1;
	_ =	sdelay $0x1  }
0x99: {  	v12 =	vadd.s32 v12, v56;
	v57, _, _ =	vpop (xrf0)  }
0x9a: {  	v16 =	vadd.s32 v57, v12  }
0x9b: {  	v16 =	vadd.s32 $0xFFFFFFFF, v16;
	_ =	sdelay $0x3  }
0x9c: {  	[tilespmem:v15+s19+$0x0] =	vst.idx.msk vm2, v2  }
0x9d: {  	[tilespmem:v16+s20+$0x0] =	vst.idx.msk vm2, v13  }
0x9e: {  	[tilespmem:v16+s21+$0x0] =	vst.idx.msk vm2, v14  }
0x9f: {  	v13 =	vld [tilespmem:s31+$0x27A0]  }
0xa0: {  	v14 =	vld [tilespmem:s31+$0x4F20];
	_ =	sdelay $0x6  }
0xa1: {  	v15 =	vld.idx.msk [tilespmem:v13+s5+$0x0], $0xffff  }
0xa2: {  	v16 =	vld.idx.msk [tilespmem:v14+s5+$0x0], $0xffff;
	_ =	sdelay $0x4  }
0xa3: {  	vm1 =	veq.s32 v15, v16  }
0xa4: {  	v16 =	vsel vm1, $0x1, v10  }
0xa5: {  	(xrf0) =	vadd.scan.msk.s32 $0xffff, v16;
	_ =	sdelay $0x3  }
0xa6: {  	v58 =	vmpcnt.ones.xlane vm2;
	_ =	sdelay $0x1  }
0xa7: {  	v12 =	vadd.s32 v12, v58;
	v59, _, _ =	vpop (xrf0)  }
0xa8: {  	v16 =	vadd.s32 v59, v12  }
0xa9: {  	v16 =	vadd.s32 $0xFFFFFFFF, v16;
	_ =	sdelay $0x3  }
0xaa: {  	[tilespmem:v15+s19+$0x0] =	vst.idx.msk vm1, v2  }
0xab: {  	[tilespmem:v16+s20+$0x0] =	vst.idx.msk vm1, v13  }
0xac: {  	[tilespmem:v16+s21+$0x0] =	vst.idx.msk vm1, v14  }
0xad: {  	v13 =	vld [tilespmem:s31+$0x27B0]  }
0xae: {  	v14 =	vld [tilespmem:s31+$0x4F30];
	_ =	sdelay $0x6  }
0xaf: {  	v15 =	vld.idx.msk [tilespmem:v13+s5+$0x0], $0xffff  }
0xb0: {  	v16 =	vld.idx.msk [tilespmem:v14+s5+$0x0], $0xffff;
	_ =	sdelay $0x4  }
0xb1: {  	vm2 =	veq.s32 v15, v16  }
0xb2: {  	v16 =	vsel vm2, $0x1, v10  }
0xb3: {  	(xrf0) =	vadd.scan.msk.s32 $0xffff, v16;
	_ =	sdelay $0x3  }
0xb4: {  	v60 =	vmpcnt.ones.xlane vm1;
	_ =	sdelay $0x1  }
0xb5: {  	v12 =	vadd.s32 v12, v60;
	v61, _, _ =	vpop (xrf0)  }
0xb6: {  	v16 =	vadd.s32 v61, v12  }
0xb7: {  	v16 =	vadd.s32 $0xFFFFFFFF, v16;
	_ =	sdelay $0x3  }
0xb8: {  	[tilespmem:v15+s19+$0x0] =	vst.idx.msk vm2, v2  }
0xb9: {  	[tilespmem:v16+s20+$0x0] =	vst.idx.msk vm2, v13  }
0xba: {  	[tilespmem:v16+s21+$0x0] =	vst.idx.msk vm2, v14  }
0xbb: {  	v13 =	vld [tilespmem:s31+$0x27C0]  }
0xbc: {  	v14 =	vld [tilespmem:s31+$0x4F40];
	_ =	sdelay $0x6  }
0xbd: {  	v15 =	vld.idx.msk [tilespmem:v13+s5+$0x0], $0xffff  }
0xbe: {  	v16 =	vld.idx.msk [tilespmem:v14+s5+$0x0], $0xffff;
	_ =	sdelay $0x4  }
0xbf: {  	vm1 =	veq.s32 v15, v16  }
0xc0: {  	v16 =	vsel vm1, $0x1, v10  }
0xc1: {  	(xrf0) =	vadd.scan.msk.s32 $0xffff, v16;
	_ =	sdelay $0x3  }
0xc2: {  	v62 =	vmpcnt.ones.xlane vm2;
	_ =	sdelay $0x1  }
0xc3: {  	v12 =	vadd.s32 v12, v62;
	v63, _, _ =	vpop (xrf0)  }
0xc4: {  	v16 =	vadd.s32 v63, v12  }
0xc5: {  	v16 =	vadd.s32 $0xFFFFFFFF, v16  }
0xc6: {  	p1 =	sne.s32 s30, $0x9B00  }
.Ltmp2:
0xc7: {  	_ = 	snop;
	(pc) =	sbr.rel @p1 .LBB2_2-.Ltmp2, $4  }
0xc8: {  	_ = 	snop  }
0xc9: {  	[tilespmem:v15+s19+$0x0] =	vst.idx.msk vm1, v2;
	v15 =	vmpcnt.ones.xlane vm1  }
0xca: {  	[tilespmem:v16+s20+$0x0] =	vst.idx.msk vm1, v13  }
0xcb: {  	s30 =	sadd.s32 $0x140, s30;
	v12 =	vadd.s32 v12, v15;
	[tilespmem:v16+s21+$0x0] =	vst.idx.msk vm1, v14  }
0xcc: {  	v12 =	vnsel vm0, $0x0, v12  }
0xcd: {  	(xrf0) =	vadd.scan.msk.s32 $0xffff, v12;
	_ =	sdelay $0x5  }
0xce: {  	v13, _, _ =	vpop (xrf0)  }
0xcf: {  	(v2sf) =	vpush v13, $0xF;
	_ =	sdelay $0xc  }
0xd0: {  	[tilespmem:$0xCB00] =	vst v12  }
0xd1: {  	[hbm4b:s9+s5] =	stream.linear.scatter [tilespmem:s22], [sflag:$0x1], $0x80, $0x38;
	[tilespmem:$0xCF08] =	vst v63  }
0xd2: {  	s30 =	spop (v2sf)  }
0xd3: {  	s31 =	sadd.s32 $0xFF, s30  }
0xd4: {  	s3 =	sand.u32 $0xFF, s31  }
0xd5: {  	s0 =	sshra.s32 s31, $0x1F;
	p1 =	slt.s32 s31, $0x1;
	p2 =	sne.s32 s3, $0x0  }
0xd6: {  	s0 =	sshrl.u32 s0, $0x18;
	p1 =	por !p1, !p2  }
0xd7: {  	s3 =	simm.s32 $0x1;
	s0 =	sadd.s32 s0, s31;
	p1 =	por !p1, !p1  }
0xd8: {  	v53 =	vbroadcast v13, $0xF;
	s0 =	sshra.s32 s0, $0x8;
	s3 =	simm.s32 @!p1 $0x0  }
0xd9: {  	s31 =	ssub.s32 s0, s3  }
0xda: {  	v12 =	vadd.s32 v0, v53;
	s3 =	sadd.s32 $0x10, s30;
	s0 =	sshll.u32 s31, $0x8  }
0xdb: {  	v54 =	vadd.s32 s3, v0;
	s3 =	sadd.s32 $0x20, s30;
	vm1 =	vlt.s32 v12, s0  }
0xdc: {  	vm2 =	vlt.s32 v54, s0;
	v14 =	vadd.s32 s3, v0;
	s3 =	sadd.s32 $0x30, s30  }
0xdd: {  	vm3 =	vlt.s32 v14, s0;
	v15 =	vadd.s32 s3, v0;
	s3 =	sadd.s32 $0x40, s30  }
0xde: {  	_ =	swait.ge [sflag:s15], $0x80;
	vm4 =	vlt.s32 v15, s0;
	v16 =	vadd.s32 s3, v0;
	s3 =	sadd.s32 $0x50, s30  }
0xdf: {  	[sflag:s15] =	ssyncset.done $0x0;
	vm5 =	vlt.s32 v16, s0;
	v17 =	vadd.s32 s3, v0;
	s3 =	sadd.s32 $0x60, s30  }
0xe0: {  	[sflag:s15] =	ssyncadd.s32 $0xFFFFFF80;
	vm6 =	vlt.s32 v17, s0;
	v18 =	vadd.s32 s3, v0;
	s3 =	sadd.s32 $0x70, s30  }
0xe1: {  	v55 =	vadd.s32 s3, v0;
	s3 =	sadd.s32 $0x80, s30;
	[tilespmem:v12+s21+$0x0] =	vst.idx.msk vm1, v11;
	vm1 =	vlt.s32 v18, s0  }
0xe2: {  	v56 =	vadd.s32 s3, v0;
	s3 =	sadd.s32 $0x90, s30;
	[tilespmem:v54+s21+$0x0] =	vst.idx.msk vm2, v11;
	vm2 =	vlt.s32 v55, s0  }
0xe3: {  	v57 =	vadd.s32 s3, v0;
	s3 =	sadd.s32 $0xA0, s30;
	[tilespmem:v14+s21+$0x0] =	vst.idx.msk vm3, v11;
	vm3 =	vlt.s32 v56, s0  }
0xe4: {  	vm12 =	vlt.s32 v57, s0;
	v58 =	vadd.s32 s3, v0;
	s3 =	sadd.s32 $0xB0, s30;
	[tilespmem:v15+s21+$0x0] =	vst.idx.msk vm4, v11  }
0xe5: {  	vm13 =	vlt.s32 v58, s0;
	v59 =	vadd.s32 s3, v0;
	s3 =	sadd.s32 $0xC0, s30;
	[tilespmem:v16+s21+$0x0] =	vst.idx.msk vm5, v11  }
0xe6: {  	vm14 =	vlt.s32 v59, s0;
	v60 =	vadd.s32 s3, v0;
	s3 =	sadd.s32 $0xD0, s30;
	[tilespmem:v17+s21+$0x0] =	vst.idx.msk vm6, v11  }
0xe7: {  	v61 =	vadd.s32 s3, v0;
	s3 =	sadd.s32 $0xE0, s30;
	[tilespmem:v18+s21+$0x0] =	vst.idx.msk vm1, v11;
	vm1 =	vlt.s32 v60, s0  }
0xe8: {  	v62 =	vadd.s32 s3, v0;
	s3 =	sadd.s32 $0xF0, s30;
	[tilespmem:v55+s21+$0x0] =	vst.idx.msk vm2, v11;
	vm2 =	vlt.s32 v61, s0  }
0xe9: {  	v63 =	vadd.s32 s3, v0;
	[tilespmem:v56+s21+$0x0] =	vst.idx.msk vm3, v11;
	vm3 =	vlt.s32 v62, s0  }
0xea: {  	vm15 =	vlt.s32 v63, s0;
	[tilespmem:v57+s21+$0x0] =	vst.idx.msk vm12, v11  }
0xeb: {  	[tilespmem:v58+s21+$0x0] =	vst.idx.msk vm13, v11  }
0xec: {  	[tilespmem:v59+s21+$0x0] =	vst.idx.msk vm14, v11  }
0xed: {  	[tilespmem:v60+s21+$0x0] =	vst.idx.msk vm1, v11  }
0xee: {  	[tilespmem:v61+s21+$0x0] =	vst.idx.msk vm2, v11  }
0xef: {  	[tilespmem:v62+s21+$0x0] =	vst.idx.msk vm3, v11  }
0xf0: {  	[tilespmem:v63+s21+$0x0] =	vst.idx.msk vm15, v11  }
0xf1: {  	[hbm4b:s10+s5] =	stream.linear.scatter [tilespmem:s20], [sflag:$0x1], $0x2800, $0x38;
	[tilespmem:$0xCF08] =	vst v63  }
0xf2: {  	_ =	swait.ge [sflag:s15], $0x2800  }
0xf3: {  	p1 =	slt.s32 s31, $0x1;
	[sflag:s15] =	ssyncset.done $0x0  }
.Ltmp3:
0xf4: {  	[sflag:s15] =	ssyncadd.s32 $0xFFFFD800;
	(pc) =	sbr.rel @p1 .LBB2_7-.Ltmp3, $4  }
0xf5: {  	[hbm4b:s11+s5] =	stream.linear.scatter [tilespmem:s21], [sflag:$0x1], $0x2800, $0x38;
	[tilespmem:$0xCF08] =	vst v63  }
0xf6: {  	_ =	swait.ge [sflag:s15], $0x2800  }
0xf7: {  	[sflag:s15] =	ssyncset.done $0x0  }
0xf8: {  	s30 =	simm.s32 $0xA380;
	[sflag:s15] =	ssyncadd.s32 $0xFFFFD800  }
0xf9: {  	v12 =	vld [tilespmem:s30+$0xFFFFFF80];
	_ =	sdelay $0x4  }
0xfa: {  	[tilespmem:$0x7A00] =	vst v12  }
0xfb: {  	v12 =	vld [tilespmem:s30+$0xFFFFFF90];
	_ =	sdelay $0x4  }
0xfc: {  	[tilespmem:$0x7A10] =	vst v12  }
0xfd: {  	v12 =	vld [tilespmem:s30+$0xFFFFFFA0];
	_ =	sdelay $0x4  }
0xfe: {  	[tilespmem:$0x7A20] =	vst v12  }
0xff: {  	v12 =	vld [tilespmem:s30+$0xFFFFFFB0];
	_ =	sdelay $0x4  }
0x100: {  	[tilespmem:$0x7A30] =	vst v12  }
0x101: {  	v12 =	vld [tilespmem:s30+$0xFFFFFFC0];
	_ =	sdelay $0x4  }
0x102: {  	[tilespmem:$0x7A40] =	vst v12  }
0x103: {  	v12 =	vld [tilespmem:s30+$0xFFFFFFD0];
	_ =	sdelay $0x4  }
0x104: {  	[tilespmem:$0x7A50] =	vst v12  }
0x105: {  	v12 =	vld [tilespmem:s30+$0xFFFFFFE0];
	_ =	sdelay $0x4  }
0x106: {  	[tilespmem:$0x7A60] =	vst v12  }
0x107: {  	v12 =	vld [tilespmem:s30+$0xFFFFFFF0];
	_ =	sdelay $0x4  }
0x108: {  	[tilespmem:$0x7A70] =	vst v12  }
0x109: {  	v12 =	vld [tilespmem:s30+$0x0];
	_ =	sdelay $0x4  }
0x10a: {  	[tilespmem:$0x7A80] =	vst v12  }
0x10b: {  	v12 =	vld [tilespmem:s30+$0x10];
	_ =	sdelay $0x4  }
0x10c: {  	[tilespmem:$0x7A90] =	vst v12  }
0x10d: {  	v12 =	vld [tilespmem:s30+$0x20];
	_ =	sdelay $0x4  }
0x10e: {  	[tilespmem:$0x7AA0] =	vst v12  }
0x10f: {  	v12 =	vld [tilespmem:s30+$0x30];
	_ =	sdelay $0x4  }
0x110: {  	[tilespmem:$0x7AB0] =	vst v12  }
0x111: {  	v12 =	vld [tilespmem:s30+$0x40];
	_ =	sdelay $0x4  }
0x112: {  	[tilespmem:$0x7AC0] =	vst v12  }
0x113: {  	v12 =	vld [tilespmem:s30+$0x50];
	_ =	sdelay $0x4  }
0x114: {  	[tilespmem:$0x7AD0] =	vst v12  }
0x115: {  	v12 =	vld [tilespmem:s30+$0x60];
	_ =	sdelay $0x4  }
0x116: {  	[tilespmem:$0x7AE0] =	vst v12  }
0x117: {  	v12 =	vld [tilespmem:s30+$0x70];
	_ =	sdelay $0x2  }
0x118: {  	p1 =	sne.s32 s31, $0x1  }
.Ltmp4:
0x119: {  	_ = 	snop;
	(pc) =	sbr.rel @!p1 .LBB2_6-.Ltmp4, $4  }
0x11a: {  	[tilespmem:$0x7AF0] =	vst v12  }
0x11b: {  	[spmem:s2] =	stream.indirect.scatter.add.f32 [tilespmem:s25], [sflag:$0x1], $0x1, s24, s23, $0xb8;
	[tilespmem:$0xCF08] =	vst v63  }
0x11c: {  	_ =	swait.ge [sflag:s15], $0x100  }
0x11d: {  	s31 =	sadd.s32 $0xFFFFFFFF, s31;
	[sflag:s15] =	ssyncset.done $0x0  }
.LBB2_5:
0x11e: {  	p1 =	sne.s32 s31, $0x1;
	[sflag:s15] =	ssyncadd.s32 $0xFFFFFF00;
	s30 =	sadd.s32 $0x100, s30  }
0x11f: {  	s31 =	sadd.s32 $0xFFFFFFFF, s31;
	v12 =	vld [tilespmem:s30+$0xFFFFFF80];
	_ =	sdelay $0x4  }
0x120: {  	[tilespmem:$0x7A00] =	vst v12  }
0x121: {  	v12 =	vld [tilespmem:s30+$0xFFFFFF90];
	_ =	sdelay $0x4  }
0x122: {  	[tilespmem:$0x7A10] =	vst v12  }
0x123: {  	v12 =	vld [tilespmem:s30+$0xFFFFFFA0];
	_ =	sdelay $0x4  }
0x124: {  	[tilespmem:$0x7A20] =	vst v12  }
0x125: {  	v12 =	vld [tilespmem:s30+$0xFFFFFFB0];
	_ =	sdelay $0x4  }
0x126: {  	[tilespmem:$0x7A30] =	vst v12  }
0x127: {  	v12 =	vld [tilespmem:s30+$0xFFFFFFC0];
	_ =	sdelay $0x4  }
0x128: {  	[tilespmem:$0x7A40] =	vst v12  }
0x129: {  	v12 =	vld [tilespmem:s30+$0xFFFFFFD0];
	_ =	sdelay $0x4  }
0x12a: {  	[tilespmem:$0x7A50] =	vst v12  }
0x12b: {  	v12 =	vld [tilespmem:s30+$0xFFFFFFE0];
	_ =	sdelay $0x4  }
0x12c: {  	[tilespmem:$0x7A60] =	vst v12  }
0x12d: {  	v12 =	vld [tilespmem:s30+$0xFFFFFFF0];
	_ =	sdelay $0x4  }
0x12e: {  	[tilespmem:$0x7A70] =	vst v12  }
0x12f: {  	v12 =	vld [tilespmem:s30+$0x0];
	_ =	sdelay $0x4  }
0x130: {  	[tilespmem:$0x7A80] =	vst v12  }
0x131: {  	v12 =	vld [tilespmem:s30+$0x10];
	_ =	sdelay $0x4  }
0x132: {  	[tilespmem:$0x7A90] =	vst v12  }
0x133: {  	v12 =	vld [tilespmem:s30+$0x20];
	_ =	sdelay $0x4  }
0x134: {  	[tilespmem:$0x7AA0] =	vst v12  }
0x135: {  	v12 =	vld [tilespmem:s30+$0x30];
	_ =	sdelay $0x4  }
0x136: {  	[tilespmem:$0x7AB0] =	vst v12  }
0x137: {  	v12 =	vld [tilespmem:s30+$0x40];
	_ =	sdelay $0x4  }
0x138: {  	[tilespmem:$0x7AC0] =	vst v12  }
0x139: {  	v12 =	vld [tilespmem:s30+$0x50];
	_ =	sdelay $0x4  }
0x13a: {  	[tilespmem:$0x7AD0] =	vst v12  }
0x13b: {  	v12 =	vld [tilespmem:s30+$0x60];
	_ =	sdelay $0x4  }
0x13c: {  	[tilespmem:$0x7AE0] =	vst v12  }
0x13d: {  	v12 =	vld [tilespmem:s30+$0x70];
	_ =	sdelay $0x3  }
.Ltmp5:
0x13e: {  	(pc) =	sbr.rel @p1 .LBB2_5-.Ltmp5, $4  }
0x13f: {  	[tilespmem:$0x7AF0] =	vst v12  }
0x140: {  	[spmem:s2] =	stream.indirect.scatter.add.f32 [tilespmem:s25], [sflag:$0x1], $0x1, s24, s23, $0xb8;
	[tilespmem:$0xCF08] =	vst v63  }
0x141: {  	_ =	swait.ge [sflag:s15], $0x100  }
0x142: {  	[sflag:s15] =	ssyncset.done $0x0  }
.Ltmp6:
0x143: {  	_ = 	snop;
	(pc) =	sbr.rel .LBB2_6-.Ltmp6, $1  }
0x144: {  	_ =	sdelay $0x3  }
.LBB2_8:
0x145: {  	_ =	sfence.sel $0x180000  }
0x146: {  	[bflag:$0x0] =	sbarrier.arrive $0xFFFF  }
0x147: {  	_ =	strace $0x90000047  }
0x148: {  	[bflag:$0x2] =	sbarrier.arrive $0xFFFF  }
0x149: {  	s0 =	rddreg [dreg:$0x5]  }
0x14a: {  	s0 =	sadd.s32 @!p0 $0x100000, s0  }
0x14b: {  	[sflag:s0] =	ssyncadd.tile.s32 @!p0 $0x1;
	_ =	shalt  }
.Lfunc_end2:
_tile_overlayer_lowered:
.L_overlay_start_2:
0x14c: {  	(tag) =	ssettag $0x2  }
0x14d: {  	s0 =	rddreg [dreg:$0x0];
	s2 =	stileid.u32  }
0x14e: {  	s1 =	rddreg [dreg:$0x1];
	p0 =	sne.s32 s2, $0x0  }
0x14f: {  	s3 =	rddreg [dreg:$0x2];
	[bflag:$0x3] =	sbarrier.arrive $0xFFFF;
	s2 =	simm.s32 @!p0 $0x1C01  }
0x150: {  	[timem:s3], [sflag:s2] =	dma.local @!p0 [hbm:s0], s1  }
0x151: {  	s0 =	simm.s32 @!p0 $0x1  }
0x152: {  	_ =	swait.ge @!p0 [sflag:s0], s1  }
0x153: {  	s1 =	ssub.s32 @!p0 $0x0, s1;
	[sflag:s0] =	ssyncset.done @!p0 $0x0  }
0x154: {  	[sflag:s0] =	ssyncadd.s32 @!p0 s1  }
0x155: {  	[bflag:$0x3] =	sbarrier.arrive $0xFFFF  }
0x156: {  	_ =	shalt  }

</sc_bundles>
